<compile_context>
chip_gen: v7x
topology: tpu7x:2x2x1
jax: 0.10.2.dev20260603
libtpu: 0.0.44.dev20260713+nightly
codegen_flags: <defaults>
</compile_context>

<pallas_src>
import functools

import jax
import jax.numpy as jnp
from jax import lax
from jax.experimental import pallas as pl
from jax.experimental.pallas import tpu as pltpu
from jax.experimental.pallas import tpu_sc as plsc

MAXLEN = 200
EMBED = 32
BATCH = 4096

NC = 2
NS = 16
NW = NC * NS
LANES = 16

TOTAL = BATCH * MAXLEN
PER_W = TOTAL // NW
CHUNK = 1600
GROUP = 80
NGROUP = CHUNK // GROUP
NCHUNK = PER_W // CHUNK
HALVES = EMBED // LANES

_mesh = plsc.VectorSubcoreMesh(core_axis_name="c", subcore_axis_name="s")


@functools.partial(
    pl.kernel,
    out_type=jax.ShapeDtypeStruct((NW * NCHUNK, CHUNK, EMBED), jnp.float32),
    mesh=_mesh,
    compiler_params=pltpu.CompilerParams(use_tc_tiling_on_sc=False),
    scratch_types=[
        pltpu.VMEM((2, NGROUP, GROUP), jnp.int32),
        pltpu.VMEM((2, CHUNK, EMBED), jnp.float32),
        pltpu.VMEM((MAXLEN, EMBED), jnp.float32),
        pltpu.SemaphoreType.DMA,
        pltpu.SemaphoreType.DMA,
        pltpu.SemaphoreType.DMA,
        pltpu.SemaphoreType.DMA,
    ],
)
def _embed_sc(
    x_hbm, tok_hbm, pos_hbm, out_hbm,
    idx_v, rows_v, pos_v, sem_g0, sem_g1, sem_w0, sem_w1,
):
    wid = lax.axis_index("s") * NC + lax.axis_index("c")
    sem_g = (sem_g0, sem_g1)
    sem_w = (sem_w0, sem_w1)
    pltpu.sync_copy(pos_hbm, pos_v)

    def fire_gathers(j, par):
        pltpu.sync_copy(x_hbm.at[j], idx_v.at[par])
        for g in range(NGROUP):
            pltpu.async_copy(
                tok_hbm.at[idx_v.at[par, g]],
                rows_v.at[par, pl.ds(g * GROUP, GROUP)],
                sem_g[par],
            )

    def drain_gathers(j, par):
        for g in range(NGROUP):
            pltpu.make_async_copy(
                tok_hbm.at[idx_v.at[par, g]],
                rows_v.at[par, pl.ds(g * GROUP, GROUP)],
                sem_g[par],
            ).wait()

    def wait_write(j, par):
        pltpu.make_async_copy(rows_v.at[par], out_hbm.at[j], sem_w[par]).wait()

    fire_gathers(wid * NCHUNK, 0)

    def pair_body(i, _):
        for par in range(2):
            c = 2 * i + par
            j = wid * NCHUNK + c

            @pl.when(c + 1 < NCHUNK)
            def _():
                @pl.when(c >= 1)
                def _():
                    wait_write(j - 1, 1 - par)

                fire_gathers(j + 1, 1 - par)

            drain_gathers(j, par)

            p0 = lax.rem(c * CHUNK, MAXLEN)

            def row_body(r, p):
                p = jnp.where(p >= MAXLEN, p - MAXLEN, p)
                for h in range(HALVES):
                    sl = pl.ds(h * LANES, LANES)
                    plsc.addupdate(rows_v.at[par, r, sl], pos_v[p, sl])
                return p + 1

            lax.fori_loop(0, CHUNK, row_body, p0, unroll=8)
            pltpu.async_copy(rows_v.at[par], out_hbm.at[j], sem_w[par])
        return 0

    lax.fori_loop(0, NCHUNK // 2, pair_body, 0)
    wait_write(wid * NCHUNK + NCHUNK - 2, 0)
    wait_write(wid * NCHUNK + NCHUNK - 1, 1)


def kernel(x, token_table, pos_table):
    xr = x.astype(jnp.int32).reshape(NW * NCHUNK, NGROUP, GROUP)
    out = _embed_sc(xr, token_table, pos_table)
    return out.reshape(BATCH, MAXLEN, EMBED)

# --- scband reference (transcript-rebuilt; emitter-appended) ---
"""Pipeline reference for scband-token-and-position-embedding-84327387890442 (READ-ONLY COPY).

The authoritative reference and input builder live on the scoring server;
editing this copy changes nothing except your own understanding.
"""

import jax, jax.numpy as jnp
import numpy as np

MAXLEN = 200
VOCAB = 1000000
EMBED_DIM = 32
BATCH = 4096


def setup_inputs(seed: int = 0) -> dict:
    key = jax.random.key(seed)
    k1, k2, k3 = jax.random.split(key, 3)
    x = jax.random.randint(k1, (BATCH, MAXLEN), 0, VOCAB, dtype=jnp.int64 if jax.config.jax_enable_x64 else jnp.int32)
    token_table = jax.random.normal(k2, (VOCAB, EMBED_DIM), dtype=jnp.float32) * 0.05
    pos_table = jax.random.normal(k3, (MAXLEN, EMBED_DIM), dtype=jnp.float32) * 0.05
    return {"x": x, "token_table": token_table, "pos_table": pos_table}


def reference(x, token_table, pos_table):
    # positions = range(0, maxlen); pos_emb lookup
    positions = jnp.arange(MAXLEN)
    pos_embedded = jnp.take(pos_table, positions, axis=0)  # [maxlen, d]
    # token embedding lookup
    tok_embedded = jnp.take(token_table, x, axis=0)  # [B, maxlen, d]
    return tok_embedded + pos_embedded[None, :, :]

if __name__ == "__main__":
    import jax
    _d = setup_inputs()
    print(jax.jit(kernel)(*tuple(_d.values())))

</pallas_src>

<mosaic_0001>
#map = affine_map<(d0, d1) -> (0, 0, 0)>
#map1 = affine_map<(d0, d1) -> (0, 0)>
module attributes {stable_mosaic.version = 14 : i64} {
  func.func @_embed_sc(%arg0: i32, %arg1: i32, %arg2: memref<512x20x80xi32, #tpu.memory_space<hbm>>, %arg3: memref<1000000x32xf32, #tpu.memory_space<hbm>>, %arg4: memref<200x32xf32, #tpu.memory_space<hbm>>, %arg5: memref<512x1600x32xf32, #tpu.memory_space<hbm>>, %arg6: memref<2x20x80xi32, #tpu.memory_space<vmem>>, %arg7: memref<2x1600x32xf32, #tpu.memory_space<vmem>>, %arg8: memref<200x32xf32, #tpu.memory_space<vmem>>, %arg9: memref<!tpu.dma_semaphore, #tpu.memory_space<semaphore_mem>>, %arg10: memref<!tpu.dma_semaphore, #tpu.memory_space<semaphore_mem>>, %arg11: memref<!tpu.dma_semaphore, #tpu.memory_space<semaphore_mem>>, %arg12: memref<!tpu.dma_semaphore, #tpu.memory_space<semaphore_mem>>) attributes {dimension_semantics = [#tpu.dimension_semantics<core_parallel>, #tpu.dimension_semantics<subcore_parallel>], iteration_bounds = array<i64: 2, 16>, scalar_prefetch = 0 : i64, scratch_operands = 7 : i64, tpu.core_type = #tpu.core_type<sc_vector_subcore>, window_params = [{transform_indices = #map}, {transform_indices = #map1}, {transform_indices = #map1}, {transform_indices = #map}]} {
    %mul3A = arith.constant 2 : i32
    %mul3A_0 = arith.muli %arg1, %mul3A : i32
    %add3A = arith.addi %mul3A_0, %arg0 : i32
    "tpu.region"() ({
      %run_scoped3A_312 = tpu.sem_alloc : memref<!tpu.dma_semaphore, #tpu.memory_space<semaphore_mem>>
      tpu.enqueue_dma source(%arg4 : memref<200x32xf32, #tpu.memory_space<hbm>>) target(%arg8 : memref<200x32xf32, #tpu.memory_space<vmem>>) target_semaphore(%run_scoped3A_312 : memref<!tpu.dma_semaphore, #tpu.memory_space<semaphore_mem>>)
      tpu.wait_dma2 semaphore(%run_scoped3A_312 : memref<!tpu.dma_semaphore, #tpu.memory_space<semaphore_mem>>) src(%arg4 : memref<200x32xf32, #tpu.memory_space<hbm>>) dst(%arg8 : memref<200x32xf32, #tpu.memory_space<vmem>>)
      tpu.yield
    }) : () -> ()
    %mul3A_1 = arith.constant 16 : i32
    %mul3A_2 = arith.muli %add3A, %mul3A_1 : i32
    %run_scoped3A = arith.constant 0 : i32
    "tpu.region"() ({
      %run_scoped3A_312 = tpu.sem_alloc : memref<!tpu.dma_semaphore, #tpu.memory_space<semaphore_mem>>
      %dma_start3A_313 = arith.constant 0 : i32
      %dma_start3A_314 = arith.constant 0 : i32
      %dma_start3A_315 = tpu.memref_slice %arg6[%run_scoped3A, %dma_start3A_313, %dma_start3A_314] : memref<2x20x80xi32, #tpu.memory_space<vmem>> -> memref<1x20x80xi32, #tpu.memory_space<vmem>>
      %dma_start3A_316 = tpu.memref_squeeze %dma_start3A_315 : memref<1x20x80xi32, #tpu.memory_space<vmem>> -> memref<20x80xi32, #tpu.memory_space<vmem>>
      %dma_start3A_317 = arith.constant 0 : i32
      %dma_start3A_318 = arith.constant 0 : i32
      %dma_start3A_319 = tpu.memref_slice %arg2[%mul3A_2, %dma_start3A_317, %dma_start3A_318] : memref<512x20x80xi32, #tpu.memory_space<hbm>> -> memref<1x20x80xi32, #tpu.memory_space<hbm>>
      %dma_start3A_320 = tpu.memref_squeeze %dma_start3A_319 : memref<1x20x80xi32, #tpu.memory_space<hbm>> -> memref<20x80xi32, #tpu.memory_space<hbm>>
      %dma_start3A_321 = arith.constant 0 : i32
      %dma_start3A_322 = arith.constant 0 : i32
      %dma_start3A_323 = tpu.memref_slice %arg6[%run_scoped3A, %dma_start3A_321, %dma_start3A_322] : memref<2x20x80xi32, #tpu.memory_space<vmem>> -> memref<1x20x80xi32, #tpu.memory_space<vmem>>
      %dma_start3A_324 = tpu.memref_squeeze %dma_start3A_323 : memref<1x20x80xi32, #tpu.memory_space<vmem>> -> memref<20x80xi32, #tpu.memory_space<vmem>>
      %dma_start3A_325 = arith.constant 0 : i32
      %dma_start3A_326 = arith.constant 0 : i32
      %dma_start3A_327 = tpu.memref_slice %arg2[%mul3A_2, %dma_start3A_325, %dma_start3A_326] : memref<512x20x80xi32, #tpu.memory_space<hbm>> -> memref<1x20x80xi32, #tpu.memory_space<hbm>>
      %dma_start3A_328 = tpu.memref_squeeze %dma_start3A_327 : memref<1x20x80xi32, #tpu.memory_space<hbm>> -> memref<20x80xi32, #tpu.memory_space<hbm>>
      tpu.enqueue_dma source(%dma_start3A_328 : memref<20x80xi32, #tpu.memory_space<hbm>>) target(%dma_start3A_324 : memref<20x80xi32, #tpu.memory_space<vmem>>) target_semaphore(%run_scoped3A_312 : memref<!tpu.dma_semaphore, #tpu.memory_space<semaphore_mem>>)
      %dma_wait3A_329 = arith.constant 0 : i32
      %dma_wait3A_330 = arith.constant 0 : i32
      %dma_wait3A_331 = tpu.memref_slice %arg6[%run_scoped3A, %dma_wait3A_329, %dma_wait3A_330] : memref<2x20x80xi32, #tpu.memory_space<vmem>> -> memref<1x20x80xi32, #tpu.memory_space<vmem>>
      %dma_wait3A_332 = tpu.memref_squeeze %dma_wait3A_331 : memref<1x20x80xi32, #tpu.memory_space<vmem>> -> memref<20x80xi32, #tpu.memory_space<vmem>>
      %dma_wait3A_333 = arith.constant 0 : i32
      %dma_wait3A_334 = arith.constant 0 : i32
      %dma_wait3A_335 = tpu.memref_slice %arg2[%mul3A_2, %dma_wait3A_333, %dma_wait3A_334] : memref<512x20x80xi32, #tpu.memory_space<hbm>> -> memref<1x20x80xi32, #tpu.memory_space<hbm>>
      %dma_wait3A_336 = tpu.memref_squeeze %dma_wait3A_335 : memref<1x20x80xi32, #tpu.memory_space<hbm>> -> memref<20x80xi32, #tpu.memory_space<hbm>>
      %dma_wait3A_337 = arith.constant 0 : i32
      %dma_wait3A_338 = arith.constant 0 : i32
      %dma_wait3A_339 = tpu.memref_slice %arg6[%run_scoped3A, %dma_wait3A_337, %dma_wait3A_338] : memref<2x20x80xi32, #tpu.memory_space<vmem>> -> memref<1x20x80xi32, #tpu.memory_space<vmem>>
      %dma_wait3A_340 = tpu.memref_squeeze %dma_wait3A_339 : memref<1x20x80xi32, #tpu.memory_space<vmem>> -> memref<20x80xi32, #tpu.memory_space<vmem>>
      %dma_wait3A_341 = arith.constant 0 : i32
      %dma_wait3A_342 = arith.constant 0 : i32
      %dma_wait3A_343 = tpu.memref_slice %arg2[%mul3A_2, %dma_wait3A_341, %dma_wait3A_342] : memref<512x20x80xi32, #tpu.memory_space<hbm>> -> memref<1x20x80xi32, #tpu.memory_space<hbm>>
      %dma_wait3A_344 = tpu.memref_squeeze %dma_wait3A_343 : memref<1x20x80xi32, #tpu.memory_space<hbm>> -> memref<20x80xi32, #tpu.memory_space<hbm>>
      tpu.wait_dma2 semaphore(%run_scoped3A_312 : memref<!tpu.dma_semaphore, #tpu.memory_space<semaphore_mem>>) src(%dma_wait3A_344 : memref<20x80xi32, #tpu.memory_space<hbm>>) dst(%dma_wait3A_340 : memref<20x80xi32, #tpu.memory_space<vmem>>)
      tpu.yield
    }) : () -> ()
    %dma_start3A = arith.constant 0 : i32
    %dma_start3A_3 = arith.constant 0 : i32
    %dma_start3A_4 = arith.constant 0 : i32
    %dma_start3A_5 = arith.constant 0 : i32
    %dma_start3A_6 = arith.constant 0 : i32
    %dma_start3A_7 = tpu.memref_slice %arg7[%dma_start3A_4, %dma_start3A_5, %dma_start3A_6] : memref<2x1600x32xf32, #tpu.memory_space<vmem>> -> memref<1x80x32xf32, #tpu.memory_space<vmem>>
    %dma_start3A_8 = tpu.memref_squeeze %dma_start3A_7 : memref<1x80x32xf32, #tpu.memory_space<vmem>> -> memref<80x32xf32, #tpu.memory_space<vmem>>
    %dma_start3A_9 = arith.constant 0 : i32
    %dma_start3A_10 = tpu.memref_slice %arg6[%dma_start3A, %dma_start3A_3, %dma_start3A_9] : memref<2x20x80xi32, #tpu.memory_space<vmem>> -> memref<1x1x80xi32, #tpu.memory_space<vmem>>
    %dma_start3A_11 = tpu.memref_squeeze %dma_start3A_10 : memref<1x1x80xi32, #tpu.memory_space<vmem>> -> memref<80xi32, #tpu.memory_space<vmem>>
    %dma_start3A_12 = arith.constant 0 : i32
    %dma_start3A_13 = arith.constant 0 : i32
    %dma_start3A_14 = tpu.memref_slice %arg3[%dma_start3A_12, %dma_start3A_13] : memref<1000000x32xf32, #tpu.memory_space<hbm>> -> memref<1000000x32xf32, #tpu.memory_space<hbm>>
    tpu.enqueue_indirect_dma source(%dma_start3A_14 : memref<1000000x32xf32, #tpu.memory_space<hbm>>) target(%dma_start3A_8 : memref<80x32xf32, #tpu.memory_space<vmem>>) offsets(%dma_start3A_11 : memref<80xi32, #tpu.memory_space<vmem>>) semaphore(%arg9 : memref<!tpu.dma_semaphore, #tpu.memory_space<semaphore_mem>>)
    %dma_start3A_15 = arith.constant 0 : i32
    %dma_start3A_16 = arith.constant 1 : i32
    %dma_start3A_17 = arith.constant 0 : i32
    %dma_start3A_18 = arith.constant 80 : i32
    %dma_start3A_19 = arith.constant 0 : i32
    %dma_start3A_20 = tpu.memref_slice %arg7[%dma_start3A_17, %dma_start3A_18, %dma_start3A_19] : memref<2x1600x32xf32, #tpu.memory_space<vmem>> -> memref<1x80x32xf32, #tpu.memory_space<vmem>>
    %dma_start3A_21 = tpu.memref_squeeze %dma_start3A_20 : memref<1x80x32xf32, #tpu.memory_space<vmem>> -> memref<80x32xf32, #tpu.memory_space<vmem>>
    %dma_start3A_22 = arith.constant 0 : i32
    %dma_start3A_23 = tpu.memref_slice %arg6[%dma_start3A_15, %dma_start3A_16, %dma_start3A_22] : memref<2x20x80xi32, #tpu.memory_space<vmem>> -> memref<1x1x80xi32, #tpu.memory_space<vmem>>
    %dma_start3A_24 = tpu.memref_squeeze %dma_start3A_23 : memref<1x1x80xi32, #tpu.memory_space<vmem>> -> memref<80xi32, #tpu.memory_space<vmem>>
    %dma_start3A_25 = arith.constant 0 : i32
    %dma_start3A_26 = arith.constant 0 : i32
    %dma_start3A_27 = tpu.memref_slice %arg3[%dma_start3A_25, %dma_start3A_26] : memref<1000000x32xf32, #tpu.memory_space<hbm>> -> memref<1000000x32xf32, #tpu.memory_space<hbm>>
    tpu.enqueue_indirect_dma source(%dma_start3A_27 : memref<1000000x32xf32, #tpu.memory_space<hbm>>) target(%dma_start3A_21 : memref<80x32xf32, #tpu.memory_space<vmem>>) offsets(%dma_start3A_24 : memref<80xi32, #tpu.memory_space<vmem>>) semaphore(%arg9 : memref<!tpu.dma_semaphore, #tpu.memory_space<semaphore_mem>>)
    %dma_start3A_28 = arith.constant 0 : i32
    %dma_start3A_29 = arith.constant 2 : i32
    %dma_start3A_30 = arith.constant 0 : i32
    %dma_start3A_31 = arith.constant 160 : i32
    %dma_start3A_32 = arith.constant 0 : i32
    %dma_start3A_33 = tpu.memref_slice %arg7[%dma_start3A_30, %dma_start3A_31, %dma_start3A_32] : memref<2x1600x32xf32, #tpu.memory_space<vmem>> -> memref<1x80x32xf32, #tpu.memory_space<vmem>>
    %dma_start3A_34 = tpu.memref_squeeze %dma_start3A_33 : memref<1x80x32xf32, #tpu.memory_space<vmem>> -> memref<80x32xf32, #tpu.memory_space<vmem>>
    %dma_start3A_35 = arith.constant 0 : i32
    %dma_start3A_36 = tpu.memref_slice %arg6[%dma_start3A_28, %dma_start3A_29, %dma_start3A_35] : memref<2x20x80xi32, #tpu.memory_space<vmem>> -> memref<1x1x80xi32, #tpu.memory_space<vmem>>
    %dma_start3A_37 = tpu.memref_squeeze %dma_start3A_36 : memref<1x1x80xi32, #tpu.memory_space<vmem>> -> memref<80xi32, #tpu.memory_space<vmem>>
    %dma_start3A_38 = arith.constant 0 : i32
    %dma_start3A_39 = arith.constant 0 : i32
    %dma_start3A_40 = tpu.memref_slice %arg3[%dma_start3A_38, %dma_start3A_39] : memref<1000000x32xf32, #tpu.memory_space<hbm>> -> memref<1000000x32xf32, #tpu.memory_space<hbm>>
    tpu.enqueue_indirect_dma source(%dma_start3A_40 : memref<1000000x32xf32, #tpu.memory_space<hbm>>) target(%dma_start3A_34 : memref<80x32xf32, #tpu.memory_space<vmem>>) offsets(%dma_start3A_37 : memref<80xi32, #tpu.memory_space<vmem>>) semaphore(%arg9 : memref<!tpu.dma_semaphore, #tpu.memory_space<semaphore_mem>>)
    %dma_start3A_41 = arith.constant 0 : i32
    %dma_start3A_42 = arith.constant 3 : i32
    %dma_start3A_43 = arith.constant 0 : i32
    %dma_start3A_44 = arith.constant 240 : i32
    %dma_start3A_45 = arith.constant 0 : i32
    %dma_start3A_46 = tpu.memref_slice %arg7[%dma_start3A_43, %dma_start3A_44, %dma_start3A_45] : memref<2x1600x32xf32, #tpu.memory_space<vmem>> -> memref<1x80x32xf32, #tpu.memory_space<vmem>>
    %dma_start3A_47 = tpu.memref_squeeze %dma_start3A_46 : memref<1x80x32xf32, #tpu.memory_space<vmem>> -> memref<80x32xf32, #tpu.memory_space<vmem>>
    %dma_start3A_48 = arith.constant 0 : i32
    %dma_start3A_49 = tpu.memref_slice %arg6[%dma_start3A_41, %dma_start3A_42, %dma_start3A_48] : memref<2x20x80xi32, #tpu.memory_space<vmem>> -> memref<1x1x80xi32, #tpu.memory_space<vmem>>
    %dma_start3A_50 = tpu.memref_squeeze %dma_start3A_49 : memref<1x1x80xi32, #tpu.memory_space<vmem>> -> memref<80xi32, #tpu.memory_space<vmem>>
    %dma_start3A_51 = arith.constant 0 : i32
    %dma_start3A_52 = arith.constant 0 : i32
    %dma_start3A_53 = tpu.memref_slice %arg3[%dma_start3A_51, %dma_start3A_52] : memref<1000000x32xf32, #tpu.memory_space<hbm>> -> memref<1000000x32xf32, #tpu.memory_space<hbm>>
    tpu.enqueue_indirect_dma source(%dma_start3A_53 : memref<1000000x32xf32, #tpu.memory_space<hbm>>) target(%dma_start3A_47 : memref<80x32xf32, #tpu.memory_space<vmem>>) offsets(%dma_start3A_50 : memref<80xi32, #tpu.memory_space<vmem>>) semaphore(%arg9 : memref<!tpu.dma_semaphore, #tpu.memory_space<semaphore_mem>>)
    %dma_start3A_54 = arith.constant 0 : i32
    %dma_start3A_55 = arith.constant 4 : i32
    %dma_start3A_56 = arith.constant 0 : i32
    %dma_start3A_57 = arith.constant 320 : i32
    %dma_start3A_58 = arith.constant 0 : i32
    %dma_start3A_59 = tpu.memref_slice %arg7[%dma_start3A_56, %dma_start3A_57, %dma_start3A_58] : memref<2x1600x32xf32, #tpu.memory_space<vmem>> -> memref<1x80x32xf32, #tpu.memory_space<vmem>>
    %dma_start3A_60 = tpu.memref_squeeze %dma_start3A_59 : memref<1x80x32xf32, #tpu.memory_space<vmem>> -> memref<80x32xf32, #tpu.memory_space<vmem>>
    %dma_start3A_61 = arith.constant 0 : i32
    %dma_start3A_62 = tpu.memref_slice %arg6[%dma_start3A_54, %dma_start3A_55, %dma_start3A_61] : memref<2x20x80xi32, #tpu.memory_space<vmem>> -> memref<1x1x80xi32, #tpu.memory_space<vmem>>
    %dma_start3A_63 = tpu.memref_squeeze %dma_start3A_62 : memref<1x1x80xi32, #tpu.memory_space<vmem>> -> memref<80xi32, #tpu.memory_space<vmem>>
    %dma_start3A_64 = arith.constant 0 : i32
    %dma_start3A_65 = arith.constant 0 : i32
    %dma_start3A_66 = tpu.memref_slice %arg3[%dma_start3A_64, %dma_start3A_65] : memref<1000000x32xf32, #tpu.memory_space<hbm>> -> memref<1000000x32xf32, #tpu.memory_space<hbm>>
    tpu.enqueue_indirect_dma source(%dma_start3A_66 : memref<1000000x32xf32, #tpu.memory_space<hbm>>) target(%dma_start3A_60 : memref<80x32xf32, #tpu.memory_space<vmem>>) offsets(%dma_start3A_63 : memref<80xi32, #tpu.memory_space<vmem>>) semaphore(%arg9 : memref<!tpu.dma_semaphore, #tpu.memory_space<semaphore_mem>>)
    %dma_start3A_67 = arith.constant 0 : i32
    %dma_start3A_68 = arith.constant 5 : i32
    %dma_start3A_69 = arith.constant 0 : i32
    %dma_start3A_70 = arith.constant 400 : i32
    %dma_start3A_71 = arith.constant 0 : i32
    %dma_start3A_72 = tpu.memref_slice %arg7[%dma_start3A_69, %dma_start3A_70, %dma_start3A_71] : memref<2x1600x32xf32, #tpu.memory_space<vmem>> -> memref<1x80x32xf32, #tpu.memory_space<vmem>>
    %dma_start3A_73 = tpu.memref_squeeze %dma_start3A_72 : memref<1x80x32xf32, #tpu.memory_space<vmem>> -> memref<80x32xf32, #tpu.memory_space<vmem>>
    %dma_start3A_74 = arith.constant 0 : i32
    %dma_start3A_75 = tpu.memref_slice %arg6[%dma_start3A_67, %dma_start3A_68, %dma_start3A_74] : memref<2x20x80xi32, #tpu.memory_space<vmem>> -> memref<1x1x80xi32, #tpu.memory_space<vmem>>
    %dma_start3A_76 = tpu.memref_squeeze %dma_start3A_75 : memref<1x1x80xi32, #tpu.memory_space<vmem>> -> memref<80xi32, #tpu.memory_space<vmem>>
    %dma_start3A_77 = arith.constant 0 : i32
    %dma_start3A_78 = arith.constant 0 : i32
    %dma_start3A_79 = tpu.memref_slice %arg3[%dma_start3A_77, %dma_start3A_78] : memref<1000000x32xf32, #tpu.memory_space<hbm>> -> memref<1000000x32xf32, #tpu.memory_space<hbm>>
    tpu.enqueue_indirect_dma source(%dma_start3A_79 : memref<1000000x32xf32, #tpu.memory_space<hbm>>) target(%dma_start3A_73 : memref<80x32xf32, #tpu.memory_space<vmem>>) offsets(%dma_start3A_76 : memref<80xi32, #tpu.memory_space<vmem>>) semaphore(%arg9 : memref<!tpu.dma_semaphore, #tpu.memory_space<semaphore_mem>>)
    %dma_start3A_80 = arith.constant 0 : i32
    %dma_start3A_81 = arith.constant 6 : i32
    %dma_start3A_82 = arith.constant 0 : i32
    %dma_start3A_83 = arith.constant 480 : i32
    %dma_start3A_84 = arith.constant 0 : i32
    %dma_start3A_85 = tpu.memref_slice %arg7[%dma_start3A_82, %dma_start3A_83, %dma_start3A_84] : memref<2x1600x32xf32, #tpu.memory_space<vmem>> -> memref<1x80x32xf32, #tpu.memory_space<vmem>>
    %dma_start3A_86 = tpu.memref_squeeze %dma_start3A_85 : memref<1x80x32xf32, #tpu.memory_space<vmem>> -> memref<80x32xf32, #tpu.memory_space<vmem>>
    %dma_start3A_87 = arith.constant 0 : i32
    %dma_start3A_88 = tpu.memref_slice %arg6[%dma_start3A_80, %dma_start3A_81, %dma_start3A_87] : memref<2x20x80xi32, #tpu.memory_space<vmem>> -> memref<1x1x80xi32, #tpu.memory_space<vmem>>
    %dma_start3A_89 = tpu.memref_squeeze %dma_start3A_88 : memref<1x1x80xi32, #tpu.memory_space<vmem>> -> memref<80xi32, #tpu.memory_space<vmem>>
    %dma_start3A_90 = arith.constant 0 : i32
    %dma_start3A_91 = arith.constant 0 : i32
    %dma_start3A_92 = tpu.memref_slice %arg3[%dma_start3A_90, %dma_start3A_91] : memref<1000000x32xf32, #tpu.memory_space<hbm>> -> memref<1000000x32xf32, #tpu.memory_space<hbm>>
    tpu.enqueue_indirect_dma source(%dma_start3A_92 : memref<1000000x32xf32, #tpu.memory_space<hbm>>) target(%dma_start3A_86 : memref<80x32xf32, #tpu.memory_space<vmem>>) offsets(%dma_start3A_89 : memref<80xi32, #tpu.memory_space<vmem>>) semaphore(%arg9 : memref<!tpu.dma_semaphore, #tpu.memory_space<semaphore_mem>>)
    %dma_start3A_93 = arith.constant 0 : i32
    %dma_start3A_94 = arith.constant 7 : i32
    %dma_start3A_95 = arith.constant 0 : i32
    %dma_start3A_96 = arith.constant 560 : i32
    %dma_start3A_97 = arith.constant 0 : i32
    %dma_start3A_98 = tpu.memref_slice %arg7[%dma_start3A_95, %dma_start3A_96, %dma_start3A_97] : memref<2x1600x32xf32, #tpu.memory_space<vmem>> -> memref<1x80x32xf32, #tpu.memory_space<vmem>>
    %dma_start3A_99 = tpu.memref_squeeze %dma_start3A_98 : memref<1x80x32xf32, #tpu.memory_space<vmem>> -> memref<80x32xf32, #tpu.memory_space<vmem>>
    %dma_start3A_100 = arith.constant 0 : i32
    %dma_start3A_101 = tpu.memref_slice %arg6[%dma_start3A_93, %dma_start3A_94, %dma_start3A_100] : memref<2x20x80xi32, #tpu.memory_space<vmem>> -> memref<1x1x80xi32, #tpu.memory_space<vmem>>
    %dma_start3A_102 = tpu.memref_squeeze %dma_start3A_101 : memref<1x1x80xi32, #tpu.memory_space<vmem>> -> memref<80xi32, #tpu.memory_space<vmem>>
    %dma_start3A_103 = arith.constant 0 : i32
    %dma_start3A_104 = arith.constant 0 : i32
    %dma_start3A_105 = tpu.memref_slice %arg3[%dma_start3A_103, %dma_start3A_104] : memref<1000000x32xf32, #tpu.memory_space<hbm>> -> memref<1000000x32xf32, #tpu.memory_space<hbm>>
    tpu.enqueue_indirect_dma source(%dma_start3A_105 : memref<1000000x32xf32, #tpu.memory_space<hbm>>) target(%dma_start3A_99 : memref<80x32xf32, #tpu.memory_space<vmem>>) offsets(%dma_start3A_102 : memref<80xi32, #tpu.memory_space<vmem>>) semaphore(%arg9 : memref<!tpu.dma_semaphore, #tpu.memory_space<semaphore_mem>>)
    %dma_start3A_106 = arith.constant 0 : i32
    %dma_start3A_107 = arith.constant 8 : i32
    %dma_start3A_108 = arith.constant 0 : i32
    %dma_start3A_109 = arith.constant 640 : i32
    %dma_start3A_110 = arith.constant 0 : i32
    %dma_start3A_111 = tpu.memref_slice %arg7[%dma_start3A_108, %dma_start3A_109, %dma_start3A_110] : memref<2x1600x32xf32, #tpu.memory_space<vmem>> -> memref<1x80x32xf32, #tpu.memory_space<vmem>>
    %dma_start3A_112 = tpu.memref_squeeze %dma_start3A_111 : memref<1x80x32xf32, #tpu.memory_space<vmem>> -> memref<80x32xf32, #tpu.memory_space<vmem>>
    %dma_start3A_113 = arith.constant 0 : i32
    %dma_start3A_114 = tpu.memref_slice %arg6[%dma_start3A_106, %dma_start3A_107, %dma_start3A_113] : memref<2x20x80xi32, #tpu.memory_space<vmem>> -> memref<1x1x80xi32, #tpu.memory_space<vmem>>
    %dma_start3A_115 = tpu.memref_squeeze %dma_start3A_114 : memref<1x1x80xi32, #tpu.memory_space<vmem>> -> memref<80xi32, #tpu.memory_space<vmem>>
    %dma_start3A_116 = arith.constant 0 : i32
    %dma_start3A_117 = arith.constant 0 : i32
    %dma_start3A_118 = tpu.memref_slice %arg3[%dma_start3A_116, %dma_start3A_117] : memref<1000000x32xf32, #tpu.memory_space<hbm>> -> memref<1000000x32xf32, #tpu.memory_space<hbm>>
    tpu.enqueue_indirect_dma source(%dma_start3A_118 : memref<1000000x32xf32, #tpu.memory_space<hbm>>) target(%dma_start3A_112 : memref<80x32xf32, #tpu.memory_space<vmem>>) offsets(%dma_start3A_115 : memref<80xi32, #tpu.memory_space<vmem>>) semaphore(%arg9 : memref<!tpu.dma_semaphore, #tpu.memory_space<semaphore_mem>>)
    %dma_start3A_119 = arith.constant 0 : i32
    %dma_start3A_120 = arith.constant 9 : i32
    %dma_start3A_121 = arith.constant 0 : i32
    %dma_start3A_122 = arith.constant 720 : i32
    %dma_start3A_123 = arith.constant 0 : i32
    %dma_start3A_124 = tpu.memref_slice %arg7[%dma_start3A_121, %dma_start3A_122, %dma_start3A_123] : memref<2x1600x32xf32, #tpu.memory_space<vmem>> -> memref<1x80x32xf32, #tpu.memory_space<vmem>>
    %dma_start3A_125 = tpu.memref_squeeze %dma_start3A_124 : memref<1x80x32xf32, #tpu.memory_space<vmem>> -> memref<80x32xf32, #tpu.memory_space<vmem>>
    %dma_start3A_126 = arith.constant 0 : i32
    %dma_start3A_127 = tpu.memref_slice %arg6[%dma_start3A_119, %dma_start3A_120, %dma_start3A_126] : memref<2x20x80xi32, #tpu.memory_space<vmem>> -> memref<1x1x80xi32, #tpu.memory_space<vmem>>
    %dma_start3A_128 = tpu.memref_squeeze %dma_start3A_127 : memref<1x1x80xi32, #tpu.memory_space<vmem>> -> memref<80xi32, #tpu.memory_space<vmem>>
    %dma_start3A_129 = arith.constant 0 : i32
    %dma_start3A_130 = arith.constant 0 : i32
    %dma_start3A_131 = tpu.memref_slice %arg3[%dma_start3A_129, %dma_start3A_130] : memref<1000000x32xf32, #tpu.memory_space<hbm>> -> memref<1000000x32xf32, #tpu.memory_space<hbm>>
    tpu.enqueue_indirect_dma source(%dma_start3A_131 : memref<1000000x32xf32, #tpu.memory_space<hbm>>) target(%dma_start3A_125 : memref<80x32xf32, #tpu.memory_space<vmem>>) offsets(%dma_start3A_128 : memref<80xi32, #tpu.memory_space<vmem>>) semaphore(%arg9 : memref<!tpu.dma_semaphore, #tpu.memory_space<semaphore_mem>>)
    %dma_start3A_132 = arith.constant 0 : i32
    %dma_start3A_133 = arith.constant 10 : i32
    %dma_start3A_134 = arith.constant 0 : i32
    %dma_start3A_135 = arith.constant 800 : i32
    %dma_start3A_136 = arith.constant 0 : i32
    %dma_start3A_137 = tpu.memref_slice %arg7[%dma_start3A_134, %dma_start3A_135, %dma_start3A_136] : memref<2x1600x32xf32, #tpu.memory_space<vmem>> -> memref<1x80x32xf32, #tpu.memory_space<vmem>>
    %dma_start3A_138 = tpu.memref_squeeze %dma_start3A_137 : memref<1x80x32xf32, #tpu.memory_space<vmem>> -> memref<80x32xf32, #tpu.memory_space<vmem>>
    %dma_start3A_139 = arith.constant 0 : i32
    %dma_start3A_140 = tpu.memref_slice %arg6[%dma_start3A_132, %dma_start3A_133, %dma_start3A_139] : memref<2x20x80xi32, #tpu.memory_space<vmem>> -> memref<1x1x80xi32, #tpu.memory_space<vmem>>
    %dma_start3A_141 = tpu.memref_squeeze %dma_start3A_140 : memref<1x1x80xi32, #tpu.memory_space<vmem>> -> memref<80xi32, #tpu.memory_space<vmem>>
    %dma_start3A_142 = arith.constant 0 : i32
    %dma_start3A_143 = arith.constant 0 : i32
    %dma_start3A_144 = tpu.memref_slice %arg3[%dma_start3A_142, %dma_start3A_143] : memref<1000000x32xf32, #tpu.memory_space<hbm>> -> memref<1000000x32xf32, #tpu.memory_space<hbm>>
    tpu.enqueue_indirect_dma source(%dma_start3A_144 : memref<1000000x32xf32, #tpu.memory_space<hbm>>) target(%dma_start3A_138 : memref<80x32xf32, #tpu.memory_space<vmem>>) offsets(%dma_start3A_141 : memref<80xi32, #tpu.memory_space<vmem>>) semaphore(%arg9 : memref<!tpu.dma_semaphore, #tpu.memory_space<semaphore_mem>>)
    %dma_start3A_145 = arith.constant 0 : i32
    %dma_start3A_146 = arith.constant 11 : i32
    %dma_start3A_147 = arith.constant 0 : i32
    %dma_start3A_148 = arith.constant 880 : i32
    %dma_start3A_149 = arith.constant 0 : i32
    %dma_start3A_150 = tpu.memref_slice %arg7[%dma_start3A_147, %dma_start3A_148, %dma_start3A_149] : memref<2x1600x32xf32, #tpu.memory_space<vmem>> -> memref<1x80x32xf32, #tpu.memory_space<vmem>>
    %dma_start3A_151 = tpu.memref_squeeze %dma_start3A_150 : memref<1x80x32xf32, #tpu.memory_space<vmem>> -> memref<80x32xf32, #tpu.memory_space<vmem>>
    %dma_start3A_152 = arith.constant 0 : i32
    %dma_start3A_153 = tpu.memref_slice %arg6[%dma_start3A_145, %dma_start3A_146, %dma_start3A_152] : memref<2x20x80xi32, #tpu.memory_space<vmem>> -> memref<1x1x80xi32, #tpu.memory_space<vmem>>
    %dma_start3A_154 = tpu.memref_squeeze %dma_start3A_153 : memref<1x1x80xi32, #tpu.memory_space<vmem>> -> memref<80xi32, #tpu.memory_space<vmem>>
    %dma_start3A_155 = arith.constant 0 : i32
    %dma_start3A_156 = arith.constant 0 : i32
    %dma_start3A_157 = tpu.memref_slice %arg3[%dma_start3A_155, %dma_start3A_156] : memref<1000000x32xf32, #tpu.memory_space<hbm>> -> memref<1000000x32xf32, #tpu.memory_space<hbm>>
    tpu.enqueue_indirect_dma source(%dma_start3A_157 : memref<1000000x32xf32, #tpu.memory_space<hbm>>) target(%dma_start3A_151 : memref<80x32xf32, #tpu.memory_space<vmem>>) offsets(%dma_start3A_154 : memref<80xi32, #tpu.memory_space<vmem>>) semaphore(%arg9 : memref<!tpu.dma_semaphore, #tpu.memory_space<semaphore_mem>>)
    %dma_start3A_158 = arith.constant 0 : i32
    %dma_start3A_159 = arith.constant 12 : i32
    %dma_start3A_160 = arith.constant 0 : i32
    %dma_start3A_161 = arith.constant 960 : i32
    %dma_start3A_162 = arith.constant 0 : i32
    %dma_start3A_163 = tpu.memref_slice %arg7[%dma_start3A_160, %dma_start3A_161, %dma_start3A_162] : memref<2x1600x32xf32, #tpu.memory_space<vmem>> -> memref<1x80x32xf32, #tpu.memory_space<vmem>>
    %dma_start3A_164 = tpu.memref_squeeze %dma_start3A_163 : memref<1x80x32xf32, #tpu.memory_space<vmem>> -> memref<80x32xf32, #tpu.memory_space<vmem>>
    %dma_start3A_165 = arith.constant 0 : i32
    %dma_start3A_166 = tpu.memref_slice %arg6[%dma_start3A_158, %dma_start3A_159, %dma_start3A_165] : memref<2x20x80xi32, #tpu.memory_space<vmem>> -> memref<1x1x80xi32, #tpu.memory_space<vmem>>
    %dma_start3A_167 = tpu.memref_squeeze %dma_start3A_166 : memref<1x1x80xi32, #tpu.memory_space<vmem>> -> memref<80xi32, #tpu.memory_space<vmem>>
    %dma_start3A_168 = arith.constant 0 : i32
    %dma_start3A_169 = arith.constant 0 : i32
    %dma_start3A_170 = tpu.memref_slice %arg3[%dma_start3A_168, %dma_start3A_169] : memref<1000000x32xf32, #tpu.memory_space<hbm>> -> memref<1000000x32xf32, #tpu.memory_space<hbm>>
    tpu.enqueue_indirect_dma source(%dma_start3A_170 : memref<1000000x32xf32, #tpu.memory_space<hbm>>) target(%dma_start3A_164 : memref<80x32xf32, #tpu.memory_space<vmem>>) offsets(%dma_start3A_167 : memref<80xi32, #tpu.memory_space<vmem>>) semaphore(%arg9 : memref<!tpu.dma_semaphore, #tpu.memory_space<semaphore_mem>>)
    %dma_start3A_171 = arith.constant 0 : i32
    %dma_start3A_172 = arith.constant 13 : i32
    %dma_start3A_173 = arith.constant 0 : i32
    %dma_start3A_174 = arith.constant 1040 : i32
    %dma_start3A_175 = arith.constant 0 : i32
    %dma_start3A_176 = tpu.memref_slice %arg7[%dma_start3A_173, %dma_start3A_174, %dma_start3A_175] : memref<2x1600x32xf32, #tpu.memory_space<vmem>> -> memref<1x80x32xf32, #tpu.memory_space<vmem>>
    %dma_start3A_177 = tpu.memref_squeeze %dma_start3A_176 : memref<1x80x32xf32, #tpu.memory_space<vmem>> -> memref<80x32xf32, #tpu.memory_space<vmem>>
    %dma_start3A_178 = arith.constant 0 : i32
    %dma_start3A_179 = tpu.memref_slice %arg6[%dma_start3A_171, %dma_start3A_172, %dma_start3A_178] : memref<2x20x80xi32, #tpu.memory_space<vmem>> -> memref<1x1x80xi32, #tpu.memory_space<vmem>>
    %dma_start3A_180 = tpu.memref_squeeze %dma_start3A_179 : memref<1x1x80xi32, #tpu.memory_space<vmem>> -> memref<80xi32, #tpu.memory_space<vmem>>
    %dma_start3A_181 = arith.constant 0 : i32
    %dma_start3A_182 = arith.constant 0 : i32
    %dma_start3A_183 = tpu.memref_slice %arg3[%dma_start3A_181, %dma_start3A_182] : memref<1000000x32xf32, #tpu.memory_space<hbm>> -> memref<1000000x32xf32, #tpu.memory_space<hbm>>
    tpu.enqueue_indirect_dma source(%dma_start3A_183 : memref<1000000x32xf32, #tpu.memory_space<hbm>>) target(%dma_start3A_177 : memref<80x32xf32, #tpu.memory_space<vmem>>) offsets(%dma_start3A_180 : memref<80xi32, #tpu.memory_space<vmem>>) semaphore(%arg9 : memref<!tpu.dma_semaphore, #tpu.memory_space<semaphore_mem>>)
    %dma_start3A_184 = arith.constant 0 : i32
    %dma_start3A_185 = arith.constant 14 : i32
    %dma_start3A_186 = arith.constant 0 : i32
    %dma_start3A_187 = arith.constant 1120 : i32
    %dma_start3A_188 = arith.constant 0 : i32
    %dma_start3A_189 = tpu.memref_slice %arg7[%dma_start3A_186, %dma_start3A_187, %dma_start3A_188] : memref<2x1600x32xf32, #tpu.memory_space<vmem>> -> memref<1x80x32xf32, #tpu.memory_space<vmem>>
    %dma_start3A_190 = tpu.memref_squeeze %dma_start3A_189 : memref<1x80x32xf32, #tpu.memory_space<vmem>> -> memref<80x32xf32, #tpu.memory_space<vmem>>
    %dma_start3A_191 = arith.constant 0 : i32
    %dma_start3A_192 = tpu.memref_slice %arg6[%dma_start3A_184, %dma_start3A_185, %dma_start3A_191] : memref<2x20x80xi32, #tpu.memory_space<vmem>> -> memref<1x1x80xi32, #tpu.memory_space<vmem>>
    %dma_start3A_193 = tpu.memref_squeeze %dma_start3A_192 : memref<1x1x80xi32, #tpu.memory_space<vmem>> -> memref<80xi32, #tpu.memory_space<vmem>>
    %dma_start3A_194 = arith.constant 0 : i32
    %dma_start3A_195 = arith.constant 0 : i32
    %dma_start3A_196 = tpu.memref_slice %arg3[%dma_start3A_194, %dma_start3A_195] : memref<1000000x32xf32, #tpu.memory_space<hbm>> -> memref<1000000x32xf32, #tpu.memory_space<hbm>>
    tpu.enqueue_indirect_dma source(%dma_start3A_196 : memref<1000000x32xf32, #tpu.memory_space<hbm>>) target(%dma_start3A_190 : memref<80x32xf32, #tpu.memory_space<vmem>>) offsets(%dma_start3A_193 : memref<80xi32, #tpu.memory_space<vmem>>) semaphore(%arg9 : memref<!tpu.dma_semaphore, #tpu.memory_space<semaphore_mem>>)
    %dma_start3A_197 = arith.constant 0 : i32
    %dma_start3A_198 = arith.constant 15 : i32
    %dma_start3A_199 = arith.constant 0 : i32
    %dma_start3A_200 = arith.constant 1200 : i32
    %dma_start3A_201 = arith.constant 0 : i32
    %dma_start3A_202 = tpu.memref_slice %arg7[%dma_start3A_199, %dma_start3A_200, %dma_start3A_201] : memref<2x1600x32xf32, #tpu.memory_space<vmem>> -> memref<1x80x32xf32, #tpu.memory_space<vmem>>
    %dma_start3A_203 = tpu.memref_squeeze %dma_start3A_202 : memref<1x80x32xf32, #tpu.memory_space<vmem>> -> memref<80x32xf32, #tpu.memory_space<vmem>>
    %dma_start3A_204 = arith.constant 0 : i32
    %dma_start3A_205 = tpu.memref_slice %arg6[%dma_start3A_197, %dma_start3A_198, %dma_start3A_204] : memref<2x20x80xi32, #tpu.memory_space<vmem>> -> memref<1x1x80xi32, #tpu.memory_space<vmem>>
    %dma_start3A_206 = tpu.memref_squeeze %dma_start3A_205 : memref<1x1x80xi32, #tpu.memory_space<vmem>> -> memref<80xi32, #tpu.memory_space<vmem>>
    %dma_start3A_207 = arith.constant 0 : i32
    %dma_start3A_208 = arith.constant 0 : i32
    %dma_start3A_209 = tpu.memref_slice %arg3[%dma_start3A_207, %dma_start3A_208] : memref<1000000x32xf32, #tpu.memory_space<hbm>> -> memref<1000000x32xf32, #tpu.memory_space<hbm>>
    tpu.enqueue_indirect_dma source(%dma_start3A_209 : memref<1000000x32xf32, #tpu.memory_space<hbm>>) target(%dma_start3A_203 : memref<80x32xf32, #tpu.memory_space<vmem>>) offsets(%dma_start3A_206 : memref<80xi32, #tpu.memory_space<vmem>>) semaphore(%arg9 : memref<!tpu.dma_semaphore, #tpu.memory_space<semaphore_mem>>)
    %dma_start3A_210 = arith.constant 0 : i32
    %dma_start3A_211 = arith.constant 16 : i32
    %dma_start3A_212 = arith.constant 0 : i32
    %dma_start3A_213 = arith.constant 1280 : i32
    %dma_start3A_214 = arith.constant 0 : i32
    %dma_start3A_215 = tpu.memref_slice %arg7[%dma_start3A_212, %dma_start3A_213, %dma_start3A_214] : memref<2x1600x32xf32, #tpu.memory_space<vmem>> -> memref<1x80x32xf32, #tpu.memory_space<vmem>>
    %dma_start3A_216 = tpu.memref_squeeze %dma_start3A_215 : memref<1x80x32xf32, #tpu.memory_space<vmem>> -> memref<80x32xf32, #tpu.memory_space<vmem>>
    %dma_start3A_217 = arith.constant 0 : i32
    %dma_start3A_218 = tpu.memref_slice %arg6[%dma_start3A_210, %dma_start3A_211, %dma_start3A_217] : memref<2x20x80xi32, #tpu.memory_space<vmem>> -> memref<1x1x80xi32, #tpu.memory_space<vmem>>
    %dma_start3A_219 = tpu.memref_squeeze %dma_start3A_218 : memref<1x1x80xi32, #tpu.memory_space<vmem>> -> memref<80xi32, #tpu.memory_space<vmem>>
    %dma_start3A_220 = arith.constant 0 : i32
    %dma_start3A_221 = arith.constant 0 : i32
    %dma_start3A_222 = tpu.memref_slice %arg3[%dma_start3A_220, %dma_start3A_221] : memref<1000000x32xf32, #tpu.memory_space<hbm>> -> memref<1000000x32xf32, #tpu.memory_space<hbm>>
    tpu.enqueue_indirect_dma source(%dma_start3A_222 : memref<1000000x32xf32, #tpu.memory_space<hbm>>) target(%dma_start3A_216 : memref<80x32xf32, #tpu.memory_space<vmem>>) offsets(%dma_start3A_219 : memref<80xi32, #tpu.memory_space<vmem>>) semaphore(%arg9 : memref<!tpu.dma_semaphore, #tpu.memory_space<semaphore_mem>>)
    %dma_start3A_223 = arith.constant 0 : i32
    %dma_start3A_224 = arith.constant 17 : i32
    %dma_start3A_225 = arith.constant 0 : i32
    %dma_start3A_226 = arith.constant 1360 : i32
    %dma_start3A_227 = arith.constant 0 : i32
    %dma_start3A_228 = tpu.memref_slice %arg7[%dma_start3A_225, %dma_start3A_226, %dma_start3A_227] : memref<2x1600x32xf32, #tpu.memory_space<vmem>> -> memref<1x80x32xf32, #tpu.memory_space<vmem>>
    %dma_start3A_229 = tpu.memref_squeeze %dma_start3A_228 : memref<1x80x32xf32, #tpu.memory_space<vmem>> -> memref<80x32xf32, #tpu.memory_space<vmem>>
    %dma_start3A_230 = arith.constant 0 : i32
    %dma_start3A_231 = tpu.memref_slice %arg6[%dma_start3A_223, %dma_start3A_224, %dma_start3A_230] : memref<2x20x80xi32, #tpu.memory_space<vmem>> -> memref<1x1x80xi32, #tpu.memory_space<vmem>>
    %dma_start3A_232 = tpu.memref_squeeze %dma_start3A_231 : memref<1x1x80xi32, #tpu.memory_space<vmem>> -> memref<80xi32, #tpu.memory_space<vmem>>
    %dma_start3A_233 = arith.constant 0 : i32
    %dma_start3A_234 = arith.constant 0 : i32
    %dma_start3A_235 = tpu.memref_slice %arg3[%dma_start3A_233, %dma_start3A_234] : memref<1000000x32xf32, #tpu.memory_space<hbm>> -> memref<1000000x32xf32, #tpu.memory_space<hbm>>
    tpu.enqueue_indirect_dma source(%dma_start3A_235 : memref<1000000x32xf32, #tpu.memory_space<hbm>>) target(%dma_start3A_229 : memref<80x32xf32, #tpu.memory_space<vmem>>) offsets(%dma_start3A_232 : memref<80xi32, #tpu.memory_space<vmem>>) semaphore(%arg9 : memref<!tpu.dma_semaphore, #tpu.memory_space<semaphore_mem>>)
    %dma_start3A_236 = arith.constant 0 : i32
    %dma_start3A_237 = arith.constant 18 : i32
    %dma_start3A_238 = arith.constant 0 : i32
    %dma_start3A_239 = arith.constant 1440 : i32
    %dma_start3A_240 = arith.constant 0 : i32
    %dma_start3A_241 = tpu.memref_slice %arg7[%dma_start3A_238, %dma_start3A_239, %dma_start3A_240] : memref<2x1600x32xf32, #tpu.memory_space<vmem>> -> memref<1x80x32xf32, #tpu.memory_space<vmem>>
    %dma_start3A_242 = tpu.memref_squeeze %dma_start3A_241 : memref<1x80x32xf32, #tpu.memory_space<vmem>> -> memref<80x32xf32, #tpu.memory_space<vmem>>
    %dma_start3A_243 = arith.constant 0 : i32
    %dma_start3A_244 = tpu.memref_slice %arg6[%dma_start3A_236, %dma_start3A_237, %dma_start3A_243] : memref<2x20x80xi32, #tpu.memory_space<vmem>> -> memref<1x1x80xi32, #tpu.memory_space<vmem>>
    %dma_start3A_245 = tpu.memref_squeeze %dma_start3A_244 : memref<1x1x80xi32, #tpu.memory_space<vmem>> -> memref<80xi32, #tpu.memory_space<vmem>>
    %dma_start3A_246 = arith.constant 0 : i32
    %dma_start3A_247 = arith.constant 0 : i32
    %dma_start3A_248 = tpu.memref_slice %arg3[%dma_start3A_246, %dma_start3A_247] : memref<1000000x32xf32, #tpu.memory_space<hbm>> -> memref<1000000x32xf32, #tpu.memory_space<hbm>>
    tpu.enqueue_indirect_dma source(%dma_start3A_248 : memref<1000000x32xf32, #tpu.memory_space<hbm>>) target(%dma_start3A_242 : memref<80x32xf32, #tpu.memory_space<vmem>>) offsets(%dma_start3A_245 : memref<80xi32, #tpu.memory_space<vmem>>) semaphore(%arg9 : memref<!tpu.dma_semaphore, #tpu.memory_space<semaphore_mem>>)
    %dma_start3A_249 = arith.constant 0 : i32
    %dma_start3A_250 = arith.constant 19 : i32
    %dma_start3A_251 = arith.constant 0 : i32
    %dma_start3A_252 = arith.constant 1520 : i32
    %dma_start3A_253 = arith.constant 0 : i32
    %dma_start3A_254 = tpu.memref_slice %arg7[%dma_start3A_251, %dma_start3A_252, %dma_start3A_253] : memref<2x1600x32xf32, #tpu.memory_space<vmem>> -> memref<1x80x32xf32, #tpu.memory_space<vmem>>
    %dma_start3A_255 = tpu.memref_squeeze %dma_start3A_254 : memref<1x80x32xf32, #tpu.memory_space<vmem>> -> memref<80x32xf32, #tpu.memory_space<vmem>>
    %dma_start3A_256 = arith.constant 0 : i32
    %dma_start3A_257 = tpu.memref_slice %arg6[%dma_start3A_249, %dma_start3A_250, %dma_start3A_256] : memref<2x20x80xi32, #tpu.memory_space<vmem>> -> memref<1x1x80xi32, #tpu.memory_space<vmem>>
    %dma_start3A_258 = tpu.memref_squeeze %dma_start3A_257 : memref<1x1x80xi32, #tpu.memory_space<vmem>> -> memref<80xi32, #tpu.memory_space<vmem>>
    %dma_start3A_259 = arith.constant 0 : i32
    %dma_start3A_260 = arith.constant 0 : i32
    %dma_start3A_261 = tpu.memref_slice %arg3[%dma_start3A_259, %dma_start3A_260] : memref<1000000x32xf32, #tpu.memory_space<hbm>> -> memref<1000000x32xf32, #tpu.memory_space<hbm>>
    tpu.enqueue_indirect_dma source(%dma_start3A_261 : memref<1000000x32xf32, #tpu.memory_space<hbm>>) target(%dma_start3A_255 : memref<80x32xf32, #tpu.memory_space<vmem>>) offsets(%dma_start3A_258 : memref<80xi32, #tpu.memory_space<vmem>>) semaphore(%arg9 : memref<!tpu.dma_semaphore, #tpu.memory_space<semaphore_mem>>)
    %scan3A = arith.constant 0 : i32
    %scan3A_262 = arith.constant 0 : i32
    %scan3A_263 = arith.constant 8 : i32
    %scan3A_264 = arith.addi %scan3A_262, %scan3A_263 : i32
    %scan3A_265 = arith.constant 1 : i32
    %scan3A_266 = scf.for %scan3A_312 = %scan3A_262 to %scan3A_264 step %scan3A_265 iter_args(%scan3A_313 = %scan3A) -> (i32)  : i32 {
      %mul3A_314 = arith.constant 2 : i32
      %mul3A_315 = arith.muli %mul3A_314, %scan3A_312 : i32
      %add3A_316 = arith.constant 0 : i32
      %add3A_317 = arith.addi %mul3A_315, %add3A_316 : i32
      %mul3A_318 = arith.constant 16 : i32
      %mul3A_319 = arith.muli %add3A, %mul3A_318 : i32
      %add3A_320 = arith.addi %mul3A_319, %add3A_317 : i32
      %add3A_321 = arith.constant 1 : i32
      %add3A_322 = arith.addi %add3A_317, %add3A_321 : i32
      %lt3A = arith.constant 16 : i32
      %lt3A_323 = arith.cmpi slt, %add3A_322, %lt3A : i32
      %convert_element_type3A = arith.extui %lt3A_323 : i1 to i32
      %cond3A = arith.constant 0 : i32
      %cond3A_324 = arith.cmpi ne, %convert_element_type3A, %cond3A : i32
      scf.if %cond3A_324 {
        %ge3A = arith.constant 1 : i32
        %ge3A_913 = arith.cmpi sge, %add3A_317, %ge3A : i32
        %convert_element_type3A_914 = arith.extui %ge3A_913 : i1 to i32
        %cond3A_915 = arith.constant 0 : i32
        %cond3A_916 = arith.cmpi ne, %convert_element_type3A_914, %cond3A_915 : i32
        scf.if %cond3A_916 {
          %sub3A_1180 = arith.constant 1 : i32
          %sub3A_1181 = arith.subi %add3A_320, %sub3A_1180 : i32
          %dma_wait3A_1182 = arith.constant 1 : i32
          %dma_wait3A_1183 = arith.constant 0 : i32
          %dma_wait3A_1184 = arith.constant 0 : i32
          %dma_wait3A_1185 = tpu.memref_slice %arg7[%dma_wait3A_1182, %dma_wait3A_1183, %dma_wait3A_1184] : memref<2x1600x32xf32, #tpu.memory_space<vmem>> -> memref<1x1600x32xf32, #tpu.memory_space<vmem>>
          %dma_wait3A_1186 = tpu.memref_squeeze %dma_wait3A_1185 : memref<1x1600x32xf32, #tpu.memory_space<vmem>> -> memref<1600x32xf32, #tpu.memory_space<vmem>>
          %dma_wait3A_1187 = arith.constant 0 : i32
          %dma_wait3A_1188 = arith.constant 0 : i32
          %dma_wait3A_1189 = tpu.memref_slice %arg5[%sub3A_1181, %dma_wait3A_1187, %dma_wait3A_1188] : memref<512x1600x32xf32, #tpu.memory_space<hbm>> -> memref<1x1600x32xf32, #tpu.memory_space<hbm>>
          %dma_wait3A_1190 = tpu.memref_squeeze %dma_wait3A_1189 : memref<1x1600x32xf32, #tpu.memory_space<hbm>> -> memref<1600x32xf32, #tpu.memory_space<hbm>>
          %dma_wait3A_1191 = arith.constant 0 : i32
          %dma_wait3A_1192 = arith.constant 0 : i32
          %dma_wait3A_1193 = tpu.memref_slice %arg5[%sub3A_1181, %dma_wait3A_1191, %dma_wait3A_1192] : memref<512x1600x32xf32, #tpu.memory_space<hbm>> -> memref<1x1600x32xf32, #tpu.memory_space<hbm>>
          %dma_wait3A_1194 = tpu.memref_squeeze %dma_wait3A_1193 : memref<1x1600x32xf32, #tpu.memory_space<hbm>> -> memref<1600x32xf32, #tpu.memory_space<hbm>>
          %dma_wait3A_1195 = arith.constant 0 : i32
          %dma_wait3A_1196 = arith.constant 0 : i32
          %dma_wait3A_1197 = tpu.memref_slice %arg7[%dma_wait3A_1182, %dma_wait3A_1195, %dma_wait3A_1196] : memref<2x1600x32xf32, #tpu.memory_space<vmem>> -> memref<1x1600x32xf32, #tpu.memory_space<vmem>>
          %dma_wait3A_1198 = tpu.memref_squeeze %dma_wait3A_1197 : memref<1x1600x32xf32, #tpu.memory_space<vmem>> -> memref<1600x32xf32, #tpu.memory_space<vmem>>
          tpu.wait_dma2 semaphore(%arg12 : memref<!tpu.dma_semaphore, #tpu.memory_space<semaphore_mem>>) src(%dma_wait3A_1198 : memref<1600x32xf32, #tpu.memory_space<vmem>>) dst(%dma_wait3A_1194 : memref<1600x32xf32, #tpu.memory_space<hbm>>)
        } else {
        }
        %add3A_917 = arith.constant 1 : i32
        %add3A_918 = arith.addi %add3A_320, %add3A_917 : i32
        %run_scoped3A_919 = arith.constant 1 : i32
        "tpu.region"() ({
          %run_scoped3A_1180 = tpu.sem_alloc : memref<!tpu.dma_semaphore, #tpu.memory_space<semaphore_mem>>
          %dma_start3A_1181 = arith.constant 0 : i32
          %dma_start3A_1182 = arith.constant 0 : i32
          %dma_start3A_1183 = tpu.memref_slice %arg6[%run_scoped3A_919, %dma_start3A_1181, %dma_start3A_1182] : memref<2x20x80xi32, #tpu.memory_space<vmem>> -> memref<1x20x80xi32, #tpu.memory_space<vmem>>
          %dma_start3A_1184 = tpu.memref_squeeze %dma_start3A_1183 : memref<1x20x80xi32, #tpu.memory_space<vmem>> -> memref<20x80xi32, #tpu.memory_space<vmem>>
          %dma_start3A_1185 = arith.constant 0 : i32
          %dma_start3A_1186 = arith.constant 0 : i32
          %dma_start3A_1187 = tpu.memref_slice %arg2[%add3A_918, %dma_start3A_1185, %dma_start3A_1186] : memref<512x20x80xi32, #tpu.memory_space<hbm>> -> memref<1x20x80xi32, #tpu.memory_space<hbm>>
          %dma_start3A_1188 = tpu.memref_squeeze %dma_start3A_1187 : memref<1x20x80xi32, #tpu.memory_space<hbm>> -> memref<20x80xi32, #tpu.memory_space<hbm>>
          %dma_start3A_1189 = arith.constant 0 : i32
          %dma_start3A_1190 = arith.constant 0 : i32
          %dma_start3A_1191 = tpu.memref_slice %arg6[%run_scoped3A_919, %dma_start3A_1189, %dma_start3A_1190] : memref<2x20x80xi32, #tpu.memory_space<vmem>> -> memref<1x20x80xi32, #tpu.memory_space<vmem>>
          %dma_start3A_1192 = tpu.memref_squeeze %dma_start3A_1191 : memref<1x20x80xi32, #tpu.memory_space<vmem>> -> memref<20x80xi32, #tpu.memory_space<vmem>>
          %dma_start3A_1193 = arith.constant 0 : i32
          %dma_start3A_1194 = arith.constant 0 : i32
          %dma_start3A_1195 = tpu.memref_slice %arg2[%add3A_918, %dma_start3A_1193, %dma_start3A_1194] : memref<512x20x80xi32, #tpu.memory_space<hbm>> -> memref<1x20x80xi32, #tpu.memory_space<hbm>>
          %dma_start3A_1196 = tpu.memref_squeeze %dma_start3A_1195 : memref<1x20x80xi32, #tpu.memory_space<hbm>> -> memref<20x80xi32, #tpu.memory_space<hbm>>
          tpu.enqueue_dma source(%dma_start3A_1196 : memref<20x80xi32, #tpu.memory_space<hbm>>) target(%dma_start3A_1192 : memref<20x80xi32, #tpu.memory_space<vmem>>) target_semaphore(%run_scoped3A_1180 : memref<!tpu.dma_semaphore, #tpu.memory_space<semaphore_mem>>)
          %dma_wait3A_1197 = arith.constant 0 : i32
          %dma_wait3A_1198 = arith.constant 0 : i32
          %dma_wait3A_1199 = tpu.memref_slice %arg6[%run_scoped3A_919, %dma_wait3A_1197, %dma_wait3A_1198] : memref<2x20x80xi32, #tpu.memory_space<vmem>> -> memref<1x20x80xi32, #tpu.memory_space<vmem>>
          %dma_wait3A_1200 = tpu.memref_squeeze %dma_wait3A_1199 : memref<1x20x80xi32, #tpu.memory_space<vmem>> -> memref<20x80xi32, #tpu.memory_space<vmem>>
          %dma_wait3A_1201 = arith.constant 0 : i32
          %dma_wait3A_1202 = arith.constant 0 : i32
          %dma_wait3A_1203 = tpu.memref_slice %arg2[%add3A_918, %dma_wait3A_1201, %dma_wait3A_1202] : memref<512x20x80xi32, #tpu.memory_space<hbm>> -> memref<1x20x80xi32, #tpu.memory_space<hbm>>
          %dma_wait3A_1204 = tpu.memref_squeeze %dma_wait3A_1203 : memref<1x20x80xi32, #tpu.memory_space<hbm>> -> memref<20x80xi32, #tpu.memory_space<hbm>>
          %dma_wait3A_1205 = arith.constant 0 : i32
          %dma_wait3A_1206 = arith.constant 0 : i32
          %dma_wait3A_1207 = tpu.memref_slice %arg6[%run_scoped3A_919, %dma_wait3A_1205, %dma_wait3A_1206] : memref<2x20x80xi32, #tpu.memory_space<vmem>> -> memref<1x20x80xi32, #tpu.memory_space<vmem>>
          %dma_wait3A_1208 = tpu.memref_squeeze %dma_wait3A_1207 : memref<1x20x80xi32, #tpu.memory_space<vmem>> -> memref<20x80xi32, #tpu.memory_space<vmem>>
          %dma_wait3A_1209 = arith.constant 0 : i32
          %dma_wait3A_1210 = arith.constant 0 : i32
          %dma_wait3A_1211 = tpu.memref_slice %arg2[%add3A_918, %dma_wait3A_1209, %dma_wait3A_1210] : memref<512x20x80xi32, #tpu.memory_space<hbm>> -> memref<1x20x80xi32, #tpu.memory_space<hbm>>
          %dma_wait3A_1212 = tpu.memref_squeeze %dma_wait3A_1211 : memref<1x20x80xi32, #tpu.memory_space<hbm>> -> memref<20x80xi32, #tpu.memory_space<hbm>>
          tpu.wait_dma2 semaphore(%run_scoped3A_1180 : memref<!tpu.dma_semaphore, #tpu.memory_space<semaphore_mem>>) src(%dma_wait3A_1212 : memref<20x80xi32, #tpu.memory_space<hbm>>) dst(%dma_wait3A_1208 : memref<20x80xi32, #tpu.memory_space<vmem>>)
          tpu.yield
        }) : () -> ()
        %dma_start3A_920 = arith.constant 1 : i32
        %dma_start3A_921 = arith.constant 0 : i32
        %dma_start3A_922 = arith.constant 1 : i32
        %dma_start3A_923 = arith.constant 0 : i32
        %dma_start3A_924 = arith.constant 0 : i32
        %dma_start3A_925 = tpu.memref_slice %arg7[%dma_start3A_922, %dma_start3A_923, %dma_start3A_924] : memref<2x1600x32xf32, #tpu.memory_space<vmem>> -> memref<1x80x32xf32, #tpu.memory_space<vmem>>
        %dma_start3A_926 = tpu.memref_squeeze %dma_start3A_925 : memref<1x80x32xf32, #tpu.memory_space<vmem>> -> memref<80x32xf32, #tpu.memory_space<vmem>>
        %dma_start3A_927 = arith.constant 0 : i32
        %dma_start3A_928 = tpu.memref_slice %arg6[%dma_start3A_920, %dma_start3A_921, %dma_start3A_927] : memref<2x20x80xi32, #tpu.memory_space<vmem>> -> memref<1x1x80xi32, #tpu.memory_space<vmem>>
        %dma_start3A_929 = tpu.memref_squeeze %dma_start3A_928 : memref<1x1x80xi32, #tpu.memory_space<vmem>> -> memref<80xi32, #tpu.memory_space<vmem>>
        %dma_start3A_930 = arith.constant 0 : i32
        %dma_start3A_931 = arith.constant 0 : i32
        %dma_start3A_932 = tpu.memref_slice %arg3[%dma_start3A_930, %dma_start3A_931] : memref<1000000x32xf32, #tpu.memory_space<hbm>> -> memref<1000000x32xf32, #tpu.memory_space<hbm>>
        tpu.enqueue_indirect_dma source(%dma_start3A_932 : memref<1000000x32xf32, #tpu.memory_space<hbm>>) target(%dma_start3A_926 : memref<80x32xf32, #tpu.memory_space<vmem>>) offsets(%dma_start3A_929 : memref<80xi32, #tpu.memory_space<vmem>>) semaphore(%arg10 : memref<!tpu.dma_semaphore, #tpu.memory_space<semaphore_mem>>)
        %dma_start3A_933 = arith.constant 1 : i32
        %dma_start3A_934 = arith.constant 1 : i32
        %dma_start3A_935 = arith.constant 1 : i32
        %dma_start3A_936 = arith.constant 80 : i32
        %dma_start3A_937 = arith.constant 0 : i32
        %dma_start3A_938 = tpu.memref_slice %arg7[%dma_start3A_935, %dma_start3A_936, %dma_start3A_937] : memref<2x1600x32xf32, #tpu.memory_space<vmem>> -> memref<1x80x32xf32, #tpu.memory_space<vmem>>
        %dma_start3A_939 = tpu.memref_squeeze %dma_start3A_938 : memref<1x80x32xf32, #tpu.memory_space<vmem>> -> memref<80x32xf32, #tpu.memory_space<vmem>>
        %dma_start3A_940 = arith.constant 0 : i32
        %dma_start3A_941 = tpu.memref_slice %arg6[%dma_start3A_933, %dma_start3A_934, %dma_start3A_940] : memref<2x20x80xi32, #tpu.memory_space<vmem>> -> memref<1x1x80xi32, #tpu.memory_space<vmem>>
        %dma_start3A_942 = tpu.memref_squeeze %dma_start3A_941 : memref<1x1x80xi32, #tpu.memory_space<vmem>> -> memref<80xi32, #tpu.memory_space<vmem>>
        %dma_start3A_943 = arith.constant 0 : i32
        %dma_start3A_944 = arith.constant 0 : i32
        %dma_start3A_945 = tpu.memref_slice %arg3[%dma_start3A_943, %dma_start3A_944] : memref<1000000x32xf32, #tpu.memory_space<hbm>> -> memref<1000000x32xf32, #tpu.memory_space<hbm>>
        tpu.enqueue_indirect_dma source(%dma_start3A_945 : memref<1000000x32xf32, #tpu.memory_space<hbm>>) target(%dma_start3A_939 : memref<80x32xf32, #tpu.memory_space<vmem>>) offsets(%dma_start3A_942 : memref<80xi32, #tpu.memory_space<vmem>>) semaphore(%arg10 : memref<!tpu.dma_semaphore, #tpu.memory_space<semaphore_mem>>)
        %dma_start3A_946 = arith.constant 1 : i32
        %dma_start3A_947 = arith.constant 2 : i32
        %dma_start3A_948 = arith.constant 1 : i32
        %dma_start3A_949 = arith.constant 160 : i32
        %dma_start3A_950 = arith.constant 0 : i32
        %dma_start3A_951 = tpu.memref_slice %arg7[%dma_start3A_948, %dma_start3A_949, %dma_start3A_950] : memref<2x1600x32xf32, #tpu.memory_space<vmem>> -> memref<1x80x32xf32, #tpu.memory_space<vmem>>
        %dma_start3A_952 = tpu.memref_squeeze %dma_start3A_951 : memref<1x80x32xf32, #tpu.memory_space<vmem>> -> memref<80x32xf32, #tpu.memory_space<vmem>>
        %dma_start3A_953 = arith.constant 0 : i32
        %dma_start3A_954 = tpu.memref_slice %arg6[%dma_start3A_946, %dma_start3A_947, %dma_start3A_953] : memref<2x20x80xi32, #tpu.memory_space<vmem>> -> memref<1x1x80xi32, #tpu.memory_space<vmem>>
        %dma_start3A_955 = tpu.memref_squeeze %dma_start3A_954 : memref<1x1x80xi32, #tpu.memory_space<vmem>> -> memref<80xi32, #tpu.memory_space<vmem>>
        %dma_start3A_956 = arith.constant 0 : i32
        %dma_start3A_957 = arith.constant 0 : i32
        %dma_start3A_958 = tpu.memref_slice %arg3[%dma_start3A_956, %dma_start3A_957] : memref<1000000x32xf32, #tpu.memory_space<hbm>> -> memref<1000000x32xf32, #tpu.memory_space<hbm>>
        tpu.enqueue_indirect_dma source(%dma_start3A_958 : memref<1000000x32xf32, #tpu.memory_space<hbm>>) target(%dma_start3A_952 : memref<80x32xf32, #tpu.memory_space<vmem>>) offsets(%dma_start3A_955 : memref<80xi32, #tpu.memory_space<vmem>>) semaphore(%arg10 : memref<!tpu.dma_semaphore, #tpu.memory_space<semaphore_mem>>)
        %dma_start3A_959 = arith.constant 1 : i32
        %dma_start3A_960 = arith.constant 3 : i32
        %dma_start3A_961 = arith.constant 1 : i32
        %dma_start3A_962 = arith.constant 240 : i32
        %dma_start3A_963 = arith.constant 0 : i32
        %dma_start3A_964 = tpu.memref_slice %arg7[%dma_start3A_961, %dma_start3A_962, %dma_start3A_963] : memref<2x1600x32xf32, #tpu.memory_space<vmem>> -> memref<1x80x32xf32, #tpu.memory_space<vmem>>
        %dma_start3A_965 = tpu.memref_squeeze %dma_start3A_964 : memref<1x80x32xf32, #tpu.memory_space<vmem>> -> memref<80x32xf32, #tpu.memory_space<vmem>>
        %dma_start3A_966 = arith.constant 0 : i32
        %dma_start3A_967 = tpu.memref_slice %arg6[%dma_start3A_959, %dma_start3A_960, %dma_start3A_966] : memref<2x20x80xi32, #tpu.memory_space<vmem>> -> memref<1x1x80xi32, #tpu.memory_space<vmem>>
        %dma_start3A_968 = tpu.memref_squeeze %dma_start3A_967 : memref<1x1x80xi32, #tpu.memory_space<vmem>> -> memref<80xi32, #tpu.memory_space<vmem>>
        %dma_start3A_969 = arith.constant 0 : i32
        %dma_start3A_970 = arith.constant 0 : i32
        %dma_start3A_971 = tpu.memref_slice %arg3[%dma_start3A_969, %dma_start3A_970] : memref<1000000x32xf32, #tpu.memory_space<hbm>> -> memref<1000000x32xf32, #tpu.memory_space<hbm>>
        tpu.enqueue_indirect_dma source(%dma_start3A_971 : memref<1000000x32xf32, #tpu.memory_space<hbm>>) target(%dma_start3A_965 : memref<80x32xf32, #tpu.memory_space<vmem>>) offsets(%dma_start3A_968 : memref<80xi32, #tpu.memory_space<vmem>>) semaphore(%arg10 : memref<!tpu.dma_semaphore, #tpu.memory_space<semaphore_mem>>)
        %dma_start3A_972 = arith.constant 1 : i32
        %dma_start3A_973 = arith.constant 4 : i32
        %dma_start3A_974 = arith.constant 1 : i32
        %dma_start3A_975 = arith.constant 320 : i32
        %dma_start3A_976 = arith.constant 0 : i32
        %dma_start3A_977 = tpu.memref_slice %arg7[%dma_start3A_974, %dma_start3A_975, %dma_start3A_976] : memref<2x1600x32xf32, #tpu.memory_space<vmem>> -> memref<1x80x32xf32, #tpu.memory_space<vmem>>
        %dma_start3A_978 = tpu.memref_squeeze %dma_start3A_977 : memref<1x80x32xf32, #tpu.memory_space<vmem>> -> memref<80x32xf32, #tpu.memory_space<vmem>>
        %dma_start3A_979 = arith.constant 0 : i32
        %dma_start3A_980 = tpu.memref_slice %arg6[%dma_start3A_972, %dma_start3A_973, %dma_start3A_979] : memref<2x20x80xi32, #tpu.memory_space<vmem>> -> memref<1x1x80xi32, #tpu.memory_space<vmem>>
        %dma_start3A_981 = tpu.memref_squeeze %dma_start3A_980 : memref<1x1x80xi32, #tpu.memory_space<vmem>> -> memref<80xi32, #tpu.memory_space<vmem>>
        %dma_start3A_982 = arith.constant 0 : i32
        %dma_start3A_983 = arith.constant 0 : i32
        %dma_start3A_984 = tpu.memref_slice %arg3[%dma_start3A_982, %dma_start3A_983] : memref<1000000x32xf32, #tpu.memory_space<hbm>> -> memref<1000000x32xf32, #tpu.memory_space<hbm>>
        tpu.enqueue_indirect_dma source(%dma_start3A_984 : memref<1000000x32xf32, #tpu.memory_space<hbm>>) target(%dma_start3A_978 : memref<80x32xf32, #tpu.memory_space<vmem>>) offsets(%dma_start3A_981 : memref<80xi32, #tpu.memory_space<vmem>>) semaphore(%arg10 : memref<!tpu.dma_semaphore, #tpu.memory_space<semaphore_mem>>)
        %dma_start3A_985 = arith.constant 1 : i32
        %dma_start3A_986 = arith.constant 5 : i32
        %dma_start3A_987 = arith.constant 1 : i32
        %dma_start3A_988 = arith.constant 400 : i32
        %dma_start3A_989 = arith.constant 0 : i32
        %dma_start3A_990 = tpu.memref_slice %arg7[%dma_start3A_987, %dma_start3A_988, %dma_start3A_989] : memref<2x1600x32xf32, #tpu.memory_space<vmem>> -> memref<1x80x32xf32, #tpu.memory_space<vmem>>
        %dma_start3A_991 = tpu.memref_squeeze %dma_start3A_990 : memref<1x80x32xf32, #tpu.memory_space<vmem>> -> memref<80x32xf32, #tpu.memory_space<vmem>>
        %dma_start3A_992 = arith.constant 0 : i32
        %dma_start3A_993 = tpu.memref_slice %arg6[%dma_start3A_985, %dma_start3A_986, %dma_start3A_992] : memref<2x20x80xi32, #tpu.memory_space<vmem>> -> memref<1x1x80xi32, #tpu.memory_space<vmem>>
        %dma_start3A_994 = tpu.memref_squeeze %dma_start3A_993 : memref<1x1x80xi32, #tpu.memory_space<vmem>> -> memref<80xi32, #tpu.memory_space<vmem>>
        %dma_start3A_995 = arith.constant 0 : i32
        %dma_start3A_996 = arith.constant 0 : i32
        %dma_start3A_997 = tpu.memref_slice %arg3[%dma_start3A_995, %dma_start3A_996] : memref<1000000x32xf32, #tpu.memory_space<hbm>> -> memref<1000000x32xf32, #tpu.memory_space<hbm>>
        tpu.enqueue_indirect_dma source(%dma_start3A_997 : memref<1000000x32xf32, #tpu.memory_space<hbm>>) target(%dma_start3A_991 : memref<80x32xf32, #tpu.memory_space<vmem>>) offsets(%dma_start3A_994 : memref<80xi32, #tpu.memory_space<vmem>>) semaphore(%arg10 : memref<!tpu.dma_semaphore, #tpu.memory_space<semaphore_mem>>)
        %dma_start3A_998 = arith.constant 1 : i32
        %dma_start3A_999 = arith.constant 6 : i32
        %dma_start3A_1000 = arith.constant 1 : i32
        %dma_start3A_1001 = arith.constant 480 : i32
        %dma_start3A_1002 = arith.constant 0 : i32
        %dma_start3A_1003 = tpu.memref_slice %arg7[%dma_start3A_1000, %dma_start3A_1001, %dma_start3A_1002] : memref<2x1600x32xf32, #tpu.memory_space<vmem>> -> memref<1x80x32xf32, #tpu.memory_space<vmem>>
        %dma_start3A_1004 = tpu.memref_squeeze %dma_start3A_1003 : memref<1x80x32xf32, #tpu.memory_space<vmem>> -> memref<80x32xf32, #tpu.memory_space<vmem>>
        %dma_start3A_1005 = arith.constant 0 : i32
        %dma_start3A_1006 = tpu.memref_slice %arg6[%dma_start3A_998, %dma_start3A_999, %dma_start3A_1005] : memref<2x20x80xi32, #tpu.memory_space<vmem>> -> memref<1x1x80xi32, #tpu.memory_space<vmem>>
        %dma_start3A_1007 = tpu.memref_squeeze %dma_start3A_1006 : memref<1x1x80xi32, #tpu.memory_space<vmem>> -> memref<80xi32, #tpu.memory_space<vmem>>
        %dma_start3A_1008 = arith.constant 0 : i32
        %dma_start3A_1009 = arith.constant 0 : i32
        %dma_start3A_1010 = tpu.memref_slice %arg3[%dma_start3A_1008, %dma_start3A_1009] : memref<1000000x32xf32, #tpu.memory_space<hbm>> -> memref<1000000x32xf32, #tpu.memory_space<hbm>>
        tpu.enqueue_indirect_dma source(%dma_start3A_1010 : memref<1000000x32xf32, #tpu.memory_space<hbm>>) target(%dma_start3A_1004 : memref<80x32xf32, #tpu.memory_space<vmem>>) offsets(%dma_start3A_1007 : memref<80xi32, #tpu.memory_space<vmem>>) semaphore(%arg10 : memref<!tpu.dma_semaphore, #tpu.memory_space<semaphore_mem>>)
        %dma_start3A_1011 = arith.constant 1 : i32
        %dma_start3A_1012 = arith.constant 7 : i32
        %dma_start3A_1013 = arith.constant 1 : i32
        %dma_start3A_1014 = arith.constant 560 : i32
        %dma_start3A_1015 = arith.constant 0 : i32
        %dma_start3A_1016 = tpu.memref_slice %arg7[%dma_start3A_1013, %dma_start3A_1014, %dma_start3A_1015] : memref<2x1600x32xf32, #tpu.memory_space<vmem>> -> memref<1x80x32xf32, #tpu.memory_space<vmem>>
        %dma_start3A_1017 = tpu.memref_squeeze %dma_start3A_1016 : memref<1x80x32xf32, #tpu.memory_space<vmem>> -> memref<80x32xf32, #tpu.memory_space<vmem>>
        %dma_start3A_1018 = arith.constant 0 : i32
        %dma_start3A_1019 = tpu.memref_slice %arg6[%dma_start3A_1011, %dma_start3A_1012, %dma_start3A_1018] : memref<2x20x80xi32, #tpu.memory_space<vmem>> -> memref<1x1x80xi32, #tpu.memory_space<vmem>>
        %dma_start3A_1020 = tpu.memref_squeeze %dma_start3A_1019 : memref<1x1x80xi32, #tpu.memory_space<vmem>> -> memref<80xi32, #tpu.memory_space<vmem>>
        %dma_start3A_1021 = arith.constant 0 : i32
        %dma_start3A_1022 = arith.constant 0 : i32
        %dma_start3A_1023 = tpu.memref_slice %arg3[%dma_start3A_1021, %dma_start3A_1022] : memref<1000000x32xf32, #tpu.memory_space<hbm>> -> memref<1000000x32xf32, #tpu.memory_space<hbm>>
        tpu.enqueue_indirect_dma source(%dma_start3A_1023 : memref<1000000x32xf32, #tpu.memory_space<hbm>>) target(%dma_start3A_1017 : memref<80x32xf32, #tpu.memory_space<vmem>>) offsets(%dma_start3A_1020 : memref<80xi32, #tpu.memory_space<vmem>>) semaphore(%arg10 : memref<!tpu.dma_semaphore, #tpu.memory_space<semaphore_mem>>)
        %dma_start3A_1024 = arith.constant 1 : i32
        %dma_start3A_1025 = arith.constant 8 : i32
        %dma_start3A_1026 = arith.constant 1 : i32
        %dma_start3A_1027 = arith.constant 640 : i32
        %dma_start3A_1028 = arith.constant 0 : i32
        %dma_start3A_1029 = tpu.memref_slice %arg7[%dma_start3A_1026, %dma_start3A_1027, %dma_start3A_1028] : memref<2x1600x32xf32, #tpu.memory_space<vmem>> -> memref<1x80x32xf32, #tpu.memory_space<vmem>>
        %dma_start3A_1030 = tpu.memref_squeeze %dma_start3A_1029 : memref<1x80x32xf32, #tpu.memory_space<vmem>> -> memref<80x32xf32, #tpu.memory_space<vmem>>
        %dma_start3A_1031 = arith.constant 0 : i32
        %dma_start3A_1032 = tpu.memref_slice %arg6[%dma_start3A_1024, %dma_start3A_1025, %dma_start3A_1031] : memref<2x20x80xi32, #tpu.memory_space<vmem>> -> memref<1x1x80xi32, #tpu.memory_space<vmem>>
        %dma_start3A_1033 = tpu.memref_squeeze %dma_start3A_1032 : memref<1x1x80xi32, #tpu.memory_space<vmem>> -> memref<80xi32, #tpu.memory_space<vmem>>
        %dma_start3A_1034 = arith.constant 0 : i32
        %dma_start3A_1035 = arith.constant 0 : i32
        %dma_start3A_1036 = tpu.memref_slice %arg3[%dma_start3A_1034, %dma_start3A_1035] : memref<1000000x32xf32, #tpu.memory_space<hbm>> -> memref<1000000x32xf32, #tpu.memory_space<hbm>>
        tpu.enqueue_indirect_dma source(%dma_start3A_1036 : memref<1000000x32xf32, #tpu.memory_space<hbm>>) target(%dma_start3A_1030 : memref<80x32xf32, #tpu.memory_space<vmem>>) offsets(%dma_start3A_1033 : memref<80xi32, #tpu.memory_space<vmem>>) semaphore(%arg10 : memref<!tpu.dma_semaphore, #tpu.memory_space<semaphore_mem>>)
        %dma_start3A_1037 = arith.constant 1 : i32
        %dma_start3A_1038 = arith.constant 9 : i32
        %dma_start3A_1039 = arith.constant 1 : i32
        %dma_start3A_1040 = arith.constant 720 : i32
        %dma_start3A_1041 = arith.constant 0 : i32
        %dma_start3A_1042 = tpu.memref_slice %arg7[%dma_start3A_1039, %dma_start3A_1040, %dma_start3A_1041] : memref<2x1600x32xf32, #tpu.memory_space<vmem>> -> memref<1x80x32xf32, #tpu.memory_space<vmem>>
        %dma_start3A_1043 = tpu.memref_squeeze %dma_start3A_1042 : memref<1x80x32xf32, #tpu.memory_space<vmem>> -> memref<80x32xf32, #tpu.memory_space<vmem>>
        %dma_start3A_1044 = arith.constant 0 : i32
        %dma_start3A_1045 = tpu.memref_slice %arg6[%dma_start3A_1037, %dma_start3A_1038, %dma_start3A_1044] : memref<2x20x80xi32, #tpu.memory_space<vmem>> -> memref<1x1x80xi32, #tpu.memory_space<vmem>>
        %dma_start3A_1046 = tpu.memref_squeeze %dma_start3A_1045 : memref<1x1x80xi32, #tpu.memory_space<vmem>> -> memref<80xi32, #tpu.memory_space<vmem>>
        %dma_start3A_1047 = arith.constant 0 : i32
        %dma_start3A_1048 = arith.constant 0 : i32
        %dma_start3A_1049 = tpu.memref_slice %arg3[%dma_start3A_1047, %dma_start3A_1048] : memref<1000000x32xf32, #tpu.memory_space<hbm>> -> memref<1000000x32xf32, #tpu.memory_space<hbm>>
        tpu.enqueue_indirect_dma source(%dma_start3A_1049 : memref<1000000x32xf32, #tpu.memory_space<hbm>>) target(%dma_start3A_1043 : memref<80x32xf32, #tpu.memory_space<vmem>>) offsets(%dma_start3A_1046 : memref<80xi32, #tpu.memory_space<vmem>>) semaphore(%arg10 : memref<!tpu.dma_semaphore, #tpu.memory_space<semaphore_mem>>)
        %dma_start3A_1050 = arith.constant 1 : i32
        %dma_start3A_1051 = arith.constant 10 : i32
        %dma_start3A_1052 = arith.constant 1 : i32
        %dma_start3A_1053 = arith.constant 800 : i32
        %dma_start3A_1054 = arith.constant 0 : i32
        %dma_start3A_1055 = tpu.memref_slice %arg7[%dma_start3A_1052, %dma_start3A_1053, %dma_start3A_1054] : memref<2x1600x32xf32, #tpu.memory_space<vmem>> -> memref<1x80x32xf32, #tpu.memory_space<vmem>>
        %dma_start3A_1056 = tpu.memref_squeeze %dma_start3A_1055 : memref<1x80x32xf32, #tpu.memory_space<vmem>> -> memref<80x32xf32, #tpu.memory_space<vmem>>
        %dma_start3A_1057 = arith.constant 0 : i32
        %dma_start3A_1058 = tpu.memref_slice %arg6[%dma_start3A_1050, %dma_start3A_1051, %dma_start3A_1057] : memref<2x20x80xi32, #tpu.memory_space<vmem>> -> memref<1x1x80xi32, #tpu.memory_space<vmem>>
        %dma_start3A_1059 = tpu.memref_squeeze %dma_start3A_1058 : memref<1x1x80xi32, #tpu.memory_space<vmem>> -> memref<80xi32, #tpu.memory_space<vmem>>
        %dma_start3A_1060 = arith.constant 0 : i32
        %dma_start3A_1061 = arith.constant 0 : i32
        %dma_start3A_1062 = tpu.memref_slice %arg3[%dma_start3A_1060, %dma_start3A_1061] : memref<1000000x32xf32, #tpu.memory_space<hbm>> -> memref<1000000x32xf32, #tpu.memory_space<hbm>>
        tpu.enqueue_indirect_dma source(%dma_start3A_1062 : memref<1000000x32xf32, #tpu.memory_space<hbm>>) target(%dma_start3A_1056 : memref<80x32xf32, #tpu.memory_space<vmem>>) offsets(%dma_start3A_1059 : memref<80xi32, #tpu.memory_space<vmem>>) semaphore(%arg10 : memref<!tpu.dma_semaphore, #tpu.memory_space<semaphore_mem>>)
        %dma_start3A_1063 = arith.constant 1 : i32
        %dma_start3A_1064 = arith.constant 11 : i32
        %dma_start3A_1065 = arith.constant 1 : i32
        %dma_start3A_1066 = arith.constant 880 : i32
        %dma_start3A_1067 = arith.constant 0 : i32
        %dma_start3A_1068 = tpu.memref_slice %arg7[%dma_start3A_1065, %dma_start3A_1066, %dma_start3A_1067] : memref<2x1600x32xf32, #tpu.memory_space<vmem>> -> memref<1x80x32xf32, #tpu.memory_space<vmem>>
        %dma_start3A_1069 = tpu.memref_squeeze %dma_start3A_1068 : memref<1x80x32xf32, #tpu.memory_space<vmem>> -> memref<80x32xf32, #tpu.memory_space<vmem>>
        %dma_start3A_1070 = arith.constant 0 : i32
        %dma_start3A_1071 = tpu.memref_slice %arg6[%dma_start3A_1063, %dma_start3A_1064, %dma_start3A_1070] : memref<2x20x80xi32, #tpu.memory_space<vmem>> -> memref<1x1x80xi32, #tpu.memory_space<vmem>>
        %dma_start3A_1072 = tpu.memref_squeeze %dma_start3A_1071 : memref<1x1x80xi32, #tpu.memory_space<vmem>> -> memref<80xi32, #tpu.memory_space<vmem>>
        %dma_start3A_1073 = arith.constant 0 : i32
        %dma_start3A_1074 = arith.constant 0 : i32
        %dma_start3A_1075 = tpu.memref_slice %arg3[%dma_start3A_1073, %dma_start3A_1074] : memref<1000000x32xf32, #tpu.memory_space<hbm>> -> memref<1000000x32xf32, #tpu.memory_space<hbm>>
        tpu.enqueue_indirect_dma source(%dma_start3A_1075 : memref<1000000x32xf32, #tpu.memory_space<hbm>>) target(%dma_start3A_1069 : memref<80x32xf32, #tpu.memory_space<vmem>>) offsets(%dma_start3A_1072 : memref<80xi32, #tpu.memory_space<vmem>>) semaphore(%arg10 : memref<!tpu.dma_semaphore, #tpu.memory_space<semaphore_mem>>)
        %dma_start3A_1076 = arith.constant 1 : i32
        %dma_start3A_1077 = arith.constant 12 : i32
        %dma_start3A_1078 = arith.constant 1 : i32
        %dma_start3A_1079 = arith.constant 960 : i32
        %dma_start3A_1080 = arith.constant 0 : i32
        %dma_start3A_1081 = tpu.memref_slice %arg7[%dma_start3A_1078, %dma_start3A_1079, %dma_start3A_1080] : memref<2x1600x32xf32, #tpu.memory_space<vmem>> -> memref<1x80x32xf32, #tpu.memory_space<vmem>>
        %dma_start3A_1082 = tpu.memref_squeeze %dma_start3A_1081 : memref<1x80x32xf32, #tpu.memory_space<vmem>> -> memref<80x32xf32, #tpu.memory_space<vmem>>
        %dma_start3A_1083 = arith.constant 0 : i32
        %dma_start3A_1084 = tpu.memref_slice %arg6[%dma_start3A_1076, %dma_start3A_1077, %dma_start3A_1083] : memref<2x20x80xi32, #tpu.memory_space<vmem>> -> memref<1x1x80xi32, #tpu.memory_space<vmem>>
        %dma_start3A_1085 = tpu.memref_squeeze %dma_start3A_1084 : memref<1x1x80xi32, #tpu.memory_space<vmem>> -> memref<80xi32, #tpu.memory_space<vmem>>
        %dma_start3A_1086 = arith.constant 0 : i32
        %dma_start3A_1087 = arith.constant 0 : i32
        %dma_start3A_1088 = tpu.memref_slice %arg3[%dma_start3A_1086, %dma_start3A_1087] : memref<1000000x32xf32, #tpu.memory_space<hbm>> -> memref<1000000x32xf32, #tpu.memory_space<hbm>>
        tpu.enqueue_indirect_dma source(%dma_start3A_1088 : memref<1000000x32xf32, #tpu.memory_space<hbm>>) target(%dma_start3A_1082 : memref<80x32xf32, #tpu.memory_space<vmem>>) offsets(%dma_start3A_1085 : memref<80xi32, #tpu.memory_space<vmem>>) semaphore(%arg10 : memref<!tpu.dma_semaphore, #tpu.memory_space<semaphore_mem>>)
        %dma_start3A_1089 = arith.constant 1 : i32
        %dma_start3A_1090 = arith.constant 13 : i32
        %dma_start3A_1091 = arith.constant 1 : i32
        %dma_start3A_1092 = arith.constant 1040 : i32
        %dma_start3A_1093 = arith.constant 0 : i32
        %dma_start3A_1094 = tpu.memref_slice %arg7[%dma_start3A_1091, %dma_start3A_1092, %dma_start3A_1093] : memref<2x1600x32xf32, #tpu.memory_space<vmem>> -> memref<1x80x32xf32, #tpu.memory_space<vmem>>
        %dma_start3A_1095 = tpu.memref_squeeze %dma_start3A_1094 : memref<1x80x32xf32, #tpu.memory_space<vmem>> -> memref<80x32xf32, #tpu.memory_space<vmem>>
        %dma_start3A_1096 = arith.constant 0 : i32
        %dma_start3A_1097 = tpu.memref_slice %arg6[%dma_start3A_1089, %dma_start3A_1090, %dma_start3A_1096] : memref<2x20x80xi32, #tpu.memory_space<vmem>> -> memref<1x1x80xi32, #tpu.memory_space<vmem>>
        %dma_start3A_1098 = tpu.memref_squeeze %dma_start3A_1097 : memref<1x1x80xi32, #tpu.memory_space<vmem>> -> memref<80xi32, #tpu.memory_space<vmem>>
        %dma_start3A_1099 = arith.constant 0 : i32
        %dma_start3A_1100 = arith.constant 0 : i32
        %dma_start3A_1101 = tpu.memref_slice %arg3[%dma_start3A_1099, %dma_start3A_1100] : memref<1000000x32xf32, #tpu.memory_space<hbm>> -> memref<1000000x32xf32, #tpu.memory_space<hbm>>
        tpu.enqueue_indirect_dma source(%dma_start3A_1101 : memref<1000000x32xf32, #tpu.memory_space<hbm>>) target(%dma_start3A_1095 : memref<80x32xf32, #tpu.memory_space<vmem>>) offsets(%dma_start3A_1098 : memref<80xi32, #tpu.memory_space<vmem>>) semaphore(%arg10 : memref<!tpu.dma_semaphore, #tpu.memory_space<semaphore_mem>>)
        %dma_start3A_1102 = arith.constant 1 : i32
        %dma_start3A_1103 = arith.constant 14 : i32
        %dma_start3A_1104 = arith.constant 1 : i32
        %dma_start3A_1105 = arith.constant 1120 : i32
        %dma_start3A_1106 = arith.constant 0 : i32
        %dma_start3A_1107 = tpu.memref_slice %arg7[%dma_start3A_1104, %dma_start3A_1105, %dma_start3A_1106] : memref<2x1600x32xf32, #tpu.memory_space<vmem>> -> memref<1x80x32xf32, #tpu.memory_space<vmem>>
        %dma_start3A_1108 = tpu.memref_squeeze %dma_start3A_1107 : memref<1x80x32xf32, #tpu.memory_space<vmem>> -> memref<80x32xf32, #tpu.memory_space<vmem>>
        %dma_start3A_1109 = arith.constant 0 : i32
        %dma_start3A_1110 = tpu.memref_slice %arg6[%dma_start3A_1102, %dma_start3A_1103, %dma_start3A_1109] : memref<2x20x80xi32, #tpu.memory_space<vmem>> -> memref<1x1x80xi32, #tpu.memory_space<vmem>>
        %dma_start3A_1111 = tpu.memref_squeeze %dma_start3A_1110 : memref<1x1x80xi32, #tpu.memory_space<vmem>> -> memref<80xi32, #tpu.memory_space<vmem>>
        %dma_start3A_1112 = arith.constant 0 : i32
        %dma_start3A_1113 = arith.constant 0 : i32
        %dma_start3A_1114 = tpu.memref_slice %arg3[%dma_start3A_1112, %dma_start3A_1113] : memref<1000000x32xf32, #tpu.memory_space<hbm>> -> memref<1000000x32xf32, #tpu.memory_space<hbm>>
        tpu.enqueue_indirect_dma source(%dma_start3A_1114 : memref<1000000x32xf32, #tpu.memory_space<hbm>>) target(%dma_start3A_1108 : memref<80x32xf32, #tpu.memory_space<vmem>>) offsets(%dma_start3A_1111 : memref<80xi32, #tpu.memory_space<vmem>>) semaphore(%arg10 : memref<!tpu.dma_semaphore, #tpu.memory_space<semaphore_mem>>)
        %dma_start3A_1115 = arith.constant 1 : i32
        %dma_start3A_1116 = arith.constant 15 : i32
        %dma_start3A_1117 = arith.constant 1 : i32
        %dma_start3A_1118 = arith.constant 1200 : i32
        %dma_start3A_1119 = arith.constant 0 : i32
        %dma_start3A_1120 = tpu.memref_slice %arg7[%dma_start3A_1117, %dma_start3A_1118, %dma_start3A_1119] : memref<2x1600x32xf32, #tpu.memory_space<vmem>> -> memref<1x80x32xf32, #tpu.memory_space<vmem>>
        %dma_start3A_1121 = tpu.memref_squeeze %dma_start3A_1120 : memref<1x80x32xf32, #tpu.memory_space<vmem>> -> memref<80x32xf32, #tpu.memory_space<vmem>>
        %dma_start3A_1122 = arith.constant 0 : i32
        %dma_start3A_1123 = tpu.memref_slice %arg6[%dma_start3A_1115, %dma_start3A_1116, %dma_start3A_1122] : memref<2x20x80xi32, #tpu.memory_space<vmem>> -> memref<1x1x80xi32, #tpu.memory_space<vmem>>
        %dma_start3A_1124 = tpu.memref_squeeze %dma_start3A_1123 : memref<1x1x80xi32, #tpu.memory_space<vmem>> -> memref<80xi32, #tpu.memory_space<vmem>>
        %dma_start3A_1125 = arith.constant 0 : i32
        %dma_start3A_1126 = arith.constant 0 : i32
        %dma_start3A_1127 = tpu.memref_slice %arg3[%dma_start3A_1125, %dma_start3A_1126] : memref<1000000x32xf32, #tpu.memory_space<hbm>> -> memref<1000000x32xf32, #tpu.memory_space<hbm>>
        tpu.enqueue_indirect_dma source(%dma_start3A_1127 : memref<1000000x32xf32, #tpu.memory_space<hbm>>) target(%dma_start3A_1121 : memref<80x32xf32, #tpu.memory_space<vmem>>) offsets(%dma_start3A_1124 : memref<80xi32, #tpu.memory_space<vmem>>) semaphore(%arg10 : memref<!tpu.dma_semaphore, #tpu.memory_space<semaphore_mem>>)
        %dma_start3A_1128 = arith.constant 1 : i32
        %dma_start3A_1129 = arith.constant 16 : i32
        %dma_start3A_1130 = arith.constant 1 : i32
        %dma_start3A_1131 = arith.constant 1280 : i32
        %dma_start3A_1132 = arith.constant 0 : i32
        %dma_start3A_1133 = tpu.memref_slice %arg7[%dma_start3A_1130, %dma_start3A_1131, %dma_start3A_1132] : memref<2x1600x32xf32, #tpu.memory_space<vmem>> -> memref<1x80x32xf32, #tpu.memory_space<vmem>>
        %dma_start3A_1134 = tpu.memref_squeeze %dma_start3A_1133 : memref<1x80x32xf32, #tpu.memory_space<vmem>> -> memref<80x32xf32, #tpu.memory_space<vmem>>
        %dma_start3A_1135 = arith.constant 0 : i32
        %dma_start3A_1136 = tpu.memref_slice %arg6[%dma_start3A_1128, %dma_start3A_1129, %dma_start3A_1135] : memref<2x20x80xi32, #tpu.memory_space<vmem>> -> memref<1x1x80xi32, #tpu.memory_space<vmem>>
        %dma_start3A_1137 = tpu.memref_squeeze %dma_start3A_1136 : memref<1x1x80xi32, #tpu.memory_space<vmem>> -> memref<80xi32, #tpu.memory_space<vmem>>
        %dma_start3A_1138 = arith.constant 0 : i32
        %dma_start3A_1139 = arith.constant 0 : i32
        %dma_start3A_1140 = tpu.memref_slice %arg3[%dma_start3A_1138, %dma_start3A_1139] : memref<1000000x32xf32, #tpu.memory_space<hbm>> -> memref<1000000x32xf32, #tpu.memory_space<hbm>>
        tpu.enqueue_indirect_dma source(%dma_start3A_1140 : memref<1000000x32xf32, #tpu.memory_space<hbm>>) target(%dma_start3A_1134 : memref<80x32xf32, #tpu.memory_space<vmem>>) offsets(%dma_start3A_1137 : memref<80xi32, #tpu.memory_space<vmem>>) semaphore(%arg10 : memref<!tpu.dma_semaphore, #tpu.memory_space<semaphore_mem>>)
        %dma_start3A_1141 = arith.constant 1 : i32
        %dma_start3A_1142 = arith.constant 17 : i32
        %dma_start3A_1143 = arith.constant 1 : i32
        %dma_start3A_1144 = arith.constant 1360 : i32
        %dma_start3A_1145 = arith.constant 0 : i32
        %dma_start3A_1146 = tpu.memref_slice %arg7[%dma_start3A_1143, %dma_start3A_1144, %dma_start3A_1145] : memref<2x1600x32xf32, #tpu.memory_space<vmem>> -> memref<1x80x32xf32, #tpu.memory_space<vmem>>
        %dma_start3A_1147 = tpu.memref_squeeze %dma_start3A_1146 : memref<1x80x32xf32, #tpu.memory_space<vmem>> -> memref<80x32xf32, #tpu.memory_space<vmem>>
        %dma_start3A_1148 = arith.constant 0 : i32
        %dma_start3A_1149 = tpu.memref_slice %arg6[%dma_start3A_1141, %dma_start3A_1142, %dma_start3A_1148] : memref<2x20x80xi32, #tpu.memory_space<vmem>> -> memref<1x1x80xi32, #tpu.memory_space<vmem>>
        %dma_start3A_1150 = tpu.memref_squeeze %dma_start3A_1149 : memref<1x1x80xi32, #tpu.memory_space<vmem>> -> memref<80xi32, #tpu.memory_space<vmem>>
        %dma_start3A_1151 = arith.constant 0 : i32
        %dma_start3A_1152 = arith.constant 0 : i32
        %dma_start3A_1153 = tpu.memref_slice %arg3[%dma_start3A_1151, %dma_start3A_1152] : memref<1000000x32xf32, #tpu.memory_space<hbm>> -> memref<1000000x32xf32, #tpu.memory_space<hbm>>
        tpu.enqueue_indirect_dma source(%dma_start3A_1153 : memref<1000000x32xf32, #tpu.memory_space<hbm>>) target(%dma_start3A_1147 : memref<80x32xf32, #tpu.memory_space<vmem>>) offsets(%dma_start3A_1150 : memref<80xi32, #tpu.memory_space<vmem>>) semaphore(%arg10 : memref<!tpu.dma_semaphore, #tpu.memory_space<semaphore_mem>>)
        %dma_start3A_1154 = arith.constant 1 : i32
        %dma_start3A_1155 = arith.constant 18 : i32
        %dma_start3A_1156 = arith.constant 1 : i32
        %dma_start3A_1157 = arith.constant 1440 : i32
        %dma_start3A_1158 = arith.constant 0 : i32
        %dma_start3A_1159 = tpu.memref_slice %arg7[%dma_start3A_1156, %dma_start3A_1157, %dma_start3A_1158] : memref<2x1600x32xf32, #tpu.memory_space<vmem>> -> memref<1x80x32xf32, #tpu.memory_space<vmem>>
        %dma_start3A_1160 = tpu.memref_squeeze %dma_start3A_1159 : memref<1x80x32xf32, #tpu.memory_space<vmem>> -> memref<80x32xf32, #tpu.memory_space<vmem>>
        %dma_start3A_1161 = arith.constant 0 : i32
        %dma_start3A_1162 = tpu.memref_slice %arg6[%dma_start3A_1154, %dma_start3A_1155, %dma_start3A_1161] : memref<2x20x80xi32, #tpu.memory_space<vmem>> -> memref<1x1x80xi32, #tpu.memory_space<vmem>>
        %dma_start3A_1163 = tpu.memref_squeeze %dma_start3A_1162 : memref<1x1x80xi32, #tpu.memory_space<vmem>> -> memref<80xi32, #tpu.memory_space<vmem>>
        %dma_start3A_1164 = arith.constant 0 : i32
        %dma_start3A_1165 = arith.constant 0 : i32
        %dma_start3A_1166 = tpu.memref_slice %arg3[%dma_start3A_1164, %dma_start3A_1165] : memref<1000000x32xf32, #tpu.memory_space<hbm>> -> memref<1000000x32xf32, #tpu.memory_space<hbm>>
        tpu.enqueue_indirect_dma source(%dma_start3A_1166 : memref<1000000x32xf32, #tpu.memory_space<hbm>>) target(%dma_start3A_1160 : memref<80x32xf32, #tpu.memory_space<vmem>>) offsets(%dma_start3A_1163 : memref<80xi32, #tpu.memory_space<vmem>>) semaphore(%arg10 : memref<!tpu.dma_semaphore, #tpu.memory_space<semaphore_mem>>)
        %dma_start3A_1167 = arith.constant 1 : i32
        %dma_start3A_1168 = arith.constant 19 : i32
        %dma_start3A_1169 = arith.constant 1 : i32
        %dma_start3A_1170 = arith.constant 1520 : i32
        %dma_start3A_1171 = arith.constant 0 : i32
        %dma_start3A_1172 = tpu.memref_slice %arg7[%dma_start3A_1169, %dma_start3A_1170, %dma_start3A_1171] : memref<2x1600x32xf32, #tpu.memory_space<vmem>> -> memref<1x80x32xf32, #tpu.memory_space<vmem>>
        %dma_start3A_1173 = tpu.memref_squeeze %dma_start3A_1172 : memref<1x80x32xf32, #tpu.memory_space<vmem>> -> memref<80x32xf32, #tpu.memory_space<vmem>>
        %dma_start3A_1174 = arith.constant 0 : i32
        %dma_start3A_1175 = tpu.memref_slice %arg6[%dma_start3A_1167, %dma_start3A_1168, %dma_start3A_1174] : memref<2x20x80xi32, #tpu.memory_space<vmem>> -> memref<1x1x80xi32, #tpu.memory_space<vmem>>
        %dma_start3A_1176 = tpu.memref_squeeze %dma_start3A_1175 : memref<1x1x80xi32, #tpu.memory_space<vmem>> -> memref<80xi32, #tpu.memory_space<vmem>>
        %dma_start3A_1177 = arith.constant 0 : i32
        %dma_start3A_1178 = arith.constant 0 : i32
        %dma_start3A_1179 = tpu.memref_slice %arg3[%dma_start3A_1177, %dma_start3A_1178] : memref<1000000x32xf32, #tpu.memory_space<hbm>> -> memref<1000000x32xf32, #tpu.memory_space<hbm>>
        tpu.enqueue_indirect_dma source(%dma_start3A_1179 : memref<1000000x32xf32, #tpu.memory_space<hbm>>) target(%dma_start3A_1173 : memref<80x32xf32, #tpu.memory_space<vmem>>) offsets(%dma_start3A_1176 : memref<80xi32, #tpu.memory_space<vmem>>) semaphore(%arg10 : memref<!tpu.dma_semaphore, #tpu.memory_space<semaphore_mem>>)
      } else {
      }
      %dma_wait3A_325 = arith.constant 0 : i32
      %dma_wait3A_326 = arith.constant 0 : i32
      %dma_wait3A_327 = arith.constant 0 : i32
      %dma_wait3A_328 = arith.constant 0 : i32
      %dma_wait3A_329 = arith.constant 0 : i32
      %dma_wait3A_330 = tpu.memref_slice %arg7[%dma_wait3A_327, %dma_wait3A_328, %dma_wait3A_329] : memref<2x1600x32xf32, #tpu.memory_space<vmem>> -> memref<1x80x32xf32, #tpu.memory_space<vmem>>
      %dma_wait3A_331 = tpu.memref_squeeze %dma_wait3A_330 : memref<1x80x32xf32, #tpu.memory_space<vmem>> -> memref<80x32xf32, #tpu.memory_space<vmem>>
      %dma_wait3A_332 = arith.constant 0 : i32
      %dma_wait3A_333 = tpu.memref_slice %arg6[%dma_wait3A_325, %dma_wait3A_326, %dma_wait3A_332] : memref<2x20x80xi32, #tpu.memory_space<vmem>> -> memref<1x1x80xi32, #tpu.memory_space<vmem>>
      %dma_wait3A_334 = tpu.memref_squeeze %dma_wait3A_333 : memref<1x1x80xi32, #tpu.memory_space<vmem>> -> memref<80xi32, #tpu.memory_space<vmem>>
      %dma_wait3A_335 = arith.constant 0 : i32
      %dma_wait3A_336 = arith.constant 0 : i32
      %dma_wait3A_337 = tpu.memref_slice %arg3[%dma_wait3A_335, %dma_wait3A_336] : memref<1000000x32xf32, #tpu.memory_space<hbm>> -> memref<1000000x32xf32, #tpu.memory_space<hbm>>
      tpu.wait_indirect_dma semaphore(%arg9 : memref<!tpu.dma_semaphore, #tpu.memory_space<semaphore_mem>>) src(%dma_wait3A_337 : memref<1000000x32xf32, #tpu.memory_space<hbm>>) dst(%dma_wait3A_331 : memref<80x32xf32, #tpu.memory_space<vmem>>)
      %dma_wait3A_338 = arith.constant 0 : i32
      %dma_wait3A_339 = arith.constant 1 : i32
      %dma_wait3A_340 = arith.constant 0 : i32
      %dma_wait3A_341 = arith.constant 80 : i32
      %dma_wait3A_342 = arith.constant 0 : i32
      %dma_wait3A_343 = tpu.memref_slice %arg7[%dma_wait3A_340, %dma_wait3A_341, %dma_wait3A_342] : memref<2x1600x32xf32, #tpu.memory_space<vmem>> -> memref<1x80x32xf32, #tpu.memory_space<vmem>>
      %dma_wait3A_344 = tpu.memref_squeeze %dma_wait3A_343 : memref<1x80x32xf32, #tpu.memory_space<vmem>> -> memref<80x32xf32, #tpu.memory_space<vmem>>
      %dma_wait3A_345 = arith.constant 0 : i32
      %dma_wait3A_346 = tpu.memref_slice %arg6[%dma_wait3A_338, %dma_wait3A_339, %dma_wait3A_345] : memref<2x20x80xi32, #tpu.memory_space<vmem>> -> memref<1x1x80xi32, #tpu.memory_space<vmem>>
      %dma_wait3A_347 = tpu.memref_squeeze %dma_wait3A_346 : memref<1x1x80xi32, #tpu.memory_space<vmem>> -> memref<80xi32, #tpu.memory_space<vmem>>
      %dma_wait3A_348 = arith.constant 0 : i32
      %dma_wait3A_349 = arith.constant 0 : i32
      %dma_wait3A_350 = tpu.memref_slice %arg3[%dma_wait3A_348, %dma_wait3A_349] : memref<1000000x32xf32, #tpu.memory_space<hbm>> -> memref<1000000x32xf32, #tpu.memory_space<hbm>>
      tpu.wait_indirect_dma semaphore(%arg9 : memref<!tpu.dma_semaphore, #tpu.memory_space<semaphore_mem>>) src(%dma_wait3A_350 : memref<1000000x32xf32, #tpu.memory_space<hbm>>) dst(%dma_wait3A_344 : memref<80x32xf32, #tpu.memory_space<vmem>>)
      %dma_wait3A_351 = arith.constant 0 : i32
      %dma_wait3A_352 = arith.constant 2 : i32
      %dma_wait3A_353 = arith.constant 0 : i32
      %dma_wait3A_354 = arith.constant 160 : i32
      %dma_wait3A_355 = arith.constant 0 : i32
      %dma_wait3A_356 = tpu.memref_slice %arg7[%dma_wait3A_353, %dma_wait3A_354, %dma_wait3A_355] : memref<2x1600x32xf32, #tpu.memory_space<vmem>> -> memref<1x80x32xf32, #tpu.memory_space<vmem>>
      %dma_wait3A_357 = tpu.memref_squeeze %dma_wait3A_356 : memref<1x80x32xf32, #tpu.memory_space<vmem>> -> memref<80x32xf32, #tpu.memory_space<vmem>>
      %dma_wait3A_358 = arith.constant 0 : i32
      %dma_wait3A_359 = tpu.memref_slice %arg6[%dma_wait3A_351, %dma_wait3A_352, %dma_wait3A_358] : memref<2x20x80xi32, #tpu.memory_space<vmem>> -> memref<1x1x80xi32, #tpu.memory_space<vmem>>
      %dma_wait3A_360 = tpu.memref_squeeze %dma_wait3A_359 : memref<1x1x80xi32, #tpu.memory_space<vmem>> -> memref<80xi32, #tpu.memory_space<vmem>>
      %dma_wait3A_361 = arith.constant 0 : i32
      %dma_wait3A_362 = arith.constant 0 : i32
      %dma_wait3A_363 = tpu.memref_slice %arg3[%dma_wait3A_361, %dma_wait3A_362] : memref<1000000x32xf32, #tpu.memory_space<hbm>> -> memref<1000000x32xf32, #tpu.memory_space<hbm>>
      tpu.wait_indirect_dma semaphore(%arg9 : memref<!tpu.dma_semaphore, #tpu.memory_space<semaphore_mem>>) src(%dma_wait3A_363 : memref<1000000x32xf32, #tpu.memory_space<hbm>>) dst(%dma_wait3A_357 : memref<80x32xf32, #tpu.memory_space<vmem>>)
      %dma_wait3A_364 = arith.constant 0 : i32
      %dma_wait3A_365 = arith.constant 3 : i32
      %dma_wait3A_366 = arith.constant 0 : i32
      %dma_wait3A_367 = arith.constant 240 : i32
      %dma_wait3A_368 = arith.constant 0 : i32
      %dma_wait3A_369 = tpu.memref_slice %arg7[%dma_wait3A_366, %dma_wait3A_367, %dma_wait3A_368] : memref<2x1600x32xf32, #tpu.memory_space<vmem>> -> memref<1x80x32xf32, #tpu.memory_space<vmem>>
      %dma_wait3A_370 = tpu.memref_squeeze %dma_wait3A_369 : memref<1x80x32xf32, #tpu.memory_space<vmem>> -> memref<80x32xf32, #tpu.memory_space<vmem>>
      %dma_wait3A_371 = arith.constant 0 : i32
      %dma_wait3A_372 = tpu.memref_slice %arg6[%dma_wait3A_364, %dma_wait3A_365, %dma_wait3A_371] : memref<2x20x80xi32, #tpu.memory_space<vmem>> -> memref<1x1x80xi32, #tpu.memory_space<vmem>>
      %dma_wait3A_373 = tpu.memref_squeeze %dma_wait3A_372 : memref<1x1x80xi32, #tpu.memory_space<vmem>> -> memref<80xi32, #tpu.memory_space<vmem>>
      %dma_wait3A_374 = arith.constant 0 : i32
      %dma_wait3A_375 = arith.constant 0 : i32
      %dma_wait3A_376 = tpu.memref_slice %arg3[%dma_wait3A_374, %dma_wait3A_375] : memref<1000000x32xf32, #tpu.memory_space<hbm>> -> memref<1000000x32xf32, #tpu.memory_space<hbm>>
      tpu.wait_indirect_dma semaphore(%arg9 : memref<!tpu.dma_semaphore, #tpu.memory_space<semaphore_mem>>) src(%dma_wait3A_376 : memref<1000000x32xf32, #tpu.memory_space<hbm>>) dst(%dma_wait3A_370 : memref<80x32xf32, #tpu.memory_space<vmem>>)
      %dma_wait3A_377 = arith.constant 0 : i32
      %dma_wait3A_378 = arith.constant 4 : i32
      %dma_wait3A_379 = arith.constant 0 : i32
      %dma_wait3A_380 = arith.constant 320 : i32
      %dma_wait3A_381 = arith.constant 0 : i32
      %dma_wait3A_382 = tpu.memref_slice %arg7[%dma_wait3A_379, %dma_wait3A_380, %dma_wait3A_381] : memref<2x1600x32xf32, #tpu.memory_space<vmem>> -> memref<1x80x32xf32, #tpu.memory_space<vmem>>
      %dma_wait3A_383 = tpu.memref_squeeze %dma_wait3A_382 : memref<1x80x32xf32, #tpu.memory_space<vmem>> -> memref<80x32xf32, #tpu.memory_space<vmem>>
      %dma_wait3A_384 = arith.constant 0 : i32
      %dma_wait3A_385 = tpu.memref_slice %arg6[%dma_wait3A_377, %dma_wait3A_378, %dma_wait3A_384] : memref<2x20x80xi32, #tpu.memory_space<vmem>> -> memref<1x1x80xi32, #tpu.memory_space<vmem>>
      %dma_wait3A_386 = tpu.memref_squeeze %dma_wait3A_385 : memref<1x1x80xi32, #tpu.memory_space<vmem>> -> memref<80xi32, #tpu.memory_space<vmem>>
      %dma_wait3A_387 = arith.constant 0 : i32
      %dma_wait3A_388 = arith.constant 0 : i32
      %dma_wait3A_389 = tpu.memref_slice %arg3[%dma_wait3A_387, %dma_wait3A_388] : memref<1000000x32xf32, #tpu.memory_space<hbm>> -> memref<1000000x32xf32, #tpu.memory_space<hbm>>
      tpu.wait_indirect_dma semaphore(%arg9 : memref<!tpu.dma_semaphore, #tpu.memory_space<semaphore_mem>>) src(%dma_wait3A_389 : memref<1000000x32xf32, #tpu.memory_space<hbm>>) dst(%dma_wait3A_383 : memref<80x32xf32, #tpu.memory_space<vmem>>)
      %dma_wait3A_390 = arith.constant 0 : i32
      %dma_wait3A_391 = arith.constant 5 : i32
      %dma_wait3A_392 = arith.constant 0 : i32
      %dma_wait3A_393 = arith.constant 400 : i32
      %dma_wait3A_394 = arith.constant 0 : i32
      %dma_wait3A_395 = tpu.memref_slice %arg7[%dma_wait3A_392, %dma_wait3A_393, %dma_wait3A_394] : memref<2x1600x32xf32, #tpu.memory_space<vmem>> -> memref<1x80x32xf32, #tpu.memory_space<vmem>>
      %dma_wait3A_396 = tpu.memref_squeeze %dma_wait3A_395 : memref<1x80x32xf32, #tpu.memory_space<vmem>> -> memref<80x32xf32, #tpu.memory_space<vmem>>
      %dma_wait3A_397 = arith.constant 0 : i32
      %dma_wait3A_398 = tpu.memref_slice %arg6[%dma_wait3A_390, %dma_wait3A_391, %dma_wait3A_397] : memref<2x20x80xi32, #tpu.memory_space<vmem>> -> memref<1x1x80xi32, #tpu.memory_space<vmem>>
      %dma_wait3A_399 = tpu.memref_squeeze %dma_wait3A_398 : memref<1x1x80xi32, #tpu.memory_space<vmem>> -> memref<80xi32, #tpu.memory_space<vmem>>
      %dma_wait3A_400 = arith.constant 0 : i32
      %dma_wait3A_401 = arith.constant 0 : i32
      %dma_wait3A_402 = tpu.memref_slice %arg3[%dma_wait3A_400, %dma_wait3A_401] : memref<1000000x32xf32, #tpu.memory_space<hbm>> -> memref<1000000x32xf32, #tpu.memory_space<hbm>>
      tpu.wait_indirect_dma semaphore(%arg9 : memref<!tpu.dma_semaphore, #tpu.memory_space<semaphore_mem>>) src(%dma_wait3A_402 : memref<1000000x32xf32, #tpu.memory_space<hbm>>) dst(%dma_wait3A_396 : memref<80x32xf32, #tpu.memory_space<vmem>>)
      %dma_wait3A_403 = arith.constant 0 : i32
      %dma_wait3A_404 = arith.constant 6 : i32
      %dma_wait3A_405 = arith.constant 0 : i32
      %dma_wait3A_406 = arith.constant 480 : i32
      %dma_wait3A_407 = arith.constant 0 : i32
      %dma_wait3A_408 = tpu.memref_slice %arg7[%dma_wait3A_405, %dma_wait3A_406, %dma_wait3A_407] : memref<2x1600x32xf32, #tpu.memory_space<vmem>> -> memref<1x80x32xf32, #tpu.memory_space<vmem>>
      %dma_wait3A_409 = tpu.memref_squeeze %dma_wait3A_408 : memref<1x80x32xf32, #tpu.memory_space<vmem>> -> memref<80x32xf32, #tpu.memory_space<vmem>>
      %dma_wait3A_410 = arith.constant 0 : i32
      %dma_wait3A_411 = tpu.memref_slice %arg6[%dma_wait3A_403, %dma_wait3A_404, %dma_wait3A_410] : memref<2x20x80xi32, #tpu.memory_space<vmem>> -> memref<1x1x80xi32, #tpu.memory_space<vmem>>
      %dma_wait3A_412 = tpu.memref_squeeze %dma_wait3A_411 : memref<1x1x80xi32, #tpu.memory_space<vmem>> -> memref<80xi32, #tpu.memory_space<vmem>>
      %dma_wait3A_413 = arith.constant 0 : i32
      %dma_wait3A_414 = arith.constant 0 : i32
      %dma_wait3A_415 = tpu.memref_slice %arg3[%dma_wait3A_413, %dma_wait3A_414] : memref<1000000x32xf32, #tpu.memory_space<hbm>> -> memref<1000000x32xf32, #tpu.memory_space<hbm>>
      tpu.wait_indirect_dma semaphore(%arg9 : memref<!tpu.dma_semaphore, #tpu.memory_space<semaphore_mem>>) src(%dma_wait3A_415 : memref<1000000x32xf32, #tpu.memory_space<hbm>>) dst(%dma_wait3A_409 : memref<80x32xf32, #tpu.memory_space<vmem>>)
      %dma_wait3A_416 = arith.constant 0 : i32
      %dma_wait3A_417 = arith.constant 7 : i32
      %dma_wait3A_418 = arith.constant 0 : i32
      %dma_wait3A_419 = arith.constant 560 : i32
      %dma_wait3A_420 = arith.constant 0 : i32
      %dma_wait3A_421 = tpu.memref_slice %arg7[%dma_wait3A_418, %dma_wait3A_419, %dma_wait3A_420] : memref<2x1600x32xf32, #tpu.memory_space<vmem>> -> memref<1x80x32xf32, #tpu.memory_space<vmem>>
      %dma_wait3A_422 = tpu.memref_squeeze %dma_wait3A_421 : memref<1x80x32xf32, #tpu.memory_space<vmem>> -> memref<80x32xf32, #tpu.memory_space<vmem>>
      %dma_wait3A_423 = arith.constant 0 : i32
      %dma_wait3A_424 = tpu.memref_slice %arg6[%dma_wait3A_416, %dma_wait3A_417, %dma_wait3A_423] : memref<2x20x80xi32, #tpu.memory_space<vmem>> -> memref<1x1x80xi32, #tpu.memory_space<vmem>>
      %dma_wait3A_425 = tpu.memref_squeeze %dma_wait3A_424 : memref<1x1x80xi32, #tpu.memory_space<vmem>> -> memref<80xi32, #tpu.memory_space<vmem>>
      %dma_wait3A_426 = arith.constant 0 : i32
      %dma_wait3A_427 = arith.constant 0 : i32
      %dma_wait3A_428 = tpu.memref_slice %arg3[%dma_wait3A_426, %dma_wait3A_427] : memref<1000000x32xf32, #tpu.memory_space<hbm>> -> memref<1000000x32xf32, #tpu.memory_space<hbm>>
      tpu.wait_indirect_dma semaphore(%arg9 : memref<!tpu.dma_semaphore, #tpu.memory_space<semaphore_mem>>) src(%dma_wait3A_428 : memref<1000000x32xf32, #tpu.memory_space<hbm>>) dst(%dma_wait3A_422 : memref<80x32xf32, #tpu.memory_space<vmem>>)
      %dma_wait3A_429 = arith.constant 0 : i32
      %dma_wait3A_430 = arith.constant 8 : i32
      %dma_wait3A_431 = arith.constant 0 : i32
      %dma_wait3A_432 = arith.constant 640 : i32
      %dma_wait3A_433 = arith.constant 0 : i32
      %dma_wait3A_434 = tpu.memref_slice %arg7[%dma_wait3A_431, %dma_wait3A_432, %dma_wait3A_433] : memref<2x1600x32xf32, #tpu.memory_space<vmem>> -> memref<1x80x32xf32, #tpu.memory_space<vmem>>
      %dma_wait3A_435 = tpu.memref_squeeze %dma_wait3A_434 : memref<1x80x32xf32, #tpu.memory_space<vmem>> -> memref<80x32xf32, #tpu.memory_space<vmem>>
      %dma_wait3A_436 = arith.constant 0 : i32
      %dma_wait3A_437 = tpu.memref_slice %arg6[%dma_wait3A_429, %dma_wait3A_430, %dma_wait3A_436] : memref<2x20x80xi32, #tpu.memory_space<vmem>> -> memref<1x1x80xi32, #tpu.memory_space<vmem>>
      %dma_wait3A_438 = tpu.memref_squeeze %dma_wait3A_437 : memref<1x1x80xi32, #tpu.memory_space<vmem>> -> memref<80xi32, #tpu.memory_space<vmem>>
      %dma_wait3A_439 = arith.constant 0 : i32
      %dma_wait3A_440 = arith.constant 0 : i32
      %dma_wait3A_441 = tpu.memref_slice %arg3[%dma_wait3A_439, %dma_wait3A_440] : memref<1000000x32xf32, #tpu.memory_space<hbm>> -> memref<1000000x32xf32, #tpu.memory_space<hbm>>
      tpu.wait_indirect_dma semaphore(%arg9 : memref<!tpu.dma_semaphore, #tpu.memory_space<semaphore_mem>>) src(%dma_wait3A_441 : memref<1000000x32xf32, #tpu.memory_space<hbm>>) dst(%dma_wait3A_435 : memref<80x32xf32, #tpu.memory_space<vmem>>)
      %dma_wait3A_442 = arith.constant 0 : i32
      %dma_wait3A_443 = arith.constant 9 : i32
      %dma_wait3A_444 = arith.constant 0 : i32
      %dma_wait3A_445 = arith.constant 720 : i32
      %dma_wait3A_446 = arith.constant 0 : i32
      %dma_wait3A_447 = tpu.memref_slice %arg7[%dma_wait3A_444, %dma_wait3A_445, %dma_wait3A_446] : memref<2x1600x32xf32, #tpu.memory_space<vmem>> -> memref<1x80x32xf32, #tpu.memory_space<vmem>>
      %dma_wait3A_448 = tpu.memref_squeeze %dma_wait3A_447 : memref<1x80x32xf32, #tpu.memory_space<vmem>> -> memref<80x32xf32, #tpu.memory_space<vmem>>
      %dma_wait3A_449 = arith.constant 0 : i32
      %dma_wait3A_450 = tpu.memref_slice %arg6[%dma_wait3A_442, %dma_wait3A_443, %dma_wait3A_449] : memref<2x20x80xi32, #tpu.memory_space<vmem>> -> memref<1x1x80xi32, #tpu.memory_space<vmem>>
      %dma_wait3A_451 = tpu.memref_squeeze %dma_wait3A_450 : memref<1x1x80xi32, #tpu.memory_space<vmem>> -> memref<80xi32, #tpu.memory_space<vmem>>
      %dma_wait3A_452 = arith.constant 0 : i32
      %dma_wait3A_453 = arith.constant 0 : i32
      %dma_wait3A_454 = tpu.memref_slice %arg3[%dma_wait3A_452, %dma_wait3A_453] : memref<1000000x32xf32, #tpu.memory_space<hbm>> -> memref<1000000x32xf32, #tpu.memory_space<hbm>>
      tpu.wait_indirect_dma semaphore(%arg9 : memref<!tpu.dma_semaphore, #tpu.memory_space<semaphore_mem>>) src(%dma_wait3A_454 : memref<1000000x32xf32, #tpu.memory_space<hbm>>) dst(%dma_wait3A_448 : memref<80x32xf32, #tpu.memory_space<vmem>>)
      %dma_wait3A_455 = arith.constant 0 : i32
      %dma_wait3A_456 = arith.constant 10 : i32
      %dma_wait3A_457 = arith.constant 0 : i32
      %dma_wait3A_458 = arith.constant 800 : i32
      %dma_wait3A_459 = arith.constant 0 : i32
      %dma_wait3A_460 = tpu.memref_slice %arg7[%dma_wait3A_457, %dma_wait3A_458, %dma_wait3A_459] : memref<2x1600x32xf32, #tpu.memory_space<vmem>> -> memref<1x80x32xf32, #tpu.memory_space<vmem>>
      %dma_wait3A_461 = tpu.memref_squeeze %dma_wait3A_460 : memref<1x80x32xf32, #tpu.memory_space<vmem>> -> memref<80x32xf32, #tpu.memory_space<vmem>>
      %dma_wait3A_462 = arith.constant 0 : i32
      %dma_wait3A_463 = tpu.memref_slice %arg6[%dma_wait3A_455, %dma_wait3A_456, %dma_wait3A_462] : memref<2x20x80xi32, #tpu.memory_space<vmem>> -> memref<1x1x80xi32, #tpu.memory_space<vmem>>
      %dma_wait3A_464 = tpu.memref_squeeze %dma_wait3A_463 : memref<1x1x80xi32, #tpu.memory_space<vmem>> -> memref<80xi32, #tpu.memory_space<vmem>>
      %dma_wait3A_465 = arith.constant 0 : i32
      %dma_wait3A_466 = arith.constant 0 : i32
      %dma_wait3A_467 = tpu.memref_slice %arg3[%dma_wait3A_465, %dma_wait3A_466] : memref<1000000x32xf32, #tpu.memory_space<hbm>> -> memref<1000000x32xf32, #tpu.memory_space<hbm>>
      tpu.wait_indirect_dma semaphore(%arg9 : memref<!tpu.dma_semaphore, #tpu.memory_space<semaphore_mem>>) src(%dma_wait3A_467 : memref<1000000x32xf32, #tpu.memory_space<hbm>>) dst(%dma_wait3A_461 : memref<80x32xf32, #tpu.memory_space<vmem>>)
      %dma_wait3A_468 = arith.constant 0 : i32
      %dma_wait3A_469 = arith.constant 11 : i32
      %dma_wait3A_470 = arith.constant 0 : i32
      %dma_wait3A_471 = arith.constant 880 : i32
      %dma_wait3A_472 = arith.constant 0 : i32
      %dma_wait3A_473 = tpu.memref_slice %arg7[%dma_wait3A_470, %dma_wait3A_471, %dma_wait3A_472] : memref<2x1600x32xf32, #tpu.memory_space<vmem>> -> memref<1x80x32xf32, #tpu.memory_space<vmem>>
      %dma_wait3A_474 = tpu.memref_squeeze %dma_wait3A_473 : memref<1x80x32xf32, #tpu.memory_space<vmem>> -> memref<80x32xf32, #tpu.memory_space<vmem>>
      %dma_wait3A_475 = arith.constant 0 : i32
      %dma_wait3A_476 = tpu.memref_slice %arg6[%dma_wait3A_468, %dma_wait3A_469, %dma_wait3A_475] : memref<2x20x80xi32, #tpu.memory_space<vmem>> -> memref<1x1x80xi32, #tpu.memory_space<vmem>>
      %dma_wait3A_477 = tpu.memref_squeeze %dma_wait3A_476 : memref<1x1x80xi32, #tpu.memory_space<vmem>> -> memref<80xi32, #tpu.memory_space<vmem>>
      %dma_wait3A_478 = arith.constant 0 : i32
      %dma_wait3A_479 = arith.constant 0 : i32
      %dma_wait3A_480 = tpu.memref_slice %arg3[%dma_wait3A_478, %dma_wait3A_479] : memref<1000000x32xf32, #tpu.memory_space<hbm>> -> memref<1000000x32xf32, #tpu.memory_space<hbm>>
      tpu.wait_indirect_dma semaphore(%arg9 : memref<!tpu.dma_semaphore, #tpu.memory_space<semaphore_mem>>) src(%dma_wait3A_480 : memref<1000000x32xf32, #tpu.memory_space<hbm>>) dst(%dma_wait3A_474 : memref<80x32xf32, #tpu.memory_space<vmem>>)
      %dma_wait3A_481 = arith.constant 0 : i32
      %dma_wait3A_482 = arith.constant 12 : i32
      %dma_wait3A_483 = arith.constant 0 : i32
      %dma_wait3A_484 = arith.constant 960 : i32
      %dma_wait3A_485 = arith.constant 0 : i32
      %dma_wait3A_486 = tpu.memref_slice %arg7[%dma_wait3A_483, %dma_wait3A_484, %dma_wait3A_485] : memref<2x1600x32xf32, #tpu.memory_space<vmem>> -> memref<1x80x32xf32, #tpu.memory_space<vmem>>
      %dma_wait3A_487 = tpu.memref_squeeze %dma_wait3A_486 : memref<1x80x32xf32, #tpu.memory_space<vmem>> -> memref<80x32xf32, #tpu.memory_space<vmem>>
      %dma_wait3A_488 = arith.constant 0 : i32
      %dma_wait3A_489 = tpu.memref_slice %arg6[%dma_wait3A_481, %dma_wait3A_482, %dma_wait3A_488] : memref<2x20x80xi32, #tpu.memory_space<vmem>> -> memref<1x1x80xi32, #tpu.memory_space<vmem>>
      %dma_wait3A_490 = tpu.memref_squeeze %dma_wait3A_489 : memref<1x1x80xi32, #tpu.memory_space<vmem>> -> memref<80xi32, #tpu.memory_space<vmem>>
      %dma_wait3A_491 = arith.constant 0 : i32
      %dma_wait3A_492 = arith.constant 0 : i32
      %dma_wait3A_493 = tpu.memref_slice %arg3[%dma_wait3A_491, %dma_wait3A_492] : memref<1000000x32xf32, #tpu.memory_space<hbm>> -> memref<1000000x32xf32, #tpu.memory_space<hbm>>
      tpu.wait_indirect_dma semaphore(%arg9 : memref<!tpu.dma_semaphore, #tpu.memory_space<semaphore_mem>>) src(%dma_wait3A_493 : memref<1000000x32xf32, #tpu.memory_space<hbm>>) dst(%dma_wait3A_487 : memref<80x32xf32, #tpu.memory_space<vmem>>)
      %dma_wait3A_494 = arith.constant 0 : i32
      %dma_wait3A_495 = arith.constant 13 : i32
      %dma_wait3A_496 = arith.constant 0 : i32
      %dma_wait3A_497 = arith.constant 1040 : i32
      %dma_wait3A_498 = arith.constant 0 : i32
      %dma_wait3A_499 = tpu.memref_slice %arg7[%dma_wait3A_496, %dma_wait3A_497, %dma_wait3A_498] : memref<2x1600x32xf32, #tpu.memory_space<vmem>> -> memref<1x80x32xf32, #tpu.memory_space<vmem>>
      %dma_wait3A_500 = tpu.memref_squeeze %dma_wait3A_499 : memref<1x80x32xf32, #tpu.memory_space<vmem>> -> memref<80x32xf32, #tpu.memory_space<vmem>>
      %dma_wait3A_501 = arith.constant 0 : i32
      %dma_wait3A_502 = tpu.memref_slice %arg6[%dma_wait3A_494, %dma_wait3A_495, %dma_wait3A_501] : memref<2x20x80xi32, #tpu.memory_space<vmem>> -> memref<1x1x80xi32, #tpu.memory_space<vmem>>
      %dma_wait3A_503 = tpu.memref_squeeze %dma_wait3A_502 : memref<1x1x80xi32, #tpu.memory_space<vmem>> -> memref<80xi32, #tpu.memory_space<vmem>>
      %dma_wait3A_504 = arith.constant 0 : i32
      %dma_wait3A_505 = arith.constant 0 : i32
      %dma_wait3A_506 = tpu.memref_slice %arg3[%dma_wait3A_504, %dma_wait3A_505] : memref<1000000x32xf32, #tpu.memory_space<hbm>> -> memref<1000000x32xf32, #tpu.memory_space<hbm>>
      tpu.wait_indirect_dma semaphore(%arg9 : memref<!tpu.dma_semaphore, #tpu.memory_space<semaphore_mem>>) src(%dma_wait3A_506 : memref<1000000x32xf32, #tpu.memory_space<hbm>>) dst(%dma_wait3A_500 : memref<80x32xf32, #tpu.memory_space<vmem>>)
      %dma_wait3A_507 = arith.constant 0 : i32
      %dma_wait3A_508 = arith.constant 14 : i32
      %dma_wait3A_509 = arith.constant 0 : i32
      %dma_wait3A_510 = arith.constant 1120 : i32
      %dma_wait3A_511 = arith.constant 0 : i32
      %dma_wait3A_512 = tpu.memref_slice %arg7[%dma_wait3A_509, %dma_wait3A_510, %dma_wait3A_511] : memref<2x1600x32xf32, #tpu.memory_space<vmem>> -> memref<1x80x32xf32, #tpu.memory_space<vmem>>
      %dma_wait3A_513 = tpu.memref_squeeze %dma_wait3A_512 : memref<1x80x32xf32, #tpu.memory_space<vmem>> -> memref<80x32xf32, #tpu.memory_space<vmem>>
      %dma_wait3A_514 = arith.constant 0 : i32
      %dma_wait3A_515 = tpu.memref_slice %arg6[%dma_wait3A_507, %dma_wait3A_508, %dma_wait3A_514] : memref<2x20x80xi32, #tpu.memory_space<vmem>> -> memref<1x1x80xi32, #tpu.memory_space<vmem>>
      %dma_wait3A_516 = tpu.memref_squeeze %dma_wait3A_515 : memref<1x1x80xi32, #tpu.memory_space<vmem>> -> memref<80xi32, #tpu.memory_space<vmem>>
      %dma_wait3A_517 = arith.constant 0 : i32
      %dma_wait3A_518 = arith.constant 0 : i32
      %dma_wait3A_519 = tpu.memref_slice %arg3[%dma_wait3A_517, %dma_wait3A_518] : memref<1000000x32xf32, #tpu.memory_space<hbm>> -> memref<1000000x32xf32, #tpu.memory_space<hbm>>
      tpu.wait_indirect_dma semaphore(%arg9 : memref<!tpu.dma_semaphore, #tpu.memory_space<semaphore_mem>>) src(%dma_wait3A_519 : memref<1000000x32xf32, #tpu.memory_space<hbm>>) dst(%dma_wait3A_513 : memref<80x32xf32, #tpu.memory_space<vmem>>)
      %dma_wait3A_520 = arith.constant 0 : i32
      %dma_wait3A_521 = arith.constant 15 : i32
      %dma_wait3A_522 = arith.constant 0 : i32
      %dma_wait3A_523 = arith.constant 1200 : i32
      %dma_wait3A_524 = arith.constant 0 : i32
      %dma_wait3A_525 = tpu.memref_slice %arg7[%dma_wait3A_522, %dma_wait3A_523, %dma_wait3A_524] : memref<2x1600x32xf32, #tpu.memory_space<vmem>> -> memref<1x80x32xf32, #tpu.memory_space<vmem>>
      %dma_wait3A_526 = tpu.memref_squeeze %dma_wait3A_525 : memref<1x80x32xf32, #tpu.memory_space<vmem>> -> memref<80x32xf32, #tpu.memory_space<vmem>>
      %dma_wait3A_527 = arith.constant 0 : i32
      %dma_wait3A_528 = tpu.memref_slice %arg6[%dma_wait3A_520, %dma_wait3A_521, %dma_wait3A_527] : memref<2x20x80xi32, #tpu.memory_space<vmem>> -> memref<1x1x80xi32, #tpu.memory_space<vmem>>
      %dma_wait3A_529 = tpu.memref_squeeze %dma_wait3A_528 : memref<1x1x80xi32, #tpu.memory_space<vmem>> -> memref<80xi32, #tpu.memory_space<vmem>>
      %dma_wait3A_530 = arith.constant 0 : i32
      %dma_wait3A_531 = arith.constant 0 : i32
      %dma_wait3A_532 = tpu.memref_slice %arg3[%dma_wait3A_530, %dma_wait3A_531] : memref<1000000x32xf32, #tpu.memory_space<hbm>> -> memref<1000000x32xf32, #tpu.memory_space<hbm>>
      tpu.wait_indirect_dma semaphore(%arg9 : memref<!tpu.dma_semaphore, #tpu.memory_space<semaphore_mem>>) src(%dma_wait3A_532 : memref<1000000x32xf32, #tpu.memory_space<hbm>>) dst(%dma_wait3A_526 : memref<80x32xf32, #tpu.memory_space<vmem>>)
      %dma_wait3A_533 = arith.constant 0 : i32
      %dma_wait3A_534 = arith.constant 16 : i32
      %dma_wait3A_535 = arith.constant 0 : i32
      %dma_wait3A_536 = arith.constant 1280 : i32
      %dma_wait3A_537 = arith.constant 0 : i32
      %dma_wait3A_538 = tpu.memref_slice %arg7[%dma_wait3A_535, %dma_wait3A_536, %dma_wait3A_537] : memref<2x1600x32xf32, #tpu.memory_space<vmem>> -> memref<1x80x32xf32, #tpu.memory_space<vmem>>
      %dma_wait3A_539 = tpu.memref_squeeze %dma_wait3A_538 : memref<1x80x32xf32, #tpu.memory_space<vmem>> -> memref<80x32xf32, #tpu.memory_space<vmem>>
      %dma_wait3A_540 = arith.constant 0 : i32
      %dma_wait3A_541 = tpu.memref_slice %arg6[%dma_wait3A_533, %dma_wait3A_534, %dma_wait3A_540] : memref<2x20x80xi32, #tpu.memory_space<vmem>> -> memref<1x1x80xi32, #tpu.memory_space<vmem>>
      %dma_wait3A_542 = tpu.memref_squeeze %dma_wait3A_541 : memref<1x1x80xi32, #tpu.memory_space<vmem>> -> memref<80xi32, #tpu.memory_space<vmem>>
      %dma_wait3A_543 = arith.constant 0 : i32
      %dma_wait3A_544 = arith.constant 0 : i32
      %dma_wait3A_545 = tpu.memref_slice %arg3[%dma_wait3A_543, %dma_wait3A_544] : memref<1000000x32xf32, #tpu.memory_space<hbm>> -> memref<1000000x32xf32, #tpu.memory_space<hbm>>
      tpu.wait_indirect_dma semaphore(%arg9 : memref<!tpu.dma_semaphore, #tpu.memory_space<semaphore_mem>>) src(%dma_wait3A_545 : memref<1000000x32xf32, #tpu.memory_space<hbm>>) dst(%dma_wait3A_539 : memref<80x32xf32, #tpu.memory_space<vmem>>)
      %dma_wait3A_546 = arith.constant 0 : i32
      %dma_wait3A_547 = arith.constant 17 : i32
      %dma_wait3A_548 = arith.constant 0 : i32
      %dma_wait3A_549 = arith.constant 1360 : i32
      %dma_wait3A_550 = arith.constant 0 : i32
      %dma_wait3A_551 = tpu.memref_slice %arg7[%dma_wait3A_548, %dma_wait3A_549, %dma_wait3A_550] : memref<2x1600x32xf32, #tpu.memory_space<vmem>> -> memref<1x80x32xf32, #tpu.memory_space<vmem>>
      %dma_wait3A_552 = tpu.memref_squeeze %dma_wait3A_551 : memref<1x80x32xf32, #tpu.memory_space<vmem>> -> memref<80x32xf32, #tpu.memory_space<vmem>>
      %dma_wait3A_553 = arith.constant 0 : i32
      %dma_wait3A_554 = tpu.memref_slice %arg6[%dma_wait3A_546, %dma_wait3A_547, %dma_wait3A_553] : memref<2x20x80xi32, #tpu.memory_space<vmem>> -> memref<1x1x80xi32, #tpu.memory_space<vmem>>
      %dma_wait3A_555 = tpu.memref_squeeze %dma_wait3A_554 : memref<1x1x80xi32, #tpu.memory_space<vmem>> -> memref<80xi32, #tpu.memory_space<vmem>>
      %dma_wait3A_556 = arith.constant 0 : i32
      %dma_wait3A_557 = arith.constant 0 : i32
      %dma_wait3A_558 = tpu.memref_slice %arg3[%dma_wait3A_556, %dma_wait3A_557] : memref<1000000x32xf32, #tpu.memory_space<hbm>> -> memref<1000000x32xf32, #tpu.memory_space<hbm>>
      tpu.wait_indirect_dma semaphore(%arg9 : memref<!tpu.dma_semaphore, #tpu.memory_space<semaphore_mem>>) src(%dma_wait3A_558 : memref<1000000x32xf32, #tpu.memory_space<hbm>>) dst(%dma_wait3A_552 : memref<80x32xf32, #tpu.memory_space<vmem>>)
      %dma_wait3A_559 = arith.constant 0 : i32
      %dma_wait3A_560 = arith.constant 18 : i32
      %dma_wait3A_561 = arith.constant 0 : i32
      %dma_wait3A_562 = arith.constant 1440 : i32
      %dma_wait3A_563 = arith.constant 0 : i32
      %dma_wait3A_564 = tpu.memref_slice %arg7[%dma_wait3A_561, %dma_wait3A_562, %dma_wait3A_563] : memref<2x1600x32xf32, #tpu.memory_space<vmem>> -> memref<1x80x32xf32, #tpu.memory_space<vmem>>
      %dma_wait3A_565 = tpu.memref_squeeze %dma_wait3A_564 : memref<1x80x32xf32, #tpu.memory_space<vmem>> -> memref<80x32xf32, #tpu.memory_space<vmem>>
      %dma_wait3A_566 = arith.constant 0 : i32
      %dma_wait3A_567 = tpu.memref_slice %arg6[%dma_wait3A_559, %dma_wait3A_560, %dma_wait3A_566] : memref<2x20x80xi32, #tpu.memory_space<vmem>> -> memref<1x1x80xi32, #tpu.memory_space<vmem>>
      %dma_wait3A_568 = tpu.memref_squeeze %dma_wait3A_567 : memref<1x1x80xi32, #tpu.memory_space<vmem>> -> memref<80xi32, #tpu.memory_space<vmem>>
      %dma_wait3A_569 = arith.constant 0 : i32
      %dma_wait3A_570 = arith.constant 0 : i32
      %dma_wait3A_571 = tpu.memref_slice %arg3[%dma_wait3A_569, %dma_wait3A_570] : memref<1000000x32xf32, #tpu.memory_space<hbm>> -> memref<1000000x32xf32, #tpu.memory_space<hbm>>
      tpu.wait_indirect_dma semaphore(%arg9 : memref<!tpu.dma_semaphore, #tpu.memory_space<semaphore_mem>>) src(%dma_wait3A_571 : memref<1000000x32xf32, #tpu.memory_space<hbm>>) dst(%dma_wait3A_565 : memref<80x32xf32, #tpu.memory_space<vmem>>)
      %dma_wait3A_572 = arith.constant 0 : i32
      %dma_wait3A_573 = arith.constant 19 : i32
      %dma_wait3A_574 = arith.constant 0 : i32
      %dma_wait3A_575 = arith.constant 1520 : i32
      %dma_wait3A_576 = arith.constant 0 : i32
      %dma_wait3A_577 = tpu.memref_slice %arg7[%dma_wait3A_574, %dma_wait3A_575, %dma_wait3A_576] : memref<2x1600x32xf32, #tpu.memory_space<vmem>> -> memref<1x80x32xf32, #tpu.memory_space<vmem>>
      %dma_wait3A_578 = tpu.memref_squeeze %dma_wait3A_577 : memref<1x80x32xf32, #tpu.memory_space<vmem>> -> memref<80x32xf32, #tpu.memory_space<vmem>>
      %dma_wait3A_579 = arith.constant 0 : i32
      %dma_wait3A_580 = tpu.memref_slice %arg6[%dma_wait3A_572, %dma_wait3A_573, %dma_wait3A_579] : memref<2x20x80xi32, #tpu.memory_space<vmem>> -> memref<1x1x80xi32, #tpu.memory_space<vmem>>
      %dma_wait3A_581 = tpu.memref_squeeze %dma_wait3A_580 : memref<1x1x80xi32, #tpu.memory_space<vmem>> -> memref<80xi32, #tpu.memory_space<vmem>>
      %dma_wait3A_582 = arith.constant 0 : i32
      %dma_wait3A_583 = arith.constant 0 : i32
      %dma_wait3A_584 = tpu.memref_slice %arg3[%dma_wait3A_582, %dma_wait3A_583] : memref<1000000x32xf32, #tpu.memory_space<hbm>> -> memref<1000000x32xf32, #tpu.memory_space<hbm>>
      tpu.wait_indirect_dma semaphore(%arg9 : memref<!tpu.dma_semaphore, #tpu.memory_space<semaphore_mem>>) src(%dma_wait3A_584 : memref<1000000x32xf32, #tpu.memory_space<hbm>>) dst(%dma_wait3A_578 : memref<80x32xf32, #tpu.memory_space<vmem>>)
      %mul3A_585 = arith.constant 1600 : i32
      %mul3A_586 = arith.muli %add3A_317, %mul3A_585 : i32
      %rem3A = arith.constant 200 : i32
      %rem3A_587 = arith.remsi %mul3A_586, %rem3A : i32
      %scan3A_588 = arith.constant 0 : i32
      %scan3A_589 = arith.constant 1600 : i32
      %scan3A_590 = arith.addi %scan3A_588, %scan3A_589 : i32
      %scan3A_591 = arith.constant 8 : i32
      %scan3A_592 = scf.for %scan3A_913 = %scan3A_588 to %scan3A_590 step %scan3A_591 iter_args(%scan3A_914 = %rem3A_587) -> (i32)  : i32 {
        %ge3A = arith.constant 200 : i32
        %ge3A_915 = arith.cmpi sge, %scan3A_914, %ge3A : i32
        %sub3A_916 = arith.constant 200 : i32
        %sub3A_917 = arith.subi %scan3A_914, %sub3A_916 : i32
        %select_n3A = arith.select %ge3A_915, %sub3A_917, %scan3A_914 : i32
        %get3A = arith.index_cast %select_n3A : i32 to index
        %get3A_918 = arith.constant 0 : index
        %get3A_919 = tpu.vector_load %arg8[%get3A, %get3A_918] {strides = array<i32>} : memref<200x32xf32, #tpu.memory_space<vmem>>, vector<1x16xf32>,
        %get3A_920 = vector.shape_cast %get3A_919 : vector<1x16xf32> to vector<16xf32>
        %swap3A = arith.constant 0 : i32
        %swap3A_921 = arith.index_cast %swap3A : i32 to index
        %swap3A_922 = arith.index_cast %scan3A_913 : i32 to index
        %swap3A_923 = arith.constant 0 : index
        %swap3A_924 = tpu.vector_load %arg7[%swap3A_921, %swap3A_922, %swap3A_923] {strides = array<i32>} : memref<2x1600x32xf32, #tpu.memory_space<vmem>>, vector<1x1x16xf32>,
        %swap3A_925 = vector.shape_cast %swap3A_924 : vector<1x1x16xf32> to vector<16xf32>
        %swap3A_926 = vector.shape_cast %get3A_920 : vector<16xf32> to vector<1x1x16xf32>
        tpu.vector_store %arg7[%swap3A_921, %swap3A_922, %swap3A_923], %swap3A_926 {add = true, strides = array<i32>} : memref<2x1600x32xf32, #tpu.memory_space<vmem>>, vector<1x1x16xf32>,
        %get3A_927 = arith.index_cast %select_n3A : i32 to index
        %get3A_928 = arith.constant 16 : index
        %get3A_929 = tpu.vector_load %arg8[%get3A_927, %get3A_928] {strides = array<i32>} : memref<200x32xf32, #tpu.memory_space<vmem>>, vector<1x16xf32>,
        %get3A_930 = vector.shape_cast %get3A_929 : vector<1x16xf32> to vector<16xf32>
        %swap3A_931 = arith.constant 0 : i32
        %swap3A_932 = arith.index_cast %swap3A_931 : i32 to index
        %swap3A_933 = arith.index_cast %scan3A_913 : i32 to index
        %swap3A_934 = arith.constant 16 : index
        %swap3A_935 = tpu.vector_load %arg7[%swap3A_932, %swap3A_933, %swap3A_934] {strides = array<i32>} : memref<2x1600x32xf32, #tpu.memory_space<vmem>>, vector<1x1x16xf32>,
        %swap3A_936 = vector.shape_cast %swap3A_935 : vector<1x1x16xf32> to vector<16xf32>
        %swap3A_937 = vector.shape_cast %get3A_930 : vector<16xf32> to vector<1x1x16xf32>
        tpu.vector_store %arg7[%swap3A_932, %swap3A_933, %swap3A_934], %swap3A_937 {add = true, strides = array<i32>} : memref<2x1600x32xf32, #tpu.memory_space<vmem>>, vector<1x1x16xf32>,
        %add3A_938 = arith.constant 1 : i32
        %add3A_939 = arith.addi %select_n3A, %add3A_938 : i32
        %scan3A_940 = arith.constant 1 : i32
        %scan3A_941 = arith.addi %scan3A_913, %scan3A_940 : i32
        %ge3A_942 = arith.constant 200 : i32
        %ge3A_943 = arith.cmpi sge, %add3A_939, %ge3A_942 : i32
        %sub3A_944 = arith.constant 200 : i32
        %sub3A_945 = arith.subi %add3A_939, %sub3A_944 : i32
        %select_n3A_946 = arith.select %ge3A_943, %sub3A_945, %add3A_939 : i32
        %get3A_947 = arith.index_cast %select_n3A_946 : i32 to index
        %get3A_948 = arith.constant 0 : index
        %get3A_949 = tpu.vector_load %arg8[%get3A_947, %get3A_948] {strides = array<i32>} : memref<200x32xf32, #tpu.memory_space<vmem>>, vector<1x16xf32>,
        %get3A_950 = vector.shape_cast %get3A_949 : vector<1x16xf32> to vector<16xf32>
        %swap3A_951 = arith.constant 0 : i32
        %swap3A_952 = arith.index_cast %swap3A_951 : i32 to index
        %swap3A_953 = arith.index_cast %scan3A_941 : i32 to index
        %swap3A_954 = arith.constant 0 : index
        %swap3A_955 = tpu.vector_load %arg7[%swap3A_952, %swap3A_953, %swap3A_954] {strides = array<i32>} : memref<2x1600x32xf32, #tpu.memory_space<vmem>>, vector<1x1x16xf32>,
        %swap3A_956 = vector.shape_cast %swap3A_955 : vector<1x1x16xf32> to vector<16xf32>
        %swap3A_957 = vector.shape_cast %get3A_950 : vector<16xf32> to vector<1x1x16xf32>
        tpu.vector_store %arg7[%swap3A_952, %swap3A_953, %swap3A_954], %swap3A_957 {add = true, strides = array<i32>} : memref<2x1600x32xf32, #tpu.memory_space<vmem>>, vector<1x1x16xf32>,
        %get3A_958 = arith.index_cast %select_n3A_946 : i32 to index
        %get3A_959 = arith.constant 16 : index
        %get3A_960 = tpu.vector_load %arg8[%get3A_958, %get3A_959] {strides = array<i32>} : memref<200x32xf32, #tpu.memory_space<vmem>>, vector<1x16xf32>,
        %get3A_961 = vector.shape_cast %get3A_960 : vector<1x16xf32> to vector<16xf32>
        %swap3A_962 = arith.constant 0 : i32
        %swap3A_963 = arith.index_cast %swap3A_962 : i32 to index
        %swap3A_964 = arith.index_cast %scan3A_941 : i32 to index
        %swap3A_965 = arith.constant 16 : index
        %swap3A_966 = tpu.vector_load %arg7[%swap3A_963, %swap3A_964, %swap3A_965] {strides = array<i32>} : memref<2x1600x32xf32, #tpu.memory_space<vmem>>, vector<1x1x16xf32>,
        %swap3A_967 = vector.shape_cast %swap3A_966 : vector<1x1x16xf32> to vector<16xf32>
        %swap3A_968 = vector.shape_cast %get3A_961 : vector<16xf32> to vector<1x1x16xf32>
        tpu.vector_store %arg7[%swap3A_963, %swap3A_964, %swap3A_965], %swap3A_968 {add = true, strides = array<i32>} : memref<2x1600x32xf32, #tpu.memory_space<vmem>>, vector<1x1x16xf32>,
        %add3A_969 = arith.constant 1 : i32
        %add3A_970 = arith.addi %select_n3A_946, %add3A_969 : i32
        %scan3A_971 = arith.constant 2 : i32
        %scan3A_972 = arith.addi %scan3A_913, %scan3A_971 : i32
        %ge3A_973 = arith.constant 200 : i32
        %ge3A_974 = arith.cmpi sge, %add3A_970, %ge3A_973 : i32
        %sub3A_975 = arith.constant 200 : i32
        %sub3A_976 = arith.subi %add3A_970, %sub3A_975 : i32
        %select_n3A_977 = arith.select %ge3A_974, %sub3A_976, %add3A_970 : i32
        %get3A_978 = arith.index_cast %select_n3A_977 : i32 to index
        %get3A_979 = arith.constant 0 : index
        %get3A_980 = tpu.vector_load %arg8[%get3A_978, %get3A_979] {strides = array<i32>} : memref<200x32xf32, #tpu.memory_space<vmem>>, vector<1x16xf32>,
        %get3A_981 = vector.shape_cast %get3A_980 : vector<1x16xf32> to vector<16xf32>
        %swap3A_982 = arith.constant 0 : i32
        %swap3A_983 = arith.index_cast %swap3A_982 : i32 to index
        %swap3A_984 = arith.index_cast %scan3A_972 : i32 to index
        %swap3A_985 = arith.constant 0 : index
        %swap3A_986 = tpu.vector_load %arg7[%swap3A_983, %swap3A_984, %swap3A_985] {strides = array<i32>} : memref<2x1600x32xf32, #tpu.memory_space<vmem>>, vector<1x1x16xf32>,
        %swap3A_987 = vector.shape_cast %swap3A_986 : vector<1x1x16xf32> to vector<16xf32>
        %swap3A_988 = vector.shape_cast %get3A_981 : vector<16xf32> to vector<1x1x16xf32>
        tpu.vector_store %arg7[%swap3A_983, %swap3A_984, %swap3A_985], %swap3A_988 {add = true, strides = array<i32>} : memref<2x1600x32xf32, #tpu.memory_space<vmem>>, vector<1x1x16xf32>,
        %get3A_989 = arith.index_cast %select_n3A_977 : i32 to index
        %get3A_990 = arith.constant 16 : index
        %get3A_991 = tpu.vector_load %arg8[%get3A_989, %get3A_990] {strides = array<i32>} : memref<200x32xf32, #tpu.memory_space<vmem>>, vector<1x16xf32>,
        %get3A_992 = vector.shape_cast %get3A_991 : vector<1x16xf32> to vector<16xf32>
        %swap3A_993 = arith.constant 0 : i32
        %swap3A_994 = arith.index_cast %swap3A_993 : i32 to index
        %swap3A_995 = arith.index_cast %scan3A_972 : i32 to index
        %swap3A_996 = arith.constant 16 : index
        %swap3A_997 = tpu.vector_load %arg7[%swap3A_994, %swap3A_995, %swap3A_996] {strides = array<i32>} : memref<2x1600x32xf32, #tpu.memory_space<vmem>>, vector<1x1x16xf32>,
        %swap3A_998 = vector.shape_cast %swap3A_997 : vector<1x1x16xf32> to vector<16xf32>
        %swap3A_999 = vector.shape_cast %get3A_992 : vector<16xf32> to vector<1x1x16xf32>
        tpu.vector_store %arg7[%swap3A_994, %swap3A_995, %swap3A_996], %swap3A_999 {add = true, strides = array<i32>} : memref<2x1600x32xf32, #tpu.memory_space<vmem>>, vector<1x1x16xf32>,
        %add3A_1000 = arith.constant 1 : i32
        %add3A_1001 = arith.addi %select_n3A_977, %add3A_1000 : i32
        %scan3A_1002 = arith.constant 3 : i32
        %scan3A_1003 = arith.addi %scan3A_913, %scan3A_1002 : i32
        %ge3A_1004 = arith.constant 200 : i32
        %ge3A_1005 = arith.cmpi sge, %add3A_1001, %ge3A_1004 : i32
        %sub3A_1006 = arith.constant 200 : i32
        %sub3A_1007 = arith.subi %add3A_1001, %sub3A_1006 : i32
        %select_n3A_1008 = arith.select %ge3A_1005, %sub3A_1007, %add3A_1001 : i32
        %get3A_1009 = arith.index_cast %select_n3A_1008 : i32 to index
        %get3A_1010 = arith.constant 0 : index
        %get3A_1011 = tpu.vector_load %arg8[%get3A_1009, %get3A_1010] {strides = array<i32>} : memref<200x32xf32, #tpu.memory_space<vmem>>, vector<1x16xf32>,
        %get3A_1012 = vector.shape_cast %get3A_1011 : vector<1x16xf32> to vector<16xf32>
        %swap3A_1013 = arith.constant 0 : i32
        %swap3A_1014 = arith.index_cast %swap3A_1013 : i32 to index
        %swap3A_1015 = arith.index_cast %scan3A_1003 : i32 to index
        %swap3A_1016 = arith.constant 0 : index
        %swap3A_1017 = tpu.vector_load %arg7[%swap3A_1014, %swap3A_1015, %swap3A_1016] {strides = array<i32>} : memref<2x1600x32xf32, #tpu.memory_space<vmem>>, vector<1x1x16xf32>,
        %swap3A_1018 = vector.shape_cast %swap3A_1017 : vector<1x1x16xf32> to vector<16xf32>
        %swap3A_1019 = vector.shape_cast %get3A_1012 : vector<16xf32> to vector<1x1x16xf32>
        tpu.vector_store %arg7[%swap3A_1014, %swap3A_1015, %swap3A_1016], %swap3A_1019 {add = true, strides = array<i32>} : memref<2x1600x32xf32, #tpu.memory_space<vmem>>, vector<1x1x16xf32>,
        %get3A_1020 = arith.index_cast %select_n3A_1008 : i32 to index
        %get3A_1021 = arith.constant 16 : index
        %get3A_1022 = tpu.vector_load %arg8[%get3A_1020, %get3A_1021] {strides = array<i32>} : memref<200x32xf32, #tpu.memory_space<vmem>>, vector<1x16xf32>,
        %get3A_1023 = vector.shape_cast %get3A_1022 : vector<1x16xf32> to vector<16xf32>
        %swap3A_1024 = arith.constant 0 : i32
        %swap3A_1025 = arith.index_cast %swap3A_1024 : i32 to index
        %swap3A_1026 = arith.index_cast %scan3A_1003 : i32 to index
        %swap3A_1027 = arith.constant 16 : index
        %swap3A_1028 = tpu.vector_load %arg7[%swap3A_1025, %swap3A_1026, %swap3A_1027] {strides = array<i32>} : memref<2x1600x32xf32, #tpu.memory_space<vmem>>, vector<1x1x16xf32>,
        %swap3A_1029 = vector.shape_cast %swap3A_1028 : vector<1x1x16xf32> to vector<16xf32>
        %swap3A_1030 = vector.shape_cast %get3A_1023 : vector<16xf32> to vector<1x1x16xf32>
        tpu.vector_store %arg7[%swap3A_1025, %swap3A_1026, %swap3A_1027], %swap3A_1030 {add = true, strides = array<i32>} : memref<2x1600x32xf32, #tpu.memory_space<vmem>>, vector<1x1x16xf32>,
        %add3A_1031 = arith.constant 1 : i32
        %add3A_1032 = arith.addi %select_n3A_1008, %add3A_1031 : i32
        %scan3A_1033 = arith.constant 4 : i32
        %scan3A_1034 = arith.addi %scan3A_913, %scan3A_1033 : i32
        %ge3A_1035 = arith.constant 200 : i32
        %ge3A_1036 = arith.cmpi sge, %add3A_1032, %ge3A_1035 : i32
        %sub3A_1037 = arith.constant 200 : i32
        %sub3A_1038 = arith.subi %add3A_1032, %sub3A_1037 : i32
        %select_n3A_1039 = arith.select %ge3A_1036, %sub3A_1038, %add3A_1032 : i32
        %get3A_1040 = arith.index_cast %select_n3A_1039 : i32 to index
        %get3A_1041 = arith.constant 0 : index
        %get3A_1042 = tpu.vector_load %arg8[%get3A_1040, %get3A_1041] {strides = array<i32>} : memref<200x32xf32, #tpu.memory_space<vmem>>, vector<1x16xf32>,
        %get3A_1043 = vector.shape_cast %get3A_1042 : vector<1x16xf32> to vector<16xf32>
        %swap3A_1044 = arith.constant 0 : i32
        %swap3A_1045 = arith.index_cast %swap3A_1044 : i32 to index
        %swap3A_1046 = arith.index_cast %scan3A_1034 : i32 to index
        %swap3A_1047 = arith.constant 0 : index
        %swap3A_1048 = tpu.vector_load %arg7[%swap3A_1045, %swap3A_1046, %swap3A_1047] {strides = array<i32>} : memref<2x1600x32xf32, #tpu.memory_space<vmem>>, vector<1x1x16xf32>,
        %swap3A_1049 = vector.shape_cast %swap3A_1048 : vector<1x1x16xf32> to vector<16xf32>
        %swap3A_1050 = vector.shape_cast %get3A_1043 : vector<16xf32> to vector<1x1x16xf32>
        tpu.vector_store %arg7[%swap3A_1045, %swap3A_1046, %swap3A_1047], %swap3A_1050 {add = true, strides = array<i32>} : memref<2x1600x32xf32, #tpu.memory_space<vmem>>, vector<1x1x16xf32>,
        %get3A_1051 = arith.index_cast %select_n3A_1039 : i32 to index
        %get3A_1052 = arith.constant 16 : index
        %get3A_1053 = tpu.vector_load %arg8[%get3A_1051, %get3A_1052] {strides = array<i32>} : memref<200x32xf32, #tpu.memory_space<vmem>>, vector<1x16xf32>,
        %get3A_1054 = vector.shape_cast %get3A_1053 : vector<1x16xf32> to vector<16xf32>
        %swap3A_1055 = arith.constant 0 : i32
        %swap3A_1056 = arith.index_cast %swap3A_1055 : i32 to index
        %swap3A_1057 = arith.index_cast %scan3A_1034 : i32 to index
        %swap3A_1058 = arith.constant 16 : index
        %swap3A_1059 = tpu.vector_load %arg7[%swap3A_1056, %swap3A_1057, %swap3A_1058] {strides = array<i32>} : memref<2x1600x32xf32, #tpu.memory_space<vmem>>, vector<1x1x16xf32>,
        %swap3A_1060 = vector.shape_cast %swap3A_1059 : vector<1x1x16xf32> to vector<16xf32>
        %swap3A_1061 = vector.shape_cast %get3A_1054 : vector<16xf32> to vector<1x1x16xf32>
        tpu.vector_store %arg7[%swap3A_1056, %swap3A_1057, %swap3A_1058], %swap3A_1061 {add = true, strides = array<i32>} : memref<2x1600x32xf32, #tpu.memory_space<vmem>>, vector<1x1x16xf32>,
        %add3A_1062 = arith.constant 1 : i32
        %add3A_1063 = arith.addi %select_n3A_1039, %add3A_1062 : i32
        %scan3A_1064 = arith.constant 5 : i32
        %scan3A_1065 = arith.addi %scan3A_913, %scan3A_1064 : i32
        %ge3A_1066 = arith.constant 200 : i32
        %ge3A_1067 = arith.cmpi sge, %add3A_1063, %ge3A_1066 : i32
        %sub3A_1068 = arith.constant 200 : i32
        %sub3A_1069 = arith.subi %add3A_1063, %sub3A_1068 : i32
        %select_n3A_1070 = arith.select %ge3A_1067, %sub3A_1069, %add3A_1063 : i32
        %get3A_1071 = arith.index_cast %select_n3A_1070 : i32 to index
        %get3A_1072 = arith.constant 0 : index
        %get3A_1073 = tpu.vector_load %arg8[%get3A_1071, %get3A_1072] {strides = array<i32>} : memref<200x32xf32, #tpu.memory_space<vmem>>, vector<1x16xf32>,
        %get3A_1074 = vector.shape_cast %get3A_1073 : vector<1x16xf32> to vector<16xf32>
        %swap3A_1075 = arith.constant 0 : i32
        %swap3A_1076 = arith.index_cast %swap3A_1075 : i32 to index
        %swap3A_1077 = arith.index_cast %scan3A_1065 : i32 to index
        %swap3A_1078 = arith.constant 0 : index
        %swap3A_1079 = tpu.vector_load %arg7[%swap3A_1076, %swap3A_1077, %swap3A_1078] {strides = array<i32>} : memref<2x1600x32xf32, #tpu.memory_space<vmem>>, vector<1x1x16xf32>,
        %swap3A_1080 = vector.shape_cast %swap3A_1079 : vector<1x1x16xf32> to vector<16xf32>
        %swap3A_1081 = vector.shape_cast %get3A_1074 : vector<16xf32> to vector<1x1x16xf32>
        tpu.vector_store %arg7[%swap3A_1076, %swap3A_1077, %swap3A_1078], %swap3A_1081 {add = true, strides = array<i32>} : memref<2x1600x32xf32, #tpu.memory_space<vmem>>, vector<1x1x16xf32>,
        %get3A_1082 = arith.index_cast %select_n3A_1070 : i32 to index
        %get3A_1083 = arith.constant 16 : index
        %get3A_1084 = tpu.vector_load %arg8[%get3A_1082, %get3A_1083] {strides = array<i32>} : memref<200x32xf32, #tpu.memory_space<vmem>>, vector<1x16xf32>,
        %get3A_1085 = vector.shape_cast %get3A_1084 : vector<1x16xf32> to vector<16xf32>
        %swap3A_1086 = arith.constant 0 : i32
        %swap3A_1087 = arith.index_cast %swap3A_1086 : i32 to index
        %swap3A_1088 = arith.index_cast %scan3A_1065 : i32 to index
        %swap3A_1089 = arith.constant 16 : index
        %swap3A_1090 = tpu.vector_load %arg7[%swap3A_1087, %swap3A_1088, %swap3A_1089] {strides = array<i32>} : memref<2x1600x32xf32, #tpu.memory_space<vmem>>, vector<1x1x16xf32>,
        %swap3A_1091 = vector.shape_cast %swap3A_1090 : vector<1x1x16xf32> to vector<16xf32>
        %swap3A_1092 = vector.shape_cast %get3A_1085 : vector<16xf32> to vector<1x1x16xf32>
        tpu.vector_store %arg7[%swap3A_1087, %swap3A_1088, %swap3A_1089], %swap3A_1092 {add = true, strides = array<i32>} : memref<2x1600x32xf32, #tpu.memory_space<vmem>>, vector<1x1x16xf32>,
        %add3A_1093 = arith.constant 1 : i32
        %add3A_1094 = arith.addi %select_n3A_1070, %add3A_1093 : i32
        %scan3A_1095 = arith.constant 6 : i32
        %scan3A_1096 = arith.addi %scan3A_913, %scan3A_1095 : i32
        %ge3A_1097 = arith.constant 200 : i32
        %ge3A_1098 = arith.cmpi sge, %add3A_1094, %ge3A_1097 : i32
        %sub3A_1099 = arith.constant 200 : i32
        %sub3A_1100 = arith.subi %add3A_1094, %sub3A_1099 : i32
        %select_n3A_1101 = arith.select %ge3A_1098, %sub3A_1100, %add3A_1094 : i32
        %get3A_1102 = arith.index_cast %select_n3A_1101 : i32 to index
        %get3A_1103 = arith.constant 0 : index
        %get3A_1104 = tpu.vector_load %arg8[%get3A_1102, %get3A_1103] {strides = array<i32>} : memref<200x32xf32, #tpu.memory_space<vmem>>, vector<1x16xf32>,
        %get3A_1105 = vector.shape_cast %get3A_1104 : vector<1x16xf32> to vector<16xf32>
        %swap3A_1106 = arith.constant 0 : i32
        %swap3A_1107 = arith.index_cast %swap3A_1106 : i32 to index
        %swap3A_1108 = arith.index_cast %scan3A_1096 : i32 to index
        %swap3A_1109 = arith.constant 0 : index
        %swap3A_1110 = tpu.vector_load %arg7[%swap3A_1107, %swap3A_1108, %swap3A_1109] {strides = array<i32>} : memref<2x1600x32xf32, #tpu.memory_space<vmem>>, vector<1x1x16xf32>,
        %swap3A_1111 = vector.shape_cast %swap3A_1110 : vector<1x1x16xf32> to vector<16xf32>
        %swap3A_1112 = vector.shape_cast %get3A_1105 : vector<16xf32> to vector<1x1x16xf32>
        tpu.vector_store %arg7[%swap3A_1107, %swap3A_1108, %swap3A_1109], %swap3A_1112 {add = true, strides = array<i32>} : memref<2x1600x32xf32, #tpu.memory_space<vmem>>, vector<1x1x16xf32>,
        %get3A_1113 = arith.index_cast %select_n3A_1101 : i32 to index
        %get3A_1114 = arith.constant 16 : index
        %get3A_1115 = tpu.vector_load %arg8[%get3A_1113, %get3A_1114] {strides = array<i32>} : memref<200x32xf32, #tpu.memory_space<vmem>>, vector<1x16xf32>,
        %get3A_1116 = vector.shape_cast %get3A_1115 : vector<1x16xf32> to vector<16xf32>
        %swap3A_1117 = arith.constant 0 : i32
        %swap3A_1118 = arith.index_cast %swap3A_1117 : i32 to index
        %swap3A_1119 = arith.index_cast %scan3A_1096 : i32 to index
        %swap3A_1120 = arith.constant 16 : index
        %swap3A_1121 = tpu.vector_load %arg7[%swap3A_1118, %swap3A_1119, %swap3A_1120] {strides = array<i32>} : memref<2x1600x32xf32, #tpu.memory_space<vmem>>, vector<1x1x16xf32>,
        %swap3A_1122 = vector.shape_cast %swap3A_1121 : vector<1x1x16xf32> to vector<16xf32>
        %swap3A_1123 = vector.shape_cast %get3A_1116 : vector<16xf32> to vector<1x1x16xf32>
        tpu.vector_store %arg7[%swap3A_1118, %swap3A_1119, %swap3A_1120], %swap3A_1123 {add = true, strides = array<i32>} : memref<2x1600x32xf32, #tpu.memory_space<vmem>>, vector<1x1x16xf32>,
        %add3A_1124 = arith.constant 1 : i32
        %add3A_1125 = arith.addi %select_n3A_1101, %add3A_1124 : i32
        %scan3A_1126 = arith.constant 7 : i32
        %scan3A_1127 = arith.addi %scan3A_913, %scan3A_1126 : i32
        %ge3A_1128 = arith.constant 200 : i32
        %ge3A_1129 = arith.cmpi sge, %add3A_1125, %ge3A_1128 : i32
        %sub3A_1130 = arith.constant 200 : i32
        %sub3A_1131 = arith.subi %add3A_1125, %sub3A_1130 : i32
        %select_n3A_1132 = arith.select %ge3A_1129, %sub3A_1131, %add3A_1125 : i32
        %get3A_1133 = arith.index_cast %select_n3A_1132 : i32 to index
        %get3A_1134 = arith.constant 0 : index
        %get3A_1135 = tpu.vector_load %arg8[%get3A_1133, %get3A_1134] {strides = array<i32>} : memref<200x32xf32, #tpu.memory_space<vmem>>, vector<1x16xf32>,
        %get3A_1136 = vector.shape_cast %get3A_1135 : vector<1x16xf32> to vector<16xf32>
        %swap3A_1137 = arith.constant 0 : i32
        %swap3A_1138 = arith.index_cast %swap3A_1137 : i32 to index
        %swap3A_1139 = arith.index_cast %scan3A_1127 : i32 to index
        %swap3A_1140 = arith.constant 0 : index
        %swap3A_1141 = tpu.vector_load %arg7[%swap3A_1138, %swap3A_1139, %swap3A_1140] {strides = array<i32>} : memref<2x1600x32xf32, #tpu.memory_space<vmem>>, vector<1x1x16xf32>,
        %swap3A_1142 = vector.shape_cast %swap3A_1141 : vector<1x1x16xf32> to vector<16xf32>
        %swap3A_1143 = vector.shape_cast %get3A_1136 : vector<16xf32> to vector<1x1x16xf32>
        tpu.vector_store %arg7[%swap3A_1138, %swap3A_1139, %swap3A_1140], %swap3A_1143 {add = true, strides = array<i32>} : memref<2x1600x32xf32, #tpu.memory_space<vmem>>, vector<1x1x16xf32>,
        %get3A_1144 = arith.index_cast %select_n3A_1132 : i32 to index
        %get3A_1145 = arith.constant 16 : index
        %get3A_1146 = tpu.vector_load %arg8[%get3A_1144, %get3A_1145] {strides = array<i32>} : memref<200x32xf32, #tpu.memory_space<vmem>>, vector<1x16xf32>,
        %get3A_1147 = vector.shape_cast %get3A_1146 : vector<1x16xf32> to vector<16xf32>
        %swap3A_1148 = arith.constant 0 : i32
        %swap3A_1149 = arith.index_cast %swap3A_1148 : i32 to index
        %swap3A_1150 = arith.index_cast %scan3A_1127 : i32 to index
        %swap3A_1151 = arith.constant 16 : index
        %swap3A_1152 = tpu.vector_load %arg7[%swap3A_1149, %swap3A_1150, %swap3A_1151] {strides = array<i32>} : memref<2x1600x32xf32, #tpu.memory_space<vmem>>, vector<1x1x16xf32>,
        %swap3A_1153 = vector.shape_cast %swap3A_1152 : vector<1x1x16xf32> to vector<16xf32>
        %swap3A_1154 = vector.shape_cast %get3A_1147 : vector<16xf32> to vector<1x1x16xf32>
        tpu.vector_store %arg7[%swap3A_1149, %swap3A_1150, %swap3A_1151], %swap3A_1154 {add = true, strides = array<i32>} : memref<2x1600x32xf32, #tpu.memory_space<vmem>>, vector<1x1x16xf32>,
        %add3A_1155 = arith.constant 1 : i32
        %add3A_1156 = arith.addi %select_n3A_1132, %add3A_1155 : i32
        scf.yield %add3A_1156 : i32
      }
      %scan3A_593 = arith.constant 1600 : i32
      %dma_start3A_594 = arith.constant 0 : i32
      %dma_start3A_595 = arith.constant 0 : i32
      %dma_start3A_596 = arith.constant 0 : i32
      %dma_start3A_597 = tpu.memref_slice %arg7[%dma_start3A_594, %dma_start3A_595, %dma_start3A_596] : memref<2x1600x32xf32, #tpu.memory_space<vmem>> -> memref<1x1600x32xf32, #tpu.memory_space<vmem>>
      %dma_start3A_598 = tpu.memref_squeeze %dma_start3A_597 : memref<1x1600x32xf32, #tpu.memory_space<vmem>> -> memref<1600x32xf32, #tpu.memory_space<vmem>>
      %dma_start3A_599 = arith.constant 0 : i32
      %dma_start3A_600 = arith.constant 0 : i32
      %dma_start3A_601 = tpu.memref_slice %arg5[%add3A_320, %dma_start3A_599, %dma_start3A_600] : memref<512x1600x32xf32, #tpu.memory_space<hbm>> -> memref<1x1600x32xf32, #tpu.memory_space<hbm>>
      %dma_start3A_602 = tpu.memref_squeeze %dma_start3A_601 : memref<1x1600x32xf32, #tpu.memory_space<hbm>> -> memref<1600x32xf32, #tpu.memory_space<hbm>>
      %dma_start3A_603 = arith.constant 0 : i32
      %dma_start3A_604 = arith.constant 0 : i32
      %dma_start3A_605 = tpu.memref_slice %arg5[%add3A_320, %dma_start3A_603, %dma_start3A_604] : memref<512x1600x32xf32, #tpu.memory_space<hbm>> -> memref<1x1600x32xf32, #tpu.memory_space<hbm>>
      %dma_start3A_606 = tpu.memref_squeeze %dma_start3A_605 : memref<1x1600x32xf32, #tpu.memory_space<hbm>> -> memref<1600x32xf32, #tpu.memory_space<hbm>>
      %dma_start3A_607 = arith.constant 0 : i32
      %dma_start3A_608 = arith.constant 0 : i32
      %dma_start3A_609 = tpu.memref_slice %arg7[%dma_start3A_594, %dma_start3A_607, %dma_start3A_608] : memref<2x1600x32xf32, #tpu.memory_space<vmem>> -> memref<1x1600x32xf32, #tpu.memory_space<vmem>>
      %dma_start3A_610 = tpu.memref_squeeze %dma_start3A_609 : memref<1x1600x32xf32, #tpu.memory_space<vmem>> -> memref<1600x32xf32, #tpu.memory_space<vmem>>
      tpu.enqueue_dma source(%dma_start3A_610 : memref<1600x32xf32, #tpu.memory_space<vmem>>) target(%dma_start3A_606 : memref<1600x32xf32, #tpu.memory_space<hbm>>) target_semaphore(%arg11 : memref<!tpu.dma_semaphore, #tpu.memory_space<semaphore_mem>>)
      %mul3A_611 = arith.constant 2 : i32
      %mul3A_612 = arith.muli %mul3A_611, %scan3A_312 : i32
      %add3A_613 = arith.constant 1 : i32
      %add3A_614 = arith.addi %mul3A_612, %add3A_613 : i32
      %mul3A_615 = arith.constant 16 : i32
      %mul3A_616 = arith.muli %add3A, %mul3A_615 : i32
      %add3A_617 = arith.addi %mul3A_616, %add3A_614 : i32
      %add3A_618 = arith.constant 1 : i32
      %add3A_619 = arith.addi %add3A_614, %add3A_618 : i32
      %lt3A_620 = arith.constant 16 : i32
      %lt3A_621 = arith.cmpi slt, %add3A_619, %lt3A_620 : i32
      %convert_element_type3A_622 = arith.extui %lt3A_621 : i1 to i32
      %cond3A_623 = arith.constant 0 : i32
      %cond3A_624 = arith.cmpi ne, %convert_element_type3A_622, %cond3A_623 : i32
      scf.if %cond3A_624 {
        %ge3A = arith.constant 1 : i32
        %ge3A_913 = arith.cmpi sge, %add3A_614, %ge3A : i32
        %convert_element_type3A_914 = arith.extui %ge3A_913 : i1 to i32
        %cond3A_915 = arith.constant 0 : i32
        %cond3A_916 = arith.cmpi ne, %convert_element_type3A_914, %cond3A_915 : i32
        scf.if %cond3A_916 {
          %sub3A_1180 = arith.constant 1 : i32
          %sub3A_1181 = arith.subi %add3A_617, %sub3A_1180 : i32
          %dma_wait3A_1182 = arith.constant 0 : i32
          %dma_wait3A_1183 = arith.constant 0 : i32
          %dma_wait3A_1184 = arith.constant 0 : i32
          %dma_wait3A_1185 = tpu.memref_slice %arg7[%dma_wait3A_1182, %dma_wait3A_1183, %dma_wait3A_1184] : memref<2x1600x32xf32, #tpu.memory_space<vmem>> -> memref<1x1600x32xf32, #tpu.memory_space<vmem>>
          %dma_wait3A_1186 = tpu.memref_squeeze %dma_wait3A_1185 : memref<1x1600x32xf32, #tpu.memory_space<vmem>> -> memref<1600x32xf32, #tpu.memory_space<vmem>>
          %dma_wait3A_1187 = arith.constant 0 : i32
          %dma_wait3A_1188 = arith.constant 0 : i32
          %dma_wait3A_1189 = tpu.memref_slice %arg5[%sub3A_1181, %dma_wait3A_1187, %dma_wait3A_1188] : memref<512x1600x32xf32, #tpu.memory_space<hbm>> -> memref<1x1600x32xf32, #tpu.memory_space<hbm>>
          %dma_wait3A_1190 = tpu.memref_squeeze %dma_wait3A_1189 : memref<1x1600x32xf32, #tpu.memory_space<hbm>> -> memref<1600x32xf32, #tpu.memory_space<hbm>>
          %dma_wait3A_1191 = arith.constant 0 : i32
          %dma_wait3A_1192 = arith.constant 0 : i32
          %dma_wait3A_1193 = tpu.memref_slice %arg5[%sub3A_1181, %dma_wait3A_1191, %dma_wait3A_1192] : memref<512x1600x32xf32, #tpu.memory_space<hbm>> -> memref<1x1600x32xf32, #tpu.memory_space<hbm>>
          %dma_wait3A_1194 = tpu.memref_squeeze %dma_wait3A_1193 : memref<1x1600x32xf32, #tpu.memory_space<hbm>> -> memref<1600x32xf32, #tpu.memory_space<hbm>>
          %dma_wait3A_1195 = arith.constant 0 : i32
          %dma_wait3A_1196 = arith.constant 0 : i32
          %dma_wait3A_1197 = tpu.memref_slice %arg7[%dma_wait3A_1182, %dma_wait3A_1195, %dma_wait3A_1196] : memref<2x1600x32xf32, #tpu.memory_space<vmem>> -> memref<1x1600x32xf32, #tpu.memory_space<vmem>>
          %dma_wait3A_1198 = tpu.memref_squeeze %dma_wait3A_1197 : memref<1x1600x32xf32, #tpu.memory_space<vmem>> -> memref<1600x32xf32, #tpu.memory_space<vmem>>
          tpu.wait_dma2 semaphore(%arg11 : memref<!tpu.dma_semaphore, #tpu.memory_space<semaphore_mem>>) src(%dma_wait3A_1198 : memref<1600x32xf32, #tpu.memory_space<vmem>>) dst(%dma_wait3A_1194 : memref<1600x32xf32, #tpu.memory_space<hbm>>)
        } else {
        }
        %add3A_917 = arith.constant 1 : i32
        %add3A_918 = arith.addi %add3A_617, %add3A_917 : i32
        %run_scoped3A_919 = arith.constant 0 : i32
        "tpu.region"() ({
          %run_scoped3A_1180 = tpu.sem_alloc : memref<!tpu.dma_semaphore, #tpu.memory_space<semaphore_mem>>
          %dma_start3A_1181 = arith.constant 0 : i32
          %dma_start3A_1182 = arith.constant 0 : i32
          %dma_start3A_1183 = tpu.memref_slice %arg6[%run_scoped3A_919, %dma_start3A_1181, %dma_start3A_1182] : memref<2x20x80xi32, #tpu.memory_space<vmem>> -> memref<1x20x80xi32, #tpu.memory_space<vmem>>
          %dma_start3A_1184 = tpu.memref_squeeze %dma_start3A_1183 : memref<1x20x80xi32, #tpu.memory_space<vmem>> -> memref<20x80xi32, #tpu.memory_space<vmem>>
          %dma_start3A_1185 = arith.constant 0 : i32
          %dma_start3A_1186 = arith.constant 0 : i32
          %dma_start3A_1187 = tpu.memref_slice %arg2[%add3A_918, %dma_start3A_1185, %dma_start3A_1186] : memref<512x20x80xi32, #tpu.memory_space<hbm>> -> memref<1x20x80xi32, #tpu.memory_space<hbm>>
          %dma_start3A_1188 = tpu.memref_squeeze %dma_start3A_1187 : memref<1x20x80xi32, #tpu.memory_space<hbm>> -> memref<20x80xi32, #tpu.memory_space<hbm>>
          %dma_start3A_1189 = arith.constant 0 : i32
          %dma_start3A_1190 = arith.constant 0 : i32
          %dma_start3A_1191 = tpu.memref_slice %arg6[%run_scoped3A_919, %dma_start3A_1189, %dma_start3A_1190] : memref<2x20x80xi32, #tpu.memory_space<vmem>> -> memref<1x20x80xi32, #tpu.memory_space<vmem>>
          %dma_start3A_1192 = tpu.memref_squeeze %dma_start3A_1191 : memref<1x20x80xi32, #tpu.memory_space<vmem>> -> memref<20x80xi32, #tpu.memory_space<vmem>>
          %dma_start3A_1193 = arith.constant 0 : i32
          %dma_start3A_1194 = arith.constant 0 : i32
          %dma_start3A_1195 = tpu.memref_slice %arg2[%add3A_918, %dma_start3A_1193, %dma_start3A_1194] : memref<512x20x80xi32, #tpu.memory_space<hbm>> -> memref<1x20x80xi32, #tpu.memory_space<hbm>>
          %dma_start3A_1196 = tpu.memref_squeeze %dma_start3A_1195 : memref<1x20x80xi32, #tpu.memory_space<hbm>> -> memref<20x80xi32, #tpu.memory_space<hbm>>
          tpu.enqueue_dma source(%dma_start3A_1196 : memref<20x80xi32, #tpu.memory_space<hbm>>) target(%dma_start3A_1192 : memref<20x80xi32, #tpu.memory_space<vmem>>) target_semaphore(%run_scoped3A_1180 : memref<!tpu.dma_semaphore, #tpu.memory_space<semaphore_mem>>)
          %dma_wait3A_1197 = arith.constant 0 : i32
          %dma_wait3A_1198 = arith.constant 0 : i32
          %dma_wait3A_1199 = tpu.memref_slice %arg6[%run_scoped3A_919, %dma_wait3A_1197, %dma_wait3A_1198] : memref<2x20x80xi32, #tpu.memory_space<vmem>> -> memref<1x20x80xi32, #tpu.memory_space<vmem>>
          %dma_wait3A_1200 = tpu.memref_squeeze %dma_wait3A_1199 : memref<1x20x80xi32, #tpu.memory_space<vmem>> -> memref<20x80xi32, #tpu.memory_space<vmem>>
          %dma_wait3A_1201 = arith.constant 0 : i32
          %dma_wait3A_1202 = arith.constant 0 : i32
          %dma_wait3A_1203 = tpu.memref_slice %arg2[%add3A_918, %dma_wait3A_1201, %dma_wait3A_1202] : memref<512x20x80xi32, #tpu.memory_space<hbm>> -> memref<1x20x80xi32, #tpu.memory_space<hbm>>
          %dma_wait3A_1204 = tpu.memref_squeeze %dma_wait3A_1203 : memref<1x20x80xi32, #tpu.memory_space<hbm>> -> memref<20x80xi32, #tpu.memory_space<hbm>>
          %dma_wait3A_1205 = arith.constant 0 : i32
          %dma_wait3A_1206 = arith.constant 0 : i32
          %dma_wait3A_1207 = tpu.memref_slice %arg6[%run_scoped3A_919, %dma_wait3A_1205, %dma_wait3A_1206] : memref<2x20x80xi32, #tpu.memory_space<vmem>> -> memref<1x20x80xi32, #tpu.memory_space<vmem>>
          %dma_wait3A_1208 = tpu.memref_squeeze %dma_wait3A_1207 : memref<1x20x80xi32, #tpu.memory_space<vmem>> -> memref<20x80xi32, #tpu.memory_space<vmem>>
          %dma_wait3A_1209 = arith.constant 0 : i32
          %dma_wait3A_1210 = arith.constant 0 : i32
          %dma_wait3A_1211 = tpu.memref_slice %arg2[%add3A_918, %dma_wait3A_1209, %dma_wait3A_1210] : memref<512x20x80xi32, #tpu.memory_space<hbm>> -> memref<1x20x80xi32, #tpu.memory_space<hbm>>
          %dma_wait3A_1212 = tpu.memref_squeeze %dma_wait3A_1211 : memref<1x20x80xi32, #tpu.memory_space<hbm>> -> memref<20x80xi32, #tpu.memory_space<hbm>>
          tpu.wait_dma2 semaphore(%run_scoped3A_1180 : memref<!tpu.dma_semaphore, #tpu.memory_space<semaphore_mem>>) src(%dma_wait3A_1212 : memref<20x80xi32, #tpu.memory_space<hbm>>) dst(%dma_wait3A_1208 : memref<20x80xi32, #tpu.memory_space<vmem>>)
          tpu.yield
        }) : () -> ()
        %dma_start3A_920 = arith.constant 0 : i32
        %dma_start3A_921 = arith.constant 0 : i32
        %dma_start3A_922 = arith.constant 0 : i32
        %dma_start3A_923 = arith.constant 0 : i32
        %dma_start3A_924 = arith.constant 0 : i32
        %dma_start3A_925 = tpu.memref_slice %arg7[%dma_start3A_922, %dma_start3A_923, %dma_start3A_924] : memref<2x1600x32xf32, #tpu.memory_space<vmem>> -> memref<1x80x32xf32, #tpu.memory_space<vmem>>
        %dma_start3A_926 = tpu.memref_squeeze %dma_start3A_925 : memref<1x80x32xf32, #tpu.memory_space<vmem>> -> memref<80x32xf32, #tpu.memory_space<vmem>>
        %dma_start3A_927 = arith.constant 0 : i32
        %dma_start3A_928 = tpu.memref_slice %arg6[%dma_start3A_920, %dma_start3A_921, %dma_start3A_927] : memref<2x20x80xi32, #tpu.memory_space<vmem>> -> memref<1x1x80xi32, #tpu.memory_space<vmem>>
        %dma_start3A_929 = tpu.memref_squeeze %dma_start3A_928 : memref<1x1x80xi32, #tpu.memory_space<vmem>> -> memref<80xi32, #tpu.memory_space<vmem>>
        %dma_start3A_930 = arith.constant 0 : i32
        %dma_start3A_931 = arith.constant 0 : i32
        %dma_start3A_932 = tpu.memref_slice %arg3[%dma_start3A_930, %dma_start3A_931] : memref<1000000x32xf32, #tpu.memory_space<hbm>> -> memref<1000000x32xf32, #tpu.memory_space<hbm>>
        tpu.enqueue_indirect_dma source(%dma_start3A_932 : memref<1000000x32xf32, #tpu.memory_space<hbm>>) target(%dma_start3A_926 : memref<80x32xf32, #tpu.memory_space<vmem>>) offsets(%dma_start3A_929 : memref<80xi32, #tpu.memory_space<vmem>>) semaphore(%arg9 : memref<!tpu.dma_semaphore, #tpu.memory_space<semaphore_mem>>)
        %dma_start3A_933 = arith.constant 0 : i32
        %dma_start3A_934 = arith.constant 1 : i32
        %dma_start3A_935 = arith.constant 0 : i32
        %dma_start3A_936 = arith.constant 80 : i32
        %dma_start3A_937 = arith.constant 0 : i32
        %dma_start3A_938 = tpu.memref_slice %arg7[%dma_start3A_935, %dma_start3A_936, %dma_start3A_937] : memref<2x1600x32xf32, #tpu.memory_space<vmem>> -> memref<1x80x32xf32, #tpu.memory_space<vmem>>
        %dma_start3A_939 = tpu.memref_squeeze %dma_start3A_938 : memref<1x80x32xf32, #tpu.memory_space<vmem>> -> memref<80x32xf32, #tpu.memory_space<vmem>>
        %dma_start3A_940 = arith.constant 0 : i32
        %dma_start3A_941 = tpu.memref_slice %arg6[%dma_start3A_933, %dma_start3A_934, %dma_start3A_940] : memref<2x20x80xi32, #tpu.memory_space<vmem>> -> memref<1x1x80xi32, #tpu.memory_space<vmem>>
        %dma_start3A_942 = tpu.memref_squeeze %dma_start3A_941 : memref<1x1x80xi32, #tpu.memory_space<vmem>> -> memref<80xi32, #tpu.memory_space<vmem>>
        %dma_start3A_943 = arith.constant 0 : i32
        %dma_start3A_944 = arith.constant 0 : i32
        %dma_start3A_945 = tpu.memref_slice %arg3[%dma_start3A_943, %dma_start3A_944] : memref<1000000x32xf32, #tpu.memory_space<hbm>> -> memref<1000000x32xf32, #tpu.memory_space<hbm>>
        tpu.enqueue_indirect_dma source(%dma_start3A_945 : memref<1000000x32xf32, #tpu.memory_space<hbm>>) target(%dma_start3A_939 : memref<80x32xf32, #tpu.memory_space<vmem>>) offsets(%dma_start3A_942 : memref<80xi32, #tpu.memory_space<vmem>>) semaphore(%arg9 : memref<!tpu.dma_semaphore, #tpu.memory_space<semaphore_mem>>)
        %dma_start3A_946 = arith.constant 0 : i32
        %dma_start3A_947 = arith.constant 2 : i32
        %dma_start3A_948 = arith.constant 0 : i32
        %dma_start3A_949 = arith.constant 160 : i32
        %dma_start3A_950 = arith.constant 0 : i32
        %dma_start3A_951 = tpu.memref_slice %arg7[%dma_start3A_948, %dma_start3A_949, %dma_start3A_950] : memref<2x1600x32xf32, #tpu.memory_space<vmem>> -> memref<1x80x32xf32, #tpu.memory_space<vmem>>
        %dma_start3A_952 = tpu.memref_squeeze %dma_start3A_951 : memref<1x80x32xf32, #tpu.memory_space<vmem>> -> memref<80x32xf32, #tpu.memory_space<vmem>>
        %dma_start3A_953 = arith.constant 0 : i32
        %dma_start3A_954 = tpu.memref_slice %arg6[%dma_start3A_946, %dma_start3A_947, %dma_start3A_953] : memref<2x20x80xi32, #tpu.memory_space<vmem>> -> memref<1x1x80xi32, #tpu.memory_space<vmem>>
        %dma_start3A_955 = tpu.memref_squeeze %dma_start3A_954 : memref<1x1x80xi32, #tpu.memory_space<vmem>> -> memref<80xi32, #tpu.memory_space<vmem>>
        %dma_start3A_956 = arith.constant 0 : i32
        %dma_start3A_957 = arith.constant 0 : i32
        %dma_start3A_958 = tpu.memref_slice %arg3[%dma_start3A_956, %dma_start3A_957] : memref<1000000x32xf32, #tpu.memory_space<hbm>> -> memref<1000000x32xf32, #tpu.memory_space<hbm>>
        tpu.enqueue_indirect_dma source(%dma_start3A_958 : memref<1000000x32xf32, #tpu.memory_space<hbm>>) target(%dma_start3A_952 : memref<80x32xf32, #tpu.memory_space<vmem>>) offsets(%dma_start3A_955 : memref<80xi32, #tpu.memory_space<vmem>>) semaphore(%arg9 : memref<!tpu.dma_semaphore, #tpu.memory_space<semaphore_mem>>)
        %dma_start3A_959 = arith.constant 0 : i32
        %dma_start3A_960 = arith.constant 3 : i32
        %dma_start3A_961 = arith.constant 0 : i32
        %dma_start3A_962 = arith.constant 240 : i32
        %dma_start3A_963 = arith.constant 0 : i32
        %dma_start3A_964 = tpu.memref_slice %arg7[%dma_start3A_961, %dma_start3A_962, %dma_start3A_963] : memref<2x1600x32xf32, #tpu.memory_space<vmem>> -> memref<1x80x32xf32, #tpu.memory_space<vmem>>
        %dma_start3A_965 = tpu.memref_squeeze %dma_start3A_964 : memref<1x80x32xf32, #tpu.memory_space<vmem>> -> memref<80x32xf32, #tpu.memory_space<vmem>>
        %dma_start3A_966 = arith.constant 0 : i32
        %dma_start3A_967 = tpu.memref_slice %arg6[%dma_start3A_959, %dma_start3A_960, %dma_start3A_966] : memref<2x20x80xi32, #tpu.memory_space<vmem>> -> memref<1x1x80xi32, #tpu.memory_space<vmem>>
        %dma_start3A_968 = tpu.memref_squeeze %dma_start3A_967 : memref<1x1x80xi32, #tpu.memory_space<vmem>> -> memref<80xi32, #tpu.memory_space<vmem>>
        %dma_start3A_969 = arith.constant 0 : i32
        %dma_start3A_970 = arith.constant 0 : i32
        %dma_start3A_971 = tpu.memref_slice %arg3[%dma_start3A_969, %dma_start3A_970] : memref<1000000x32xf32, #tpu.memory_space<hbm>> -> memref<1000000x32xf32, #tpu.memory_space<hbm>>
        tpu.enqueue_indirect_dma source(%dma_start3A_971 : memref<1000000x32xf32, #tpu.memory_space<hbm>>) target(%dma_start3A_965 : memref<80x32xf32, #tpu.memory_space<vmem>>) offsets(%dma_start3A_968 : memref<80xi32, #tpu.memory_space<vmem>>) semaphore(%arg9 : memref<!tpu.dma_semaphore, #tpu.memory_space<semaphore_mem>>)
        %dma_start3A_972 = arith.constant 0 : i32
        %dma_start3A_973 = arith.constant 4 : i32
        %dma_start3A_974 = arith.constant 0 : i32
        %dma_start3A_975 = arith.constant 320 : i32
        %dma_start3A_976 = arith.constant 0 : i32
        %dma_start3A_977 = tpu.memref_slice %arg7[%dma_start3A_974, %dma_start3A_975, %dma_start3A_976] : memref<2x1600x32xf32, #tpu.memory_space<vmem>> -> memref<1x80x32xf32, #tpu.memory_space<vmem>>
        %dma_start3A_978 = tpu.memref_squeeze %dma_start3A_977 : memref<1x80x32xf32, #tpu.memory_space<vmem>> -> memref<80x32xf32, #tpu.memory_space<vmem>>
        %dma_start3A_979 = arith.constant 0 : i32
        %dma_start3A_980 = tpu.memref_slice %arg6[%dma_start3A_972, %dma_start3A_973, %dma_start3A_979] : memref<2x20x80xi32, #tpu.memory_space<vmem>> -> memref<1x1x80xi32, #tpu.memory_space<vmem>>
        %dma_start3A_981 = tpu.memref_squeeze %dma_start3A_980 : memref<1x1x80xi32, #tpu.memory_space<vmem>> -> memref<80xi32, #tpu.memory_space<vmem>>
        %dma_start3A_982 = arith.constant 0 : i32
        %dma_start3A_983 = arith.constant 0 : i32
        %dma_start3A_984 = tpu.memref_slice %arg3[%dma_start3A_982, %dma_start3A_983] : memref<1000000x32xf32, #tpu.memory_space<hbm>> -> memref<1000000x32xf32, #tpu.memory_space<hbm>>
        tpu.enqueue_indirect_dma source(%dma_start3A_984 : memref<1000000x32xf32, #tpu.memory_space<hbm>>) target(%dma_start3A_978 : memref<80x32xf32, #tpu.memory_space<vmem>>) offsets(%dma_start3A_981 : memref<80xi32, #tpu.memory_space<vmem>>) semaphore(%arg9 : memref<!tpu.dma_semaphore, #tpu.memory_space<semaphore_mem>>)
        %dma_start3A_985 = arith.constant 0 : i32
        %dma_start3A_986 = arith.constant 5 : i32
        %dma_start3A_987 = arith.constant 0 : i32
        %dma_start3A_988 = arith.constant 400 : i32
        %dma_start3A_989 = arith.constant 0 : i32
        %dma_start3A_990 = tpu.memref_slice %arg7[%dma_start3A_987, %dma_start3A_988, %dma_start3A_989] : memref<2x1600x32xf32, #tpu.memory_space<vmem>> -> memref<1x80x32xf32, #tpu.memory_space<vmem>>
        %dma_start3A_991 = tpu.memref_squeeze %dma_start3A_990 : memref<1x80x32xf32, #tpu.memory_space<vmem>> -> memref<80x32xf32, #tpu.memory_space<vmem>>
        %dma_start3A_992 = arith.constant 0 : i32
        %dma_start3A_993 = tpu.memref_slice %arg6[%dma_start3A_985, %dma_start3A_986, %dma_start3A_992] : memref<2x20x80xi32, #tpu.memory_space<vmem>> -> memref<1x1x80xi32, #tpu.memory_space<vmem>>
        %dma_start3A_994 = tpu.memref_squeeze %dma_start3A_993 : memref<1x1x80xi32, #tpu.memory_space<vmem>> -> memref<80xi32, #tpu.memory_space<vmem>>
        %dma_start3A_995 = arith.constant 0 : i32
        %dma_start3A_996 = arith.constant 0 : i32
        %dma_start3A_997 = tpu.memref_slice %arg3[%dma_start3A_995, %dma_start3A_996] : memref<1000000x32xf32, #tpu.memory_space<hbm>> -> memref<1000000x32xf32, #tpu.memory_space<hbm>>
        tpu.enqueue_indirect_dma source(%dma_start3A_997 : memref<1000000x32xf32, #tpu.memory_space<hbm>>) target(%dma_start3A_991 : memref<80x32xf32, #tpu.memory_space<vmem>>) offsets(%dma_start3A_994 : memref<80xi32, #tpu.memory_space<vmem>>) semaphore(%arg9 : memref<!tpu.dma_semaphore, #tpu.memory_space<semaphore_mem>>)
        %dma_start3A_998 = arith.constant 0 : i32
        %dma_start3A_999 = arith.constant 6 : i32
        %dma_start3A_1000 = arith.constant 0 : i32
        %dma_start3A_1001 = arith.constant 480 : i32
        %dma_start3A_1002 = arith.constant 0 : i32
        %dma_start3A_1003 = tpu.memref_slice %arg7[%dma_start3A_1000, %dma_start3A_1001, %dma_start3A_1002] : memref<2x1600x32xf32, #tpu.memory_space<vmem>> -> memref<1x80x32xf32, #tpu.memory_space<vmem>>
        %dma_start3A_1004 = tpu.memref_squeeze %dma_start3A_1003 : memref<1x80x32xf32, #tpu.memory_space<vmem>> -> memref<80x32xf32, #tpu.memory_space<vmem>>
        %dma_start3A_1005 = arith.constant 0 : i32
        %dma_start3A_1006 = tpu.memref_slice %arg6[%dma_start3A_998, %dma_start3A_999, %dma_start3A_1005] : memref<2x20x80xi32, #tpu.memory_space<vmem>> -> memref<1x1x80xi32, #tpu.memory_space<vmem>>
        %dma_start3A_1007 = tpu.memref_squeeze %dma_start3A_1006 : memref<1x1x80xi32, #tpu.memory_space<vmem>> -> memref<80xi32, #tpu.memory_space<vmem>>
        %dma_start3A_1008 = arith.constant 0 : i32
        %dma_start3A_1009 = arith.constant 0 : i32
        %dma_start3A_1010 = tpu.memref_slice %arg3[%dma_start3A_1008, %dma_start3A_1009] : memref<1000000x32xf32, #tpu.memory_space<hbm>> -> memref<1000000x32xf32, #tpu.memory_space<hbm>>
        tpu.enqueue_indirect_dma source(%dma_start3A_1010 : memref<1000000x32xf32, #tpu.memory_space<hbm>>) target(%dma_start3A_1004 : memref<80x32xf32, #tpu.memory_space<vmem>>) offsets(%dma_start3A_1007 : memref<80xi32, #tpu.memory_space<vmem>>) semaphore(%arg9 : memref<!tpu.dma_semaphore, #tpu.memory_space<semaphore_mem>>)
        %dma_start3A_1011 = arith.constant 0 : i32
        %dma_start3A_1012 = arith.constant 7 : i32
        %dma_start3A_1013 = arith.constant 0 : i32
        %dma_start3A_1014 = arith.constant 560 : i32
        %dma_start3A_1015 = arith.constant 0 : i32
        %dma_start3A_1016 = tpu.memref_slice %arg7[%dma_start3A_1013, %dma_start3A_1014, %dma_start3A_1015] : memref<2x1600x32xf32, #tpu.memory_space<vmem>> -> memref<1x80x32xf32, #tpu.memory_space<vmem>>
        %dma_start3A_1017 = tpu.memref_squeeze %dma_start3A_1016 : memref<1x80x32xf32, #tpu.memory_space<vmem>> -> memref<80x32xf32, #tpu.memory_space<vmem>>
        %dma_start3A_1018 = arith.constant 0 : i32
        %dma_start3A_1019 = tpu.memref_slice %arg6[%dma_start3A_1011, %dma_start3A_1012, %dma_start3A_1018] : memref<2x20x80xi32, #tpu.memory_space<vmem>> -> memref<1x1x80xi32, #tpu.memory_space<vmem>>
        %dma_start3A_1020 = tpu.memref_squeeze %dma_start3A_1019 : memref<1x1x80xi32, #tpu.memory_space<vmem>> -> memref<80xi32, #tpu.memory_space<vmem>>
        %dma_start3A_1021 = arith.constant 0 : i32
        %dma_start3A_1022 = arith.constant 0 : i32
        %dma_start3A_1023 = tpu.memref_slice %arg3[%dma_start3A_1021, %dma_start3A_1022] : memref<1000000x32xf32, #tpu.memory_space<hbm>> -> memref<1000000x32xf32, #tpu.memory_space<hbm>>
        tpu.enqueue_indirect_dma source(%dma_start3A_1023 : memref<1000000x32xf32, #tpu.memory_space<hbm>>) target(%dma_start3A_1017 : memref<80x32xf32, #tpu.memory_space<vmem>>) offsets(%dma_start3A_1020 : memref<80xi32, #tpu.memory_space<vmem>>) semaphore(%arg9 : memref<!tpu.dma_semaphore, #tpu.memory_space<semaphore_mem>>)
        %dma_start3A_1024 = arith.constant 0 : i32
        %dma_start3A_1025 = arith.constant 8 : i32
        %dma_start3A_1026 = arith.constant 0 : i32
        %dma_start3A_1027 = arith.constant 640 : i32
        %dma_start3A_1028 = arith.constant 0 : i32
        %dma_start3A_1029 = tpu.memref_slice %arg7[%dma_start3A_1026, %dma_start3A_1027, %dma_start3A_1028] : memref<2x1600x32xf32, #tpu.memory_space<vmem>> -> memref<1x80x32xf32, #tpu.memory_space<vmem>>
        %dma_start3A_1030 = tpu.memref_squeeze %dma_start3A_1029 : memref<1x80x32xf32, #tpu.memory_space<vmem>> -> memref<80x32xf32, #tpu.memory_space<vmem>>
        %dma_start3A_1031 = arith.constant 0 : i32
        %dma_start3A_1032 = tpu.memref_slice %arg6[%dma_start3A_1024, %dma_start3A_1025, %dma_start3A_1031] : memref<2x20x80xi32, #tpu.memory_space<vmem>> -> memref<1x1x80xi32, #tpu.memory_space<vmem>>
        %dma_start3A_1033 = tpu.memref_squeeze %dma_start3A_1032 : memref<1x1x80xi32, #tpu.memory_space<vmem>> -> memref<80xi32, #tpu.memory_space<vmem>>
        %dma_start3A_1034 = arith.constant 0 : i32
        %dma_start3A_1035 = arith.constant 0 : i32
        %dma_start3A_1036 = tpu.memref_slice %arg3[%dma_start3A_1034, %dma_start3A_1035] : memref<1000000x32xf32, #tpu.memory_space<hbm>> -> memref<1000000x32xf32, #tpu.memory_space<hbm>>
        tpu.enqueue_indirect_dma source(%dma_start3A_1036 : memref<1000000x32xf32, #tpu.memory_space<hbm>>) target(%dma_start3A_1030 : memref<80x32xf32, #tpu.memory_space<vmem>>) offsets(%dma_start3A_1033 : memref<80xi32, #tpu.memory_space<vmem>>) semaphore(%arg9 : memref<!tpu.dma_semaphore, #tpu.memory_space<semaphore_mem>>)
        %dma_start3A_1037 = arith.constant 0 : i32
        %dma_start3A_1038 = arith.constant 9 : i32
        %dma_start3A_1039 = arith.constant 0 : i32
        %dma_start3A_1040 = arith.constant 720 : i32
        %dma_start3A_1041 = arith.constant 0 : i32
        %dma_start3A_1042 = tpu.memref_slice %arg7[%dma_start3A_1039, %dma_start3A_1040, %dma_start3A_1041] : memref<2x1600x32xf32, #tpu.memory_space<vmem>> -> memref<1x80x32xf32, #tpu.memory_space<vmem>>
        %dma_start3A_1043 = tpu.memref_squeeze %dma_start3A_1042 : memref<1x80x32xf32, #tpu.memory_space<vmem>> -> memref<80x32xf32, #tpu.memory_space<vmem>>
        %dma_start3A_1044 = arith.constant 0 : i32
        %dma_start3A_1045 = tpu.memref_slice %arg6[%dma_start3A_1037, %dma_start3A_1038, %dma_start3A_1044] : memref<2x20x80xi32, #tpu.memory_space<vmem>> -> memref<1x1x80xi32, #tpu.memory_space<vmem>>
        %dma_start3A_1046 = tpu.memref_squeeze %dma_start3A_1045 : memref<1x1x80xi32, #tpu.memory_space<vmem>> -> memref<80xi32, #tpu.memory_space<vmem>>
        %dma_start3A_1047 = arith.constant 0 : i32
        %dma_start3A_1048 = arith.constant 0 : i32
        %dma_start3A_1049 = tpu.memref_slice %arg3[%dma_start3A_1047, %dma_start3A_1048] : memref<1000000x32xf32, #tpu.memory_space<hbm>> -> memref<1000000x32xf32, #tpu.memory_space<hbm>>
        tpu.enqueue_indirect_dma source(%dma_start3A_1049 : memref<1000000x32xf32, #tpu.memory_space<hbm>>) target(%dma_start3A_1043 : memref<80x32xf32, #tpu.memory_space<vmem>>) offsets(%dma_start3A_1046 : memref<80xi32, #tpu.memory_space<vmem>>) semaphore(%arg9 : memref<!tpu.dma_semaphore, #tpu.memory_space<semaphore_mem>>)
        %dma_start3A_1050 = arith.constant 0 : i32
        %dma_start3A_1051 = arith.constant 10 : i32
        %dma_start3A_1052 = arith.constant 0 : i32
        %dma_start3A_1053 = arith.constant 800 : i32
        %dma_start3A_1054 = arith.constant 0 : i32
        %dma_start3A_1055 = tpu.memref_slice %arg7[%dma_start3A_1052, %dma_start3A_1053, %dma_start3A_1054] : memref<2x1600x32xf32, #tpu.memory_space<vmem>> -> memref<1x80x32xf32, #tpu.memory_space<vmem>>
        %dma_start3A_1056 = tpu.memref_squeeze %dma_start3A_1055 : memref<1x80x32xf32, #tpu.memory_space<vmem>> -> memref<80x32xf32, #tpu.memory_space<vmem>>
        %dma_start3A_1057 = arith.constant 0 : i32
        %dma_start3A_1058 = tpu.memref_slice %arg6[%dma_start3A_1050, %dma_start3A_1051, %dma_start3A_1057] : memref<2x20x80xi32, #tpu.memory_space<vmem>> -> memref<1x1x80xi32, #tpu.memory_space<vmem>>
        %dma_start3A_1059 = tpu.memref_squeeze %dma_start3A_1058 : memref<1x1x80xi32, #tpu.memory_space<vmem>> -> memref<80xi32, #tpu.memory_space<vmem>>
        %dma_start3A_1060 = arith.constant 0 : i32
        %dma_start3A_1061 = arith.constant 0 : i32
        %dma_start3A_1062 = tpu.memref_slice %arg3[%dma_start3A_1060, %dma_start3A_1061] : memref<1000000x32xf32, #tpu.memory_space<hbm>> -> memref<1000000x32xf32, #tpu.memory_space<hbm>>
        tpu.enqueue_indirect_dma source(%dma_start3A_1062 : memref<1000000x32xf32, #tpu.memory_space<hbm>>) target(%dma_start3A_1056 : memref<80x32xf32, #tpu.memory_space<vmem>>) offsets(%dma_start3A_1059 : memref<80xi32, #tpu.memory_space<vmem>>) semaphore(%arg9 : memref<!tpu.dma_semaphore, #tpu.memory_space<semaphore_mem>>)
        %dma_start3A_1063 = arith.constant 0 : i32
        %dma_start3A_1064 = arith.constant 11 : i32
        %dma_start3A_1065 = arith.constant 0 : i32
        %dma_start3A_1066 = arith.constant 880 : i32
        %dma_start3A_1067 = arith.constant 0 : i32
        %dma_start3A_1068 = tpu.memref_slice %arg7[%dma_start3A_1065, %dma_start3A_1066, %dma_start3A_1067] : memref<2x1600x32xf32, #tpu.memory_space<vmem>> -> memref<1x80x32xf32, #tpu.memory_space<vmem>>
        %dma_start3A_1069 = tpu.memref_squeeze %dma_start3A_1068 : memref<1x80x32xf32, #tpu.memory_space<vmem>> -> memref<80x32xf32, #tpu.memory_space<vmem>>
        %dma_start3A_1070 = arith.constant 0 : i32
        %dma_start3A_1071 = tpu.memref_slice %arg6[%dma_start3A_1063, %dma_start3A_1064, %dma_start3A_1070] : memref<2x20x80xi32, #tpu.memory_space<vmem>> -> memref<1x1x80xi32, #tpu.memory_space<vmem>>
        %dma_start3A_1072 = tpu.memref_squeeze %dma_start3A_1071 : memref<1x1x80xi32, #tpu.memory_space<vmem>> -> memref<80xi32, #tpu.memory_space<vmem>>
        %dma_start3A_1073 = arith.constant 0 : i32
        %dma_start3A_1074 = arith.constant 0 : i32
        %dma_start3A_1075 = tpu.memref_slice %arg3[%dma_start3A_1073, %dma_start3A_1074] : memref<1000000x32xf32, #tpu.memory_space<hbm>> -> memref<1000000x32xf32, #tpu.memory_space<hbm>>
        tpu.enqueue_indirect_dma source(%dma_start3A_1075 : memref<1000000x32xf32, #tpu.memory_space<hbm>>) target(%dma_start3A_1069 : memref<80x32xf32, #tpu.memory_space<vmem>>) offsets(%dma_start3A_1072 : memref<80xi32, #tpu.memory_space<vmem>>) semaphore(%arg9 : memref<!tpu.dma_semaphore, #tpu.memory_space<semaphore_mem>>)
        %dma_start3A_1076 = arith.constant 0 : i32
        %dma_start3A_1077 = arith.constant 12 : i32
        %dma_start3A_1078 = arith.constant 0 : i32
        %dma_start3A_1079 = arith.constant 960 : i32
        %dma_start3A_1080 = arith.constant 0 : i32
        %dma_start3A_1081 = tpu.memref_slice %arg7[%dma_start3A_1078, %dma_start3A_1079, %dma_start3A_1080] : memref<2x1600x32xf32, #tpu.memory_space<vmem>> -> memref<1x80x32xf32, #tpu.memory_space<vmem>>
        %dma_start3A_1082 = tpu.memref_squeeze %dma_start3A_1081 : memref<1x80x32xf32, #tpu.memory_space<vmem>> -> memref<80x32xf32, #tpu.memory_space<vmem>>
        %dma_start3A_1083 = arith.constant 0 : i32
        %dma_start3A_1084 = tpu.memref_slice %arg6[%dma_start3A_1076, %dma_start3A_1077, %dma_start3A_1083] : memref<2x20x80xi32, #tpu.memory_space<vmem>> -> memref<1x1x80xi32, #tpu.memory_space<vmem>>
        %dma_start3A_1085 = tpu.memref_squeeze %dma_start3A_1084 : memref<1x1x80xi32, #tpu.memory_space<vmem>> -> memref<80xi32, #tpu.memory_space<vmem>>
        %dma_start3A_1086 = arith.constant 0 : i32
        %dma_start3A_1087 = arith.constant 0 : i32
        %dma_start3A_1088 = tpu.memref_slice %arg3[%dma_start3A_1086, %dma_start3A_1087] : memref<1000000x32xf32, #tpu.memory_space<hbm>> -> memref<1000000x32xf32, #tpu.memory_space<hbm>>
        tpu.enqueue_indirect_dma source(%dma_start3A_1088 : memref<1000000x32xf32, #tpu.memory_space<hbm>>) target(%dma_start3A_1082 : memref<80x32xf32, #tpu.memory_space<vmem>>) offsets(%dma_start3A_1085 : memref<80xi32, #tpu.memory_space<vmem>>) semaphore(%arg9 : memref<!tpu.dma_semaphore, #tpu.memory_space<semaphore_mem>>)
        %dma_start3A_1089 = arith.constant 0 : i32
        %dma_start3A_1090 = arith.constant 13 : i32
        %dma_start3A_1091 = arith.constant 0 : i32
        %dma_start3A_1092 = arith.constant 1040 : i32
        %dma_start3A_1093 = arith.constant 0 : i32
        %dma_start3A_1094 = tpu.memref_slice %arg7[%dma_start3A_1091, %dma_start3A_1092, %dma_start3A_1093] : memref<2x1600x32xf32, #tpu.memory_space<vmem>> -> memref<1x80x32xf32, #tpu.memory_space<vmem>>
        %dma_start3A_1095 = tpu.memref_squeeze %dma_start3A_1094 : memref<1x80x32xf32, #tpu.memory_space<vmem>> -> memref<80x32xf32, #tpu.memory_space<vmem>>
        %dma_start3A_1096 = arith.constant 0 : i32
        %dma_start3A_1097 = tpu.memref_slice %arg6[%dma_start3A_1089, %dma_start3A_1090, %dma_start3A_1096] : memref<2x20x80xi32, #tpu.memory_space<vmem>> -> memref<1x1x80xi32, #tpu.memory_space<vmem>>
        %dma_start3A_1098 = tpu.memref_squeeze %dma_start3A_1097 : memref<1x1x80xi32, #tpu.memory_space<vmem>> -> memref<80xi32, #tpu.memory_space<vmem>>
        %dma_start3A_1099 = arith.constant 0 : i32
        %dma_start3A_1100 = arith.constant 0 : i32
        %dma_start3A_1101 = tpu.memref_slice %arg3[%dma_start3A_1099, %dma_start3A_1100] : memref<1000000x32xf32, #tpu.memory_space<hbm>> -> memref<1000000x32xf32, #tpu.memory_space<hbm>>
        tpu.enqueue_indirect_dma source(%dma_start3A_1101 : memref<1000000x32xf32, #tpu.memory_space<hbm>>) target(%dma_start3A_1095 : memref<80x32xf32, #tpu.memory_space<vmem>>) offsets(%dma_start3A_1098 : memref<80xi32, #tpu.memory_space<vmem>>) semaphore(%arg9 : memref<!tpu.dma_semaphore, #tpu.memory_space<semaphore_mem>>)
        %dma_start3A_1102 = arith.constant 0 : i32
        %dma_start3A_1103 = arith.constant 14 : i32
        %dma_start3A_1104 = arith.constant 0 : i32
        %dma_start3A_1105 = arith.constant 1120 : i32
        %dma_start3A_1106 = arith.constant 0 : i32
        %dma_start3A_1107 = tpu.memref_slice %arg7[%dma_start3A_1104, %dma_start3A_1105, %dma_start3A_1106] : memref<2x1600x32xf32, #tpu.memory_space<vmem>> -> memref<1x80x32xf32, #tpu.memory_space<vmem>>
        %dma_start3A_1108 = tpu.memref_squeeze %dma_start3A_1107 : memref<1x80x32xf32, #tpu.memory_space<vmem>> -> memref<80x32xf32, #tpu.memory_space<vmem>>
        %dma_start3A_1109 = arith.constant 0 : i32
        %dma_start3A_1110 = tpu.memref_slice %arg6[%dma_start3A_1102, %dma_start3A_1103, %dma_start3A_1109] : memref<2x20x80xi32, #tpu.memory_space<vmem>> -> memref<1x1x80xi32, #tpu.memory_space<vmem>>
        %dma_start3A_1111 = tpu.memref_squeeze %dma_start3A_1110 : memref<1x1x80xi32, #tpu.memory_space<vmem>> -> memref<80xi32, #tpu.memory_space<vmem>>
        %dma_start3A_1112 = arith.constant 0 : i32
        %dma_start3A_1113 = arith.constant 0 : i32
        %dma_start3A_1114 = tpu.memref_slice %arg3[%dma_start3A_1112, %dma_start3A_1113] : memref<1000000x32xf32, #tpu.memory_space<hbm>> -> memref<1000000x32xf32, #tpu.memory_space<hbm>>
        tpu.enqueue_indirect_dma source(%dma_start3A_1114 : memref<1000000x32xf32, #tpu.memory_space<hbm>>) target(%dma_start3A_1108 : memref<80x32xf32, #tpu.memory_space<vmem>>) offsets(%dma_start3A_1111 : memref<80xi32, #tpu.memory_space<vmem>>) semaphore(%arg9 : memref<!tpu.dma_semaphore, #tpu.memory_space<semaphore_mem>>)
        %dma_start3A_1115 = arith.constant 0 : i32
        %dma_start3A_1116 = arith.constant 15 : i32
        %dma_start3A_1117 = arith.constant 0 : i32
        %dma_start3A_1118 = arith.constant 1200 : i32
        %dma_start3A_1119 = arith.constant 0 : i32
        %dma_start3A_1120 = tpu.memref_slice %arg7[%dma_start3A_1117, %dma_start3A_1118, %dma_start3A_1119] : memref<2x1600x32xf32, #tpu.memory_space<vmem>> -> memref<1x80x32xf32, #tpu.memory_space<vmem>>
        %dma_start3A_1121 = tpu.memref_squeeze %dma_start3A_1120 : memref<1x80x32xf32, #tpu.memory_space<vmem>> -> memref<80x32xf32, #tpu.memory_space<vmem>>
        %dma_start3A_1122 = arith.constant 0 : i32
        %dma_start3A_1123 = tpu.memref_slice %arg6[%dma_start3A_1115, %dma_start3A_1116, %dma_start3A_1122] : memref<2x20x80xi32, #tpu.memory_space<vmem>> -> memref<1x1x80xi32, #tpu.memory_space<vmem>>
        %dma_start3A_1124 = tpu.memref_squeeze %dma_start3A_1123 : memref<1x1x80xi32, #tpu.memory_space<vmem>> -> memref<80xi32, #tpu.memory_space<vmem>>
        %dma_start3A_1125 = arith.constant 0 : i32
        %dma_start3A_1126 = arith.constant 0 : i32
        %dma_start3A_1127 = tpu.memref_slice %arg3[%dma_start3A_1125, %dma_start3A_1126] : memref<1000000x32xf32, #tpu.memory_space<hbm>> -> memref<1000000x32xf32, #tpu.memory_space<hbm>>
        tpu.enqueue_indirect_dma source(%dma_start3A_1127 : memref<1000000x32xf32, #tpu.memory_space<hbm>>) target(%dma_start3A_1121 : memref<80x32xf32, #tpu.memory_space<vmem>>) offsets(%dma_start3A_1124 : memref<80xi32, #tpu.memory_space<vmem>>) semaphore(%arg9 : memref<!tpu.dma_semaphore, #tpu.memory_space<semaphore_mem>>)
        %dma_start3A_1128 = arith.constant 0 : i32
        %dma_start3A_1129 = arith.constant 16 : i32
        %dma_start3A_1130 = arith.constant 0 : i32
        %dma_start3A_1131 = arith.constant 1280 : i32
        %dma_start3A_1132 = arith.constant 0 : i32
        %dma_start3A_1133 = tpu.memref_slice %arg7[%dma_start3A_1130, %dma_start3A_1131, %dma_start3A_1132] : memref<2x1600x32xf32, #tpu.memory_space<vmem>> -> memref<1x80x32xf32, #tpu.memory_space<vmem>>
        %dma_start3A_1134 = tpu.memref_squeeze %dma_start3A_1133 : memref<1x80x32xf32, #tpu.memory_space<vmem>> -> memref<80x32xf32, #tpu.memory_space<vmem>>
        %dma_start3A_1135 = arith.constant 0 : i32
        %dma_start3A_1136 = tpu.memref_slice %arg6[%dma_start3A_1128, %dma_start3A_1129, %dma_start3A_1135] : memref<2x20x80xi32, #tpu.memory_space<vmem>> -> memref<1x1x80xi32, #tpu.memory_space<vmem>>
        %dma_start3A_1137 = tpu.memref_squeeze %dma_start3A_1136 : memref<1x1x80xi32, #tpu.memory_space<vmem>> -> memref<80xi32, #tpu.memory_space<vmem>>
        %dma_start3A_1138 = arith.constant 0 : i32
        %dma_start3A_1139 = arith.constant 0 : i32
        %dma_start3A_1140 = tpu.memref_slice %arg3[%dma_start3A_1138, %dma_start3A_1139] : memref<1000000x32xf32, #tpu.memory_space<hbm>> -> memref<1000000x32xf32, #tpu.memory_space<hbm>>
        tpu.enqueue_indirect_dma source(%dma_start3A_1140 : memref<1000000x32xf32, #tpu.memory_space<hbm>>) target(%dma_start3A_1134 : memref<80x32xf32, #tpu.memory_space<vmem>>) offsets(%dma_start3A_1137 : memref<80xi32, #tpu.memory_space<vmem>>) semaphore(%arg9 : memref<!tpu.dma_semaphore, #tpu.memory_space<semaphore_mem>>)
        %dma_start3A_1141 = arith.constant 0 : i32
        %dma_start3A_1142 = arith.constant 17 : i32
        %dma_start3A_1143 = arith.constant 0 : i32
        %dma_start3A_1144 = arith.constant 1360 : i32
        %dma_start3A_1145 = arith.constant 0 : i32
        %dma_start3A_1146 = tpu.memref_slice %arg7[%dma_start3A_1143, %dma_start3A_1144, %dma_start3A_1145] : memref<2x1600x32xf32, #tpu.memory_space<vmem>> -> memref<1x80x32xf32, #tpu.memory_space<vmem>>
        %dma_start3A_1147 = tpu.memref_squeeze %dma_start3A_1146 : memref<1x80x32xf32, #tpu.memory_space<vmem>> -> memref<80x32xf32, #tpu.memory_space<vmem>>
        %dma_start3A_1148 = arith.constant 0 : i32
        %dma_start3A_1149 = tpu.memref_slice %arg6[%dma_start3A_1141, %dma_start3A_1142, %dma_start3A_1148] : memref<2x20x80xi32, #tpu.memory_space<vmem>> -> memref<1x1x80xi32, #tpu.memory_space<vmem>>
        %dma_start3A_1150 = tpu.memref_squeeze %dma_start3A_1149 : memref<1x1x80xi32, #tpu.memory_space<vmem>> -> memref<80xi32, #tpu.memory_space<vmem>>
        %dma_start3A_1151 = arith.constant 0 : i32
        %dma_start3A_1152 = arith.constant 0 : i32
        %dma_start3A_1153 = tpu.memref_slice %arg3[%dma_start3A_1151, %dma_start3A_1152] : memref<1000000x32xf32, #tpu.memory_space<hbm>> -> memref<1000000x32xf32, #tpu.memory_space<hbm>>
        tpu.enqueue_indirect_dma source(%dma_start3A_1153 : memref<1000000x32xf32, #tpu.memory_space<hbm>>) target(%dma_start3A_1147 : memref<80x32xf32, #tpu.memory_space<vmem>>) offsets(%dma_start3A_1150 : memref<80xi32, #tpu.memory_space<vmem>>) semaphore(%arg9 : memref<!tpu.dma_semaphore, #tpu.memory_space<semaphore_mem>>)
        %dma_start3A_1154 = arith.constant 0 : i32
        %dma_start3A_1155 = arith.constant 18 : i32
        %dma_start3A_1156 = arith.constant 0 : i32
        %dma_start3A_1157 = arith.constant 1440 : i32
        %dma_start3A_1158 = arith.constant 0 : i32
        %dma_start3A_1159 = tpu.memref_slice %arg7[%dma_start3A_1156, %dma_start3A_1157, %dma_start3A_1158] : memref<2x1600x32xf32, #tpu.memory_space<vmem>> -> memref<1x80x32xf32, #tpu.memory_space<vmem>>
        %dma_start3A_1160 = tpu.memref_squeeze %dma_start3A_1159 : memref<1x80x32xf32, #tpu.memory_space<vmem>> -> memref<80x32xf32, #tpu.memory_space<vmem>>
        %dma_start3A_1161 = arith.constant 0 : i32
        %dma_start3A_1162 = tpu.memref_slice %arg6[%dma_start3A_1154, %dma_start3A_1155, %dma_start3A_1161] : memref<2x20x80xi32, #tpu.memory_space<vmem>> -> memref<1x1x80xi32, #tpu.memory_space<vmem>>
        %dma_start3A_1163 = tpu.memref_squeeze %dma_start3A_1162 : memref<1x1x80xi32, #tpu.memory_space<vmem>> -> memref<80xi32, #tpu.memory_space<vmem>>
        %dma_start3A_1164 = arith.constant 0 : i32
        %dma_start3A_1165 = arith.constant 0 : i32
        %dma_start3A_1166 = tpu.memref_slice %arg3[%dma_start3A_1164, %dma_start3A_1165] : memref<1000000x32xf32, #tpu.memory_space<hbm>> -> memref<1000000x32xf32, #tpu.memory_space<hbm>>
        tpu.enqueue_indirect_dma source(%dma_start3A_1166 : memref<1000000x32xf32, #tpu.memory_space<hbm>>) target(%dma_start3A_1160 : memref<80x32xf32, #tpu.memory_space<vmem>>) offsets(%dma_start3A_1163 : memref<80xi32, #tpu.memory_space<vmem>>) semaphore(%arg9 : memref<!tpu.dma_semaphore, #tpu.memory_space<semaphore_mem>>)
        %dma_start3A_1167 = arith.constant 0 : i32
        %dma_start3A_1168 = arith.constant 19 : i32
        %dma_start3A_1169 = arith.constant 0 : i32
        %dma_start3A_1170 = arith.constant 1520 : i32
        %dma_start3A_1171 = arith.constant 0 : i32
        %dma_start3A_1172 = tpu.memref_slice %arg7[%dma_start3A_1169, %dma_start3A_1170, %dma_start3A_1171] : memref<2x1600x32xf32, #tpu.memory_space<vmem>> -> memref<1x80x32xf32, #tpu.memory_space<vmem>>
        %dma_start3A_1173 = tpu.memref_squeeze %dma_start3A_1172 : memref<1x80x32xf32, #tpu.memory_space<vmem>> -> memref<80x32xf32, #tpu.memory_space<vmem>>
        %dma_start3A_1174 = arith.constant 0 : i32
        %dma_start3A_1175 = tpu.memref_slice %arg6[%dma_start3A_1167, %dma_start3A_1168, %dma_start3A_1174] : memref<2x20x80xi32, #tpu.memory_space<vmem>> -> memref<1x1x80xi32, #tpu.memory_space<vmem>>
        %dma_start3A_1176 = tpu.memref_squeeze %dma_start3A_1175 : memref<1x1x80xi32, #tpu.memory_space<vmem>> -> memref<80xi32, #tpu.memory_space<vmem>>
        %dma_start3A_1177 = arith.constant 0 : i32
        %dma_start3A_1178 = arith.constant 0 : i32
        %dma_start3A_1179 = tpu.memref_slice %arg3[%dma_start3A_1177, %dma_start3A_1178] : memref<1000000x32xf32, #tpu.memory_space<hbm>> -> memref<1000000x32xf32, #tpu.memory_space<hbm>>
        tpu.enqueue_indirect_dma source(%dma_start3A_1179 : memref<1000000x32xf32, #tpu.memory_space<hbm>>) target(%dma_start3A_1173 : memref<80x32xf32, #tpu.memory_space<vmem>>) offsets(%dma_start3A_1176 : memref<80xi32, #tpu.memory_space<vmem>>) semaphore(%arg9 : memref<!tpu.dma_semaphore, #tpu.memory_space<semaphore_mem>>)
      } else {
      }
      %dma_wait3A_625 = arith.constant 1 : i32
      %dma_wait3A_626 = arith.constant 0 : i32
      %dma_wait3A_627 = arith.constant 1 : i32
      %dma_wait3A_628 = arith.constant 0 : i32
      %dma_wait3A_629 = arith.constant 0 : i32
      %dma_wait3A_630 = tpu.memref_slice %arg7[%dma_wait3A_627, %dma_wait3A_628, %dma_wait3A_629] : memref<2x1600x32xf32, #tpu.memory_space<vmem>> -> memref<1x80x32xf32, #tpu.memory_space<vmem>>
      %dma_wait3A_631 = tpu.memref_squeeze %dma_wait3A_630 : memref<1x80x32xf32, #tpu.memory_space<vmem>> -> memref<80x32xf32, #tpu.memory_space<vmem>>
      %dma_wait3A_632 = arith.constant 0 : i32
      %dma_wait3A_633 = tpu.memref_slice %arg6[%dma_wait3A_625, %dma_wait3A_626, %dma_wait3A_632] : memref<2x20x80xi32, #tpu.memory_space<vmem>> -> memref<1x1x80xi32, #tpu.memory_space<vmem>>
      %dma_wait3A_634 = tpu.memref_squeeze %dma_wait3A_633 : memref<1x1x80xi32, #tpu.memory_space<vmem>> -> memref<80xi32, #tpu.memory_space<vmem>>
      %dma_wait3A_635 = arith.constant 0 : i32
      %dma_wait3A_636 = arith.constant 0 : i32
      %dma_wait3A_637 = tpu.memref_slice %arg3[%dma_wait3A_635, %dma_wait3A_636] : memref<1000000x32xf32, #tpu.memory_space<hbm>> -> memref<1000000x32xf32, #tpu.memory_space<hbm>>
      tpu.wait_indirect_dma semaphore(%arg10 : memref<!tpu.dma_semaphore, #tpu.memory_space<semaphore_mem>>) src(%dma_wait3A_637 : memref<1000000x32xf32, #tpu.memory_space<hbm>>) dst(%dma_wait3A_631 : memref<80x32xf32, #tpu.memory_space<vmem>>)
      %dma_wait3A_638 = arith.constant 1 : i32
      %dma_wait3A_639 = arith.constant 1 : i32
      %dma_wait3A_640 = arith.constant 1 : i32
      %dma_wait3A_641 = arith.constant 80 : i32
      %dma_wait3A_642 = arith.constant 0 : i32
      %dma_wait3A_643 = tpu.memref_slice %arg7[%dma_wait3A_640, %dma_wait3A_641, %dma_wait3A_642] : memref<2x1600x32xf32, #tpu.memory_space<vmem>> -> memref<1x80x32xf32, #tpu.memory_space<vmem>>
      %dma_wait3A_644 = tpu.memref_squeeze %dma_wait3A_643 : memref<1x80x32xf32, #tpu.memory_space<vmem>> -> memref<80x32xf32, #tpu.memory_space<vmem>>
      %dma_wait3A_645 = arith.constant 0 : i32
      %dma_wait3A_646 = tpu.memref_slice %arg6[%dma_wait3A_638, %dma_wait3A_639, %dma_wait3A_645] : memref<2x20x80xi32, #tpu.memory_space<vmem>> -> memref<1x1x80xi32, #tpu.memory_space<vmem>>
      %dma_wait3A_647 = tpu.memref_squeeze %dma_wait3A_646 : memref<1x1x80xi32, #tpu.memory_space<vmem>> -> memref<80xi32, #tpu.memory_space<vmem>>
      %dma_wait3A_648 = arith.constant 0 : i32
      %dma_wait3A_649 = arith.constant 0 : i32
      %dma_wait3A_650 = tpu.memref_slice %arg3[%dma_wait3A_648, %dma_wait3A_649] : memref<1000000x32xf32, #tpu.memory_space<hbm>> -> memref<1000000x32xf32, #tpu.memory_space<hbm>>
      tpu.wait_indirect_dma semaphore(%arg10 : memref<!tpu.dma_semaphore, #tpu.memory_space<semaphore_mem>>) src(%dma_wait3A_650 : memref<1000000x32xf32, #tpu.memory_space<hbm>>) dst(%dma_wait3A_644 : memref<80x32xf32, #tpu.memory_space<vmem>>)
      %dma_wait3A_651 = arith.constant 1 : i32
      %dma_wait3A_652 = arith.constant 2 : i32
      %dma_wait3A_653 = arith.constant 1 : i32
      %dma_wait3A_654 = arith.constant 160 : i32
      %dma_wait3A_655 = arith.constant 0 : i32
      %dma_wait3A_656 = tpu.memref_slice %arg7[%dma_wait3A_653, %dma_wait3A_654, %dma_wait3A_655] : memref<2x1600x32xf32, #tpu.memory_space<vmem>> -> memref<1x80x32xf32, #tpu.memory_space<vmem>>
      %dma_wait3A_657 = tpu.memref_squeeze %dma_wait3A_656 : memref<1x80x32xf32, #tpu.memory_space<vmem>> -> memref<80x32xf32, #tpu.memory_space<vmem>>
      %dma_wait3A_658 = arith.constant 0 : i32
      %dma_wait3A_659 = tpu.memref_slice %arg6[%dma_wait3A_651, %dma_wait3A_652, %dma_wait3A_658] : memref<2x20x80xi32, #tpu.memory_space<vmem>> -> memref<1x1x80xi32, #tpu.memory_space<vmem>>
      %dma_wait3A_660 = tpu.memref_squeeze %dma_wait3A_659 : memref<1x1x80xi32, #tpu.memory_space<vmem>> -> memref<80xi32, #tpu.memory_space<vmem>>
      %dma_wait3A_661 = arith.constant 0 : i32
      %dma_wait3A_662 = arith.constant 0 : i32
      %dma_wait3A_663 = tpu.memref_slice %arg3[%dma_wait3A_661, %dma_wait3A_662] : memref<1000000x32xf32, #tpu.memory_space<hbm>> -> memref<1000000x32xf32, #tpu.memory_space<hbm>>
      tpu.wait_indirect_dma semaphore(%arg10 : memref<!tpu.dma_semaphore, #tpu.memory_space<semaphore_mem>>) src(%dma_wait3A_663 : memref<1000000x32xf32, #tpu.memory_space<hbm>>) dst(%dma_wait3A_657 : memref<80x32xf32, #tpu.memory_space<vmem>>)
      %dma_wait3A_664 = arith.constant 1 : i32
      %dma_wait3A_665 = arith.constant 3 : i32
      %dma_wait3A_666 = arith.constant 1 : i32
      %dma_wait3A_667 = arith.constant 240 : i32
      %dma_wait3A_668 = arith.constant 0 : i32
      %dma_wait3A_669 = tpu.memref_slice %arg7[%dma_wait3A_666, %dma_wait3A_667, %dma_wait3A_668] : memref<2x1600x32xf32, #tpu.memory_space<vmem>> -> memref<1x80x32xf32, #tpu.memory_space<vmem>>
      %dma_wait3A_670 = tpu.memref_squeeze %dma_wait3A_669 : memref<1x80x32xf32, #tpu.memory_space<vmem>> -> memref<80x32xf32, #tpu.memory_space<vmem>>
      %dma_wait3A_671 = arith.constant 0 : i32
      %dma_wait3A_672 = tpu.memref_slice %arg6[%dma_wait3A_664, %dma_wait3A_665, %dma_wait3A_671] : memref<2x20x80xi32, #tpu.memory_space<vmem>> -> memref<1x1x80xi32, #tpu.memory_space<vmem>>
      %dma_wait3A_673 = tpu.memref_squeeze %dma_wait3A_672 : memref<1x1x80xi32, #tpu.memory_space<vmem>> -> memref<80xi32, #tpu.memory_space<vmem>>
      %dma_wait3A_674 = arith.constant 0 : i32
      %dma_wait3A_675 = arith.constant 0 : i32
      %dma_wait3A_676 = tpu.memref_slice %arg3[%dma_wait3A_674, %dma_wait3A_675] : memref<1000000x32xf32, #tpu.memory_space<hbm>> -> memref<1000000x32xf32, #tpu.memory_space<hbm>>
      tpu.wait_indirect_dma semaphore(%arg10 : memref<!tpu.dma_semaphore, #tpu.memory_space<semaphore_mem>>) src(%dma_wait3A_676 : memref<1000000x32xf32, #tpu.memory_space<hbm>>) dst(%dma_wait3A_670 : memref<80x32xf32, #tpu.memory_space<vmem>>)
      %dma_wait3A_677 = arith.constant 1 : i32
      %dma_wait3A_678 = arith.constant 4 : i32
      %dma_wait3A_679 = arith.constant 1 : i32
      %dma_wait3A_680 = arith.constant 320 : i32
      %dma_wait3A_681 = arith.constant 0 : i32
      %dma_wait3A_682 = tpu.memref_slice %arg7[%dma_wait3A_679, %dma_wait3A_680, %dma_wait3A_681] : memref<2x1600x32xf32, #tpu.memory_space<vmem>> -> memref<1x80x32xf32, #tpu.memory_space<vmem>>
      %dma_wait3A_683 = tpu.memref_squeeze %dma_wait3A_682 : memref<1x80x32xf32, #tpu.memory_space<vmem>> -> memref<80x32xf32, #tpu.memory_space<vmem>>
      %dma_wait3A_684 = arith.constant 0 : i32
      %dma_wait3A_685 = tpu.memref_slice %arg6[%dma_wait3A_677, %dma_wait3A_678, %dma_wait3A_684] : memref<2x20x80xi32, #tpu.memory_space<vmem>> -> memref<1x1x80xi32, #tpu.memory_space<vmem>>
      %dma_wait3A_686 = tpu.memref_squeeze %dma_wait3A_685 : memref<1x1x80xi32, #tpu.memory_space<vmem>> -> memref<80xi32, #tpu.memory_space<vmem>>
      %dma_wait3A_687 = arith.constant 0 : i32
      %dma_wait3A_688 = arith.constant 0 : i32
      %dma_wait3A_689 = tpu.memref_slice %arg3[%dma_wait3A_687, %dma_wait3A_688] : memref<1000000x32xf32, #tpu.memory_space<hbm>> -> memref<1000000x32xf32, #tpu.memory_space<hbm>>
      tpu.wait_indirect_dma semaphore(%arg10 : memref<!tpu.dma_semaphore, #tpu.memory_space<semaphore_mem>>) src(%dma_wait3A_689 : memref<1000000x32xf32, #tpu.memory_space<hbm>>) dst(%dma_wait3A_683 : memref<80x32xf32, #tpu.memory_space<vmem>>)
      %dma_wait3A_690 = arith.constant 1 : i32
      %dma_wait3A_691 = arith.constant 5 : i32
      %dma_wait3A_692 = arith.constant 1 : i32
      %dma_wait3A_693 = arith.constant 400 : i32
      %dma_wait3A_694 = arith.constant 0 : i32
      %dma_wait3A_695 = tpu.memref_slice %arg7[%dma_wait3A_692, %dma_wait3A_693, %dma_wait3A_694] : memref<2x1600x32xf32, #tpu.memory_space<vmem>> -> memref<1x80x32xf32, #tpu.memory_space<vmem>>
      %dma_wait3A_696 = tpu.memref_squeeze %dma_wait3A_695 : memref<1x80x32xf32, #tpu.memory_space<vmem>> -> memref<80x32xf32, #tpu.memory_space<vmem>>
      %dma_wait3A_697 = arith.constant 0 : i32
      %dma_wait3A_698 = tpu.memref_slice %arg6[%dma_wait3A_690, %dma_wait3A_691, %dma_wait3A_697] : memref<2x20x80xi32, #tpu.memory_space<vmem>> -> memref<1x1x80xi32, #tpu.memory_space<vmem>>
      %dma_wait3A_699 = tpu.memref_squeeze %dma_wait3A_698 : memref<1x1x80xi32, #tpu.memory_space<vmem>> -> memref<80xi32, #tpu.memory_space<vmem>>
      %dma_wait3A_700 = arith.constant 0 : i32
      %dma_wait3A_701 = arith.constant 0 : i32
      %dma_wait3A_702 = tpu.memref_slice %arg3[%dma_wait3A_700, %dma_wait3A_701] : memref<1000000x32xf32, #tpu.memory_space<hbm>> -> memref<1000000x32xf32, #tpu.memory_space<hbm>>
      tpu.wait_indirect_dma semaphore(%arg10 : memref<!tpu.dma_semaphore, #tpu.memory_space<semaphore_mem>>) src(%dma_wait3A_702 : memref<1000000x32xf32, #tpu.memory_space<hbm>>) dst(%dma_wait3A_696 : memref<80x32xf32, #tpu.memory_space<vmem>>)
      %dma_wait3A_703 = arith.constant 1 : i32
      %dma_wait3A_704 = arith.constant 6 : i32
      %dma_wait3A_705 = arith.constant 1 : i32
      %dma_wait3A_706 = arith.constant 480 : i32
      %dma_wait3A_707 = arith.constant 0 : i32
      %dma_wait3A_708 = tpu.memref_slice %arg7[%dma_wait3A_705, %dma_wait3A_706, %dma_wait3A_707] : memref<2x1600x32xf32, #tpu.memory_space<vmem>> -> memref<1x80x32xf32, #tpu.memory_space<vmem>>
      %dma_wait3A_709 = tpu.memref_squeeze %dma_wait3A_708 : memref<1x80x32xf32, #tpu.memory_space<vmem>> -> memref<80x32xf32, #tpu.memory_space<vmem>>
      %dma_wait3A_710 = arith.constant 0 : i32
      %dma_wait3A_711 = tpu.memref_slice %arg6[%dma_wait3A_703, %dma_wait3A_704, %dma_wait3A_710] : memref<2x20x80xi32, #tpu.memory_space<vmem>> -> memref<1x1x80xi32, #tpu.memory_space<vmem>>
      %dma_wait3A_712 = tpu.memref_squeeze %dma_wait3A_711 : memref<1x1x80xi32, #tpu.memory_space<vmem>> -> memref<80xi32, #tpu.memory_space<vmem>>
      %dma_wait3A_713 = arith.constant 0 : i32
      %dma_wait3A_714 = arith.constant 0 : i32
      %dma_wait3A_715 = tpu.memref_slice %arg3[%dma_wait3A_713, %dma_wait3A_714] : memref<1000000x32xf32, #tpu.memory_space<hbm>> -> memref<1000000x32xf32, #tpu.memory_space<hbm>>
      tpu.wait_indirect_dma semaphore(%arg10 : memref<!tpu.dma_semaphore, #tpu.memory_space<semaphore_mem>>) src(%dma_wait3A_715 : memref<1000000x32xf32, #tpu.memory_space<hbm>>) dst(%dma_wait3A_709 : memref<80x32xf32, #tpu.memory_space<vmem>>)
      %dma_wait3A_716 = arith.constant 1 : i32
      %dma_wait3A_717 = arith.constant 7 : i32
      %dma_wait3A_718 = arith.constant 1 : i32
      %dma_wait3A_719 = arith.constant 560 : i32
      %dma_wait3A_720 = arith.constant 0 : i32
      %dma_wait3A_721 = tpu.memref_slice %arg7[%dma_wait3A_718, %dma_wait3A_719, %dma_wait3A_720] : memref<2x1600x32xf32, #tpu.memory_space<vmem>> -> memref<1x80x32xf32, #tpu.memory_space<vmem>>
      %dma_wait3A_722 = tpu.memref_squeeze %dma_wait3A_721 : memref<1x80x32xf32, #tpu.memory_space<vmem>> -> memref<80x32xf32, #tpu.memory_space<vmem>>
      %dma_wait3A_723 = arith.constant 0 : i32
      %dma_wait3A_724 = tpu.memref_slice %arg6[%dma_wait3A_716, %dma_wait3A_717, %dma_wait3A_723] : memref<2x20x80xi32, #tpu.memory_space<vmem>> -> memref<1x1x80xi32, #tpu.memory_space<vmem>>
      %dma_wait3A_725 = tpu.memref_squeeze %dma_wait3A_724 : memref<1x1x80xi32, #tpu.memory_space<vmem>> -> memref<80xi32, #tpu.memory_space<vmem>>
      %dma_wait3A_726 = arith.constant 0 : i32
      %dma_wait3A_727 = arith.constant 0 : i32
      %dma_wait3A_728 = tpu.memref_slice %arg3[%dma_wait3A_726, %dma_wait3A_727] : memref<1000000x32xf32, #tpu.memory_space<hbm>> -> memref<1000000x32xf32, #tpu.memory_space<hbm>>
      tpu.wait_indirect_dma semaphore(%arg10 : memref<!tpu.dma_semaphore, #tpu.memory_space<semaphore_mem>>) src(%dma_wait3A_728 : memref<1000000x32xf32, #tpu.memory_space<hbm>>) dst(%dma_wait3A_722 : memref<80x32xf32, #tpu.memory_space<vmem>>)
      %dma_wait3A_729 = arith.constant 1 : i32
      %dma_wait3A_730 = arith.constant 8 : i32
      %dma_wait3A_731 = arith.constant 1 : i32
      %dma_wait3A_732 = arith.constant 640 : i32
      %dma_wait3A_733 = arith.constant 0 : i32
      %dma_wait3A_734 = tpu.memref_slice %arg7[%dma_wait3A_731, %dma_wait3A_732, %dma_wait3A_733] : memref<2x1600x32xf32, #tpu.memory_space<vmem>> -> memref<1x80x32xf32, #tpu.memory_space<vmem>>
      %dma_wait3A_735 = tpu.memref_squeeze %dma_wait3A_734 : memref<1x80x32xf32, #tpu.memory_space<vmem>> -> memref<80x32xf32, #tpu.memory_space<vmem>>
      %dma_wait3A_736 = arith.constant 0 : i32
      %dma_wait3A_737 = tpu.memref_slice %arg6[%dma_wait3A_729, %dma_wait3A_730, %dma_wait3A_736] : memref<2x20x80xi32, #tpu.memory_space<vmem>> -> memref<1x1x80xi32, #tpu.memory_space<vmem>>
      %dma_wait3A_738 = tpu.memref_squeeze %dma_wait3A_737 : memref<1x1x80xi32, #tpu.memory_space<vmem>> -> memref<80xi32, #tpu.memory_space<vmem>>
      %dma_wait3A_739 = arith.constant 0 : i32
      %dma_wait3A_740 = arith.constant 0 : i32
      %dma_wait3A_741 = tpu.memref_slice %arg3[%dma_wait3A_739, %dma_wait3A_740] : memref<1000000x32xf32, #tpu.memory_space<hbm>> -> memref<1000000x32xf32, #tpu.memory_space<hbm>>
      tpu.wait_indirect_dma semaphore(%arg10 : memref<!tpu.dma_semaphore, #tpu.memory_space<semaphore_mem>>) src(%dma_wait3A_741 : memref<1000000x32xf32, #tpu.memory_space<hbm>>) dst(%dma_wait3A_735 : memref<80x32xf32, #tpu.memory_space<vmem>>)
      %dma_wait3A_742 = arith.constant 1 : i32
      %dma_wait3A_743 = arith.constant 9 : i32
      %dma_wait3A_744 = arith.constant 1 : i32
      %dma_wait3A_745 = arith.constant 720 : i32
      %dma_wait3A_746 = arith.constant 0 : i32
      %dma_wait3A_747 = tpu.memref_slice %arg7[%dma_wait3A_744, %dma_wait3A_745, %dma_wait3A_746] : memref<2x1600x32xf32, #tpu.memory_space<vmem>> -> memref<1x80x32xf32, #tpu.memory_space<vmem>>
      %dma_wait3A_748 = tpu.memref_squeeze %dma_wait3A_747 : memref<1x80x32xf32, #tpu.memory_space<vmem>> -> memref<80x32xf32, #tpu.memory_space<vmem>>
      %dma_wait3A_749 = arith.constant 0 : i32
      %dma_wait3A_750 = tpu.memref_slice %arg6[%dma_wait3A_742, %dma_wait3A_743, %dma_wait3A_749] : memref<2x20x80xi32, #tpu.memory_space<vmem>> -> memref<1x1x80xi32, #tpu.memory_space<vmem>>
      %dma_wait3A_751 = tpu.memref_squeeze %dma_wait3A_750 : memref<1x1x80xi32, #tpu.memory_space<vmem>> -> memref<80xi32, #tpu.memory_space<vmem>>
      %dma_wait3A_752 = arith.constant 0 : i32
      %dma_wait3A_753 = arith.constant 0 : i32
      %dma_wait3A_754 = tpu.memref_slice %arg3[%dma_wait3A_752, %dma_wait3A_753] : memref<1000000x32xf32, #tpu.memory_space<hbm>> -> memref<1000000x32xf32, #tpu.memory_space<hbm>>
      tpu.wait_indirect_dma semaphore(%arg10 : memref<!tpu.dma_semaphore, #tpu.memory_space<semaphore_mem>>) src(%dma_wait3A_754 : memref<1000000x32xf32, #tpu.memory_space<hbm>>) dst(%dma_wait3A_748 : memref<80x32xf32, #tpu.memory_space<vmem>>)
      %dma_wait3A_755 = arith.constant 1 : i32
      %dma_wait3A_756 = arith.constant 10 : i32
      %dma_wait3A_757 = arith.constant 1 : i32
      %dma_wait3A_758 = arith.constant 800 : i32
      %dma_wait3A_759 = arith.constant 0 : i32
      %dma_wait3A_760 = tpu.memref_slice %arg7[%dma_wait3A_757, %dma_wait3A_758, %dma_wait3A_759] : memref<2x1600x32xf32, #tpu.memory_space<vmem>> -> memref<1x80x32xf32, #tpu.memory_space<vmem>>
      %dma_wait3A_761 = tpu.memref_squeeze %dma_wait3A_760 : memref<1x80x32xf32, #tpu.memory_space<vmem>> -> memref<80x32xf32, #tpu.memory_space<vmem>>
      %dma_wait3A_762 = arith.constant 0 : i32
      %dma_wait3A_763 = tpu.memref_slice %arg6[%dma_wait3A_755, %dma_wait3A_756, %dma_wait3A_762] : memref<2x20x80xi32, #tpu.memory_space<vmem>> -> memref<1x1x80xi32, #tpu.memory_space<vmem>>
      %dma_wait3A_764 = tpu.memref_squeeze %dma_wait3A_763 : memref<1x1x80xi32, #tpu.memory_space<vmem>> -> memref<80xi32, #tpu.memory_space<vmem>>
      %dma_wait3A_765 = arith.constant 0 : i32
      %dma_wait3A_766 = arith.constant 0 : i32
      %dma_wait3A_767 = tpu.memref_slice %arg3[%dma_wait3A_765, %dma_wait3A_766] : memref<1000000x32xf32, #tpu.memory_space<hbm>> -> memref<1000000x32xf32, #tpu.memory_space<hbm>>
      tpu.wait_indirect_dma semaphore(%arg10 : memref<!tpu.dma_semaphore, #tpu.memory_space<semaphore_mem>>) src(%dma_wait3A_767 : memref<1000000x32xf32, #tpu.memory_space<hbm>>) dst(%dma_wait3A_761 : memref<80x32xf32, #tpu.memory_space<vmem>>)
      %dma_wait3A_768 = arith.constant 1 : i32
      %dma_wait3A_769 = arith.constant 11 : i32
      %dma_wait3A_770 = arith.constant 1 : i32
      %dma_wait3A_771 = arith.constant 880 : i32
      %dma_wait3A_772 = arith.constant 0 : i32
      %dma_wait3A_773 = tpu.memref_slice %arg7[%dma_wait3A_770, %dma_wait3A_771, %dma_wait3A_772] : memref<2x1600x32xf32, #tpu.memory_space<vmem>> -> memref<1x80x32xf32, #tpu.memory_space<vmem>>
      %dma_wait3A_774 = tpu.memref_squeeze %dma_wait3A_773 : memref<1x80x32xf32, #tpu.memory_space<vmem>> -> memref<80x32xf32, #tpu.memory_space<vmem>>
      %dma_wait3A_775 = arith.constant 0 : i32
      %dma_wait3A_776 = tpu.memref_slice %arg6[%dma_wait3A_768, %dma_wait3A_769, %dma_wait3A_775] : memref<2x20x80xi32, #tpu.memory_space<vmem>> -> memref<1x1x80xi32, #tpu.memory_space<vmem>>
      %dma_wait3A_777 = tpu.memref_squeeze %dma_wait3A_776 : memref<1x1x80xi32, #tpu.memory_space<vmem>> -> memref<80xi32, #tpu.memory_space<vmem>>
      %dma_wait3A_778 = arith.constant 0 : i32
      %dma_wait3A_779 = arith.constant 0 : i32
      %dma_wait3A_780 = tpu.memref_slice %arg3[%dma_wait3A_778, %dma_wait3A_779] : memref<1000000x32xf32, #tpu.memory_space<hbm>> -> memref<1000000x32xf32, #tpu.memory_space<hbm>>
      tpu.wait_indirect_dma semaphore(%arg10 : memref<!tpu.dma_semaphore, #tpu.memory_space<semaphore_mem>>) src(%dma_wait3A_780 : memref<1000000x32xf32, #tpu.memory_space<hbm>>) dst(%dma_wait3A_774 : memref<80x32xf32, #tpu.memory_space<vmem>>)
      %dma_wait3A_781 = arith.constant 1 : i32
      %dma_wait3A_782 = arith.constant 12 : i32
      %dma_wait3A_783 = arith.constant 1 : i32
      %dma_wait3A_784 = arith.constant 960 : i32
      %dma_wait3A_785 = arith.constant 0 : i32
      %dma_wait3A_786 = tpu.memref_slice %arg7[%dma_wait3A_783, %dma_wait3A_784, %dma_wait3A_785] : memref<2x1600x32xf32, #tpu.memory_space<vmem>> -> memref<1x80x32xf32, #tpu.memory_space<vmem>>
      %dma_wait3A_787 = tpu.memref_squeeze %dma_wait3A_786 : memref<1x80x32xf32, #tpu.memory_space<vmem>> -> memref<80x32xf32, #tpu.memory_space<vmem>>
      %dma_wait3A_788 = arith.constant 0 : i32
      %dma_wait3A_789 = tpu.memref_slice %arg6[%dma_wait3A_781, %dma_wait3A_782, %dma_wait3A_788] : memref<2x20x80xi32, #tpu.memory_space<vmem>> -> memref<1x1x80xi32, #tpu.memory_space<vmem>>
      %dma_wait3A_790 = tpu.memref_squeeze %dma_wait3A_789 : memref<1x1x80xi32, #tpu.memory_space<vmem>> -> memref<80xi32, #tpu.memory_space<vmem>>
      %dma_wait3A_791 = arith.constant 0 : i32
      %dma_wait3A_792 = arith.constant 0 : i32
      %dma_wait3A_793 = tpu.memref_slice %arg3[%dma_wait3A_791, %dma_wait3A_792] : memref<1000000x32xf32, #tpu.memory_space<hbm>> -> memref<1000000x32xf32, #tpu.memory_space<hbm>>
      tpu.wait_indirect_dma semaphore(%arg10 : memref<!tpu.dma_semaphore, #tpu.memory_space<semaphore_mem>>) src(%dma_wait3A_793 : memref<1000000x32xf32, #tpu.memory_space<hbm>>) dst(%dma_wait3A_787 : memref<80x32xf32, #tpu.memory_space<vmem>>)
      %dma_wait3A_794 = arith.constant 1 : i32
      %dma_wait3A_795 = arith.constant 13 : i32
      %dma_wait3A_796 = arith.constant 1 : i32
      %dma_wait3A_797 = arith.constant 1040 : i32
      %dma_wait3A_798 = arith.constant 0 : i32
      %dma_wait3A_799 = tpu.memref_slice %arg7[%dma_wait3A_796, %dma_wait3A_797, %dma_wait3A_798] : memref<2x1600x32xf32, #tpu.memory_space<vmem>> -> memref<1x80x32xf32, #tpu.memory_space<vmem>>
      %dma_wait3A_800 = tpu.memref_squeeze %dma_wait3A_799 : memref<1x80x32xf32, #tpu.memory_space<vmem>> -> memref<80x32xf32, #tpu.memory_space<vmem>>
      %dma_wait3A_801 = arith.constant 0 : i32
      %dma_wait3A_802 = tpu.memref_slice %arg6[%dma_wait3A_794, %dma_wait3A_795, %dma_wait3A_801] : memref<2x20x80xi32, #tpu.memory_space<vmem>> -> memref<1x1x80xi32, #tpu.memory_space<vmem>>
      %dma_wait3A_803 = tpu.memref_squeeze %dma_wait3A_802 : memref<1x1x80xi32, #tpu.memory_space<vmem>> -> memref<80xi32, #tpu.memory_space<vmem>>
      %dma_wait3A_804 = arith.constant 0 : i32
      %dma_wait3A_805 = arith.constant 0 : i32
      %dma_wait3A_806 = tpu.memref_slice %arg3[%dma_wait3A_804, %dma_wait3A_805] : memref<1000000x32xf32, #tpu.memory_space<hbm>> -> memref<1000000x32xf32, #tpu.memory_space<hbm>>
      tpu.wait_indirect_dma semaphore(%arg10 : memref<!tpu.dma_semaphore, #tpu.memory_space<semaphore_mem>>) src(%dma_wait3A_806 : memref<1000000x32xf32, #tpu.memory_space<hbm>>) dst(%dma_wait3A_800 : memref<80x32xf32, #tpu.memory_space<vmem>>)
      %dma_wait3A_807 = arith.constant 1 : i32
      %dma_wait3A_808 = arith.constant 14 : i32
      %dma_wait3A_809 = arith.constant 1 : i32
      %dma_wait3A_810 = arith.constant 1120 : i32
      %dma_wait3A_811 = arith.constant 0 : i32
      %dma_wait3A_812 = tpu.memref_slice %arg7[%dma_wait3A_809, %dma_wait3A_810, %dma_wait3A_811] : memref<2x1600x32xf32, #tpu.memory_space<vmem>> -> memref<1x80x32xf32, #tpu.memory_space<vmem>>
      %dma_wait3A_813 = tpu.memref_squeeze %dma_wait3A_812 : memref<1x80x32xf32, #tpu.memory_space<vmem>> -> memref<80x32xf32, #tpu.memory_space<vmem>>
      %dma_wait3A_814 = arith.constant 0 : i32
      %dma_wait3A_815 = tpu.memref_slice %arg6[%dma_wait3A_807, %dma_wait3A_808, %dma_wait3A_814] : memref<2x20x80xi32, #tpu.memory_space<vmem>> -> memref<1x1x80xi32, #tpu.memory_space<vmem>>
      %dma_wait3A_816 = tpu.memref_squeeze %dma_wait3A_815 : memref<1x1x80xi32, #tpu.memory_space<vmem>> -> memref<80xi32, #tpu.memory_space<vmem>>
      %dma_wait3A_817 = arith.constant 0 : i32
      %dma_wait3A_818 = arith.constant 0 : i32
      %dma_wait3A_819 = tpu.memref_slice %arg3[%dma_wait3A_817, %dma_wait3A_818] : memref<1000000x32xf32, #tpu.memory_space<hbm>> -> memref<1000000x32xf32, #tpu.memory_space<hbm>>
      tpu.wait_indirect_dma semaphore(%arg10 : memref<!tpu.dma_semaphore, #tpu.memory_space<semaphore_mem>>) src(%dma_wait3A_819 : memref<1000000x32xf32, #tpu.memory_space<hbm>>) dst(%dma_wait3A_813 : memref<80x32xf32, #tpu.memory_space<vmem>>)
      %dma_wait3A_820 = arith.constant 1 : i32
      %dma_wait3A_821 = arith.constant 15 : i32
      %dma_wait3A_822 = arith.constant 1 : i32
      %dma_wait3A_823 = arith.constant 1200 : i32
      %dma_wait3A_824 = arith.constant 0 : i32
      %dma_wait3A_825 = tpu.memref_slice %arg7[%dma_wait3A_822, %dma_wait3A_823, %dma_wait3A_824] : memref<2x1600x32xf32, #tpu.memory_space<vmem>> -> memref<1x80x32xf32, #tpu.memory_space<vmem>>
      %dma_wait3A_826 = tpu.memref_squeeze %dma_wait3A_825 : memref<1x80x32xf32, #tpu.memory_space<vmem>> -> memref<80x32xf32, #tpu.memory_space<vmem>>
      %dma_wait3A_827 = arith.constant 0 : i32
      %dma_wait3A_828 = tpu.memref_slice %arg6[%dma_wait3A_820, %dma_wait3A_821, %dma_wait3A_827] : memref<2x20x80xi32, #tpu.memory_space<vmem>> -> memref<1x1x80xi32, #tpu.memory_space<vmem>>
      %dma_wait3A_829 = tpu.memref_squeeze %dma_wait3A_828 : memref<1x1x80xi32, #tpu.memory_space<vmem>> -> memref<80xi32, #tpu.memory_space<vmem>>
      %dma_wait3A_830 = arith.constant 0 : i32
      %dma_wait3A_831 = arith.constant 0 : i32
      %dma_wait3A_832 = tpu.memref_slice %arg3[%dma_wait3A_830, %dma_wait3A_831] : memref<1000000x32xf32, #tpu.memory_space<hbm>> -> memref<1000000x32xf32, #tpu.memory_space<hbm>>
      tpu.wait_indirect_dma semaphore(%arg10 : memref<!tpu.dma_semaphore, #tpu.memory_space<semaphore_mem>>) src(%dma_wait3A_832 : memref<1000000x32xf32, #tpu.memory_space<hbm>>) dst(%dma_wait3A_826 : memref<80x32xf32, #tpu.memory_space<vmem>>)
      %dma_wait3A_833 = arith.constant 1 : i32
      %dma_wait3A_834 = arith.constant 16 : i32
      %dma_wait3A_835 = arith.constant 1 : i32
      %dma_wait3A_836 = arith.constant 1280 : i32
      %dma_wait3A_837 = arith.constant 0 : i32
      %dma_wait3A_838 = tpu.memref_slice %arg7[%dma_wait3A_835, %dma_wait3A_836, %dma_wait3A_837] : memref<2x1600x32xf32, #tpu.memory_space<vmem>> -> memref<1x80x32xf32, #tpu.memory_space<vmem>>
      %dma_wait3A_839 = tpu.memref_squeeze %dma_wait3A_838 : memref<1x80x32xf32, #tpu.memory_space<vmem>> -> memref<80x32xf32, #tpu.memory_space<vmem>>
      %dma_wait3A_840 = arith.constant 0 : i32
      %dma_wait3A_841 = tpu.memref_slice %arg6[%dma_wait3A_833, %dma_wait3A_834, %dma_wait3A_840] : memref<2x20x80xi32, #tpu.memory_space<vmem>> -> memref<1x1x80xi32, #tpu.memory_space<vmem>>
      %dma_wait3A_842 = tpu.memref_squeeze %dma_wait3A_841 : memref<1x1x80xi32, #tpu.memory_space<vmem>> -> memref<80xi32, #tpu.memory_space<vmem>>
      %dma_wait3A_843 = arith.constant 0 : i32
      %dma_wait3A_844 = arith.constant 0 : i32
      %dma_wait3A_845 = tpu.memref_slice %arg3[%dma_wait3A_843, %dma_wait3A_844] : memref<1000000x32xf32, #tpu.memory_space<hbm>> -> memref<1000000x32xf32, #tpu.memory_space<hbm>>
      tpu.wait_indirect_dma semaphore(%arg10 : memref<!tpu.dma_semaphore, #tpu.memory_space<semaphore_mem>>) src(%dma_wait3A_845 : memref<1000000x32xf32, #tpu.memory_space<hbm>>) dst(%dma_wait3A_839 : memref<80x32xf32, #tpu.memory_space<vmem>>)
      %dma_wait3A_846 = arith.constant 1 : i32
      %dma_wait3A_847 = arith.constant 17 : i32
      %dma_wait3A_848 = arith.constant 1 : i32
      %dma_wait3A_849 = arith.constant 1360 : i32
      %dma_wait3A_850 = arith.constant 0 : i32
      %dma_wait3A_851 = tpu.memref_slice %arg7[%dma_wait3A_848, %dma_wait3A_849, %dma_wait3A_850] : memref<2x1600x32xf32, #tpu.memory_space<vmem>> -> memref<1x80x32xf32, #tpu.memory_space<vmem>>
      %dma_wait3A_852 = tpu.memref_squeeze %dma_wait3A_851 : memref<1x80x32xf32, #tpu.memory_space<vmem>> -> memref<80x32xf32, #tpu.memory_space<vmem>>
      %dma_wait3A_853 = arith.constant 0 : i32
      %dma_wait3A_854 = tpu.memref_slice %arg6[%dma_wait3A_846, %dma_wait3A_847, %dma_wait3A_853] : memref<2x20x80xi32, #tpu.memory_space<vmem>> -> memref<1x1x80xi32, #tpu.memory_space<vmem>>
      %dma_wait3A_855 = tpu.memref_squeeze %dma_wait3A_854 : memref<1x1x80xi32, #tpu.memory_space<vmem>> -> memref<80xi32, #tpu.memory_space<vmem>>
      %dma_wait3A_856 = arith.constant 0 : i32
      %dma_wait3A_857 = arith.constant 0 : i32
      %dma_wait3A_858 = tpu.memref_slice %arg3[%dma_wait3A_856, %dma_wait3A_857] : memref<1000000x32xf32, #tpu.memory_space<hbm>> -> memref<1000000x32xf32, #tpu.memory_space<hbm>>
      tpu.wait_indirect_dma semaphore(%arg10 : memref<!tpu.dma_semaphore, #tpu.memory_space<semaphore_mem>>) src(%dma_wait3A_858 : memref<1000000x32xf32, #tpu.memory_space<hbm>>) dst(%dma_wait3A_852 : memref<80x32xf32, #tpu.memory_space<vmem>>)
      %dma_wait3A_859 = arith.constant 1 : i32
      %dma_wait3A_860 = arith.constant 18 : i32
      %dma_wait3A_861 = arith.constant 1 : i32
      %dma_wait3A_862 = arith.constant 1440 : i32
      %dma_wait3A_863 = arith.constant 0 : i32
      %dma_wait3A_864 = tpu.memref_slice %arg7[%dma_wait3A_861, %dma_wait3A_862, %dma_wait3A_863] : memref<2x1600x32xf32, #tpu.memory_space<vmem>> -> memref<1x80x32xf32, #tpu.memory_space<vmem>>
      %dma_wait3A_865 = tpu.memref_squeeze %dma_wait3A_864 : memref<1x80x32xf32, #tpu.memory_space<vmem>> -> memref<80x32xf32, #tpu.memory_space<vmem>>
      %dma_wait3A_866 = arith.constant 0 : i32
      %dma_wait3A_867 = tpu.memref_slice %arg6[%dma_wait3A_859, %dma_wait3A_860, %dma_wait3A_866] : memref<2x20x80xi32, #tpu.memory_space<vmem>> -> memref<1x1x80xi32, #tpu.memory_space<vmem>>
      %dma_wait3A_868 = tpu.memref_squeeze %dma_wait3A_867 : memref<1x1x80xi32, #tpu.memory_space<vmem>> -> memref<80xi32, #tpu.memory_space<vmem>>
      %dma_wait3A_869 = arith.constant 0 : i32
      %dma_wait3A_870 = arith.constant 0 : i32
      %dma_wait3A_871 = tpu.memref_slice %arg3[%dma_wait3A_869, %dma_wait3A_870] : memref<1000000x32xf32, #tpu.memory_space<hbm>> -> memref<1000000x32xf32, #tpu.memory_space<hbm>>
      tpu.wait_indirect_dma semaphore(%arg10 : memref<!tpu.dma_semaphore, #tpu.memory_space<semaphore_mem>>) src(%dma_wait3A_871 : memref<1000000x32xf32, #tpu.memory_space<hbm>>) dst(%dma_wait3A_865 : memref<80x32xf32, #tpu.memory_space<vmem>>)
      %dma_wait3A_872 = arith.constant 1 : i32
      %dma_wait3A_873 = arith.constant 19 : i32
      %dma_wait3A_874 = arith.constant 1 : i32
      %dma_wait3A_875 = arith.constant 1520 : i32
      %dma_wait3A_876 = arith.constant 0 : i32
      %dma_wait3A_877 = tpu.memref_slice %arg7[%dma_wait3A_874, %dma_wait3A_875, %dma_wait3A_876] : memref<2x1600x32xf32, #tpu.memory_space<vmem>> -> memref<1x80x32xf32, #tpu.memory_space<vmem>>
      %dma_wait3A_878 = tpu.memref_squeeze %dma_wait3A_877 : memref<1x80x32xf32, #tpu.memory_space<vmem>> -> memref<80x32xf32, #tpu.memory_space<vmem>>
      %dma_wait3A_879 = arith.constant 0 : i32
      %dma_wait3A_880 = tpu.memref_slice %arg6[%dma_wait3A_872, %dma_wait3A_873, %dma_wait3A_879] : memref<2x20x80xi32, #tpu.memory_space<vmem>> -> memref<1x1x80xi32, #tpu.memory_space<vmem>>
      %dma_wait3A_881 = tpu.memref_squeeze %dma_wait3A_880 : memref<1x1x80xi32, #tpu.memory_space<vmem>> -> memref<80xi32, #tpu.memory_space<vmem>>
      %dma_wait3A_882 = arith.constant 0 : i32
      %dma_wait3A_883 = arith.constant 0 : i32
      %dma_wait3A_884 = tpu.memref_slice %arg3[%dma_wait3A_882, %dma_wait3A_883] : memref<1000000x32xf32, #tpu.memory_space<hbm>> -> memref<1000000x32xf32, #tpu.memory_space<hbm>>
      tpu.wait_indirect_dma semaphore(%arg10 : memref<!tpu.dma_semaphore, #tpu.memory_space<semaphore_mem>>) src(%dma_wait3A_884 : memref<1000000x32xf32, #tpu.memory_space<hbm>>) dst(%dma_wait3A_878 : memref<80x32xf32, #tpu.memory_space<vmem>>)
      %mul3A_885 = arith.constant 1600 : i32
      %mul3A_886 = arith.muli %add3A_614, %mul3A_885 : i32
      %rem3A_887 = arith.constant 200 : i32
      %rem3A_888 = arith.remsi %mul3A_886, %rem3A_887 : i32
      %scan3A_889 = arith.constant 0 : i32
      %scan3A_890 = arith.constant 1600 : i32
      %scan3A_891 = arith.addi %scan3A_889, %scan3A_890 : i32
      %scan3A_892 = arith.constant 8 : i32
      %scan3A_893 = scf.for %scan3A_913 = %scan3A_889 to %scan3A_891 step %scan3A_892 iter_args(%scan3A_914 = %rem3A_888) -> (i32)  : i32 {
        %ge3A = arith.constant 200 : i32
        %ge3A_915 = arith.cmpi sge, %scan3A_914, %ge3A : i32
        %sub3A_916 = arith.constant 200 : i32
        %sub3A_917 = arith.subi %scan3A_914, %sub3A_916 : i32
        %select_n3A = arith.select %ge3A_915, %sub3A_917, %scan3A_914 : i32
        %get3A = arith.index_cast %select_n3A : i32 to index
        %get3A_918 = arith.constant 0 : index
        %get3A_919 = tpu.vector_load %arg8[%get3A, %get3A_918] {strides = array<i32>} : memref<200x32xf32, #tpu.memory_space<vmem>>, vector<1x16xf32>,
        %get3A_920 = vector.shape_cast %get3A_919 : vector<1x16xf32> to vector<16xf32>
        %swap3A = arith.constant 1 : i32
        %swap3A_921 = arith.index_cast %swap3A : i32 to index
        %swap3A_922 = arith.index_cast %scan3A_913 : i32 to index
        %swap3A_923 = arith.constant 0 : index
        %swap3A_924 = tpu.vector_load %arg7[%swap3A_921, %swap3A_922, %swap3A_923] {strides = array<i32>} : memref<2x1600x32xf32, #tpu.memory_space<vmem>>, vector<1x1x16xf32>,
        %swap3A_925 = vector.shape_cast %swap3A_924 : vector<1x1x16xf32> to vector<16xf32>
        %swap3A_926 = vector.shape_cast %get3A_920 : vector<16xf32> to vector<1x1x16xf32>
        tpu.vector_store %arg7[%swap3A_921, %swap3A_922, %swap3A_923], %swap3A_926 {add = true, strides = array<i32>} : memref<2x1600x32xf32, #tpu.memory_space<vmem>>, vector<1x1x16xf32>,
        %get3A_927 = arith.index_cast %select_n3A : i32 to index
        %get3A_928 = arith.constant 16 : index
        %get3A_929 = tpu.vector_load %arg8[%get3A_927, %get3A_928] {strides = array<i32>} : memref<200x32xf32, #tpu.memory_space<vmem>>, vector<1x16xf32>,
        %get3A_930 = vector.shape_cast %get3A_929 : vector<1x16xf32> to vector<16xf32>
        %swap3A_931 = arith.constant 1 : i32
        %swap3A_932 = arith.index_cast %swap3A_931 : i32 to index
        %swap3A_933 = arith.index_cast %scan3A_913 : i32 to index
        %swap3A_934 = arith.constant 16 : index
        %swap3A_935 = tpu.vector_load %arg7[%swap3A_932, %swap3A_933, %swap3A_934] {strides = array<i32>} : memref<2x1600x32xf32, #tpu.memory_space<vmem>>, vector<1x1x16xf32>,
        %swap3A_936 = vector.shape_cast %swap3A_935 : vector<1x1x16xf32> to vector<16xf32>
        %swap3A_937 = vector.shape_cast %get3A_930 : vector<16xf32> to vector<1x1x16xf32>
        tpu.vector_store %arg7[%swap3A_932, %swap3A_933, %swap3A_934], %swap3A_937 {add = true, strides = array<i32>} : memref<2x1600x32xf32, #tpu.memory_space<vmem>>, vector<1x1x16xf32>,
        %add3A_938 = arith.constant 1 : i32
        %add3A_939 = arith.addi %select_n3A, %add3A_938 : i32
        %scan3A_940 = arith.constant 1 : i32
        %scan3A_941 = arith.addi %scan3A_913, %scan3A_940 : i32
        %ge3A_942 = arith.constant 200 : i32
        %ge3A_943 = arith.cmpi sge, %add3A_939, %ge3A_942 : i32
        %sub3A_944 = arith.constant 200 : i32
        %sub3A_945 = arith.subi %add3A_939, %sub3A_944 : i32
        %select_n3A_946 = arith.select %ge3A_943, %sub3A_945, %add3A_939 : i32
        %get3A_947 = arith.index_cast %select_n3A_946 : i32 to index
        %get3A_948 = arith.constant 0 : index
        %get3A_949 = tpu.vector_load %arg8[%get3A_947, %get3A_948] {strides = array<i32>} : memref<200x32xf32, #tpu.memory_space<vmem>>, vector<1x16xf32>,
        %get3A_950 = vector.shape_cast %get3A_949 : vector<1x16xf32> to vector<16xf32>
        %swap3A_951 = arith.constant 1 : i32
        %swap3A_952 = arith.index_cast %swap3A_951 : i32 to index
        %swap3A_953 = arith.index_cast %scan3A_941 : i32 to index
        %swap3A_954 = arith.constant 0 : index
        %swap3A_955 = tpu.vector_load %arg7[%swap3A_952, %swap3A_953, %swap3A_954] {strides = array<i32>} : memref<2x1600x32xf32, #tpu.memory_space<vmem>>, vector<1x1x16xf32>,
        %swap3A_956 = vector.shape_cast %swap3A_955 : vector<1x1x16xf32> to vector<16xf32>
        %swap3A_957 = vector.shape_cast %get3A_950 : vector<16xf32> to vector<1x1x16xf32>
        tpu.vector_store %arg7[%swap3A_952, %swap3A_953, %swap3A_954], %swap3A_957 {add = true, strides = array<i32>} : memref<2x1600x32xf32, #tpu.memory_space<vmem>>, vector<1x1x16xf32>,
        %get3A_958 = arith.index_cast %select_n3A_946 : i32 to index
        %get3A_959 = arith.constant 16 : index
        %get3A_960 = tpu.vector_load %arg8[%get3A_958, %get3A_959] {strides = array<i32>} : memref<200x32xf32, #tpu.memory_space<vmem>>, vector<1x16xf32>,
        %get3A_961 = vector.shape_cast %get3A_960 : vector<1x16xf32> to vector<16xf32>
        %swap3A_962 = arith.constant 1 : i32
        %swap3A_963 = arith.index_cast %swap3A_962 : i32 to index
        %swap3A_964 = arith.index_cast %scan3A_941 : i32 to index
        %swap3A_965 = arith.constant 16 : index
        %swap3A_966 = tpu.vector_load %arg7[%swap3A_963, %swap3A_964, %swap3A_965] {strides = array<i32>} : memref<2x1600x32xf32, #tpu.memory_space<vmem>>, vector<1x1x16xf32>,
        %swap3A_967 = vector.shape_cast %swap3A_966 : vector<1x1x16xf32> to vector<16xf32>
        %swap3A_968 = vector.shape_cast %get3A_961 : vector<16xf32> to vector<1x1x16xf32>
        tpu.vector_store %arg7[%swap3A_963, %swap3A_964, %swap3A_965], %swap3A_968 {add = true, strides = array<i32>} : memref<2x1600x32xf32, #tpu.memory_space<vmem>>, vector<1x1x16xf32>,
        %add3A_969 = arith.constant 1 : i32
        %add3A_970 = arith.addi %select_n3A_946, %add3A_969 : i32
        %scan3A_971 = arith.constant 2 : i32
        %scan3A_972 = arith.addi %scan3A_913, %scan3A_971 : i32
        %ge3A_973 = arith.constant 200 : i32
        %ge3A_974 = arith.cmpi sge, %add3A_970, %ge3A_973 : i32
        %sub3A_975 = arith.constant 200 : i32
        %sub3A_976 = arith.subi %add3A_970, %sub3A_975 : i32
        %select_n3A_977 = arith.select %ge3A_974, %sub3A_976, %add3A_970 : i32
        %get3A_978 = arith.index_cast %select_n3A_977 : i32 to index
        %get3A_979 = arith.constant 0 : index
        %get3A_980 = tpu.vector_load %arg8[%get3A_978, %get3A_979] {strides = array<i32>} : memref<200x32xf32, #tpu.memory_space<vmem>>, vector<1x16xf32>,
        %get3A_981 = vector.shape_cast %get3A_980 : vector<1x16xf32> to vector<16xf32>
        %swap3A_982 = arith.constant 1 : i32
        %swap3A_983 = arith.index_cast %swap3A_982 : i32 to index
        %swap3A_984 = arith.index_cast %scan3A_972 : i32 to index
        %swap3A_985 = arith.constant 0 : index
        %swap3A_986 = tpu.vector_load %arg7[%swap3A_983, %swap3A_984, %swap3A_985] {strides = array<i32>} : memref<2x1600x32xf32, #tpu.memory_space<vmem>>, vector<1x1x16xf32>,
        %swap3A_987 = vector.shape_cast %swap3A_986 : vector<1x1x16xf32> to vector<16xf32>
        %swap3A_988 = vector.shape_cast %get3A_981 : vector<16xf32> to vector<1x1x16xf32>
        tpu.vector_store %arg7[%swap3A_983, %swap3A_984, %swap3A_985], %swap3A_988 {add = true, strides = array<i32>} : memref<2x1600x32xf32, #tpu.memory_space<vmem>>, vector<1x1x16xf32>,
        %get3A_989 = arith.index_cast %select_n3A_977 : i32 to index
        %get3A_990 = arith.constant 16 : index
        %get3A_991 = tpu.vector_load %arg8[%get3A_989, %get3A_990] {strides = array<i32>} : memref<200x32xf32, #tpu.memory_space<vmem>>, vector<1x16xf32>,
        %get3A_992 = vector.shape_cast %get3A_991 : vector<1x16xf32> to vector<16xf32>
        %swap3A_993 = arith.constant 1 : i32
        %swap3A_994 = arith.index_cast %swap3A_993 : i32 to index
        %swap3A_995 = arith.index_cast %scan3A_972 : i32 to index
        %swap3A_996 = arith.constant 16 : index
        %swap3A_997 = tpu.vector_load %arg7[%swap3A_994, %swap3A_995, %swap3A_996] {strides = array<i32>} : memref<2x1600x32xf32, #tpu.memory_space<vmem>>, vector<1x1x16xf32>,
        %swap3A_998 = vector.shape_cast %swap3A_997 : vector<1x1x16xf32> to vector<16xf32>
        %swap3A_999 = vector.shape_cast %get3A_992 : vector<16xf32> to vector<1x1x16xf32>
        tpu.vector_store %arg7[%swap3A_994, %swap3A_995, %swap3A_996], %swap3A_999 {add = true, strides = array<i32>} : memref<2x1600x32xf32, #tpu.memory_space<vmem>>, vector<1x1x16xf32>,
        %add3A_1000 = arith.constant 1 : i32
        %add3A_1001 = arith.addi %select_n3A_977, %add3A_1000 : i32
        %scan3A_1002 = arith.constant 3 : i32
        %scan3A_1003 = arith.addi %scan3A_913, %scan3A_1002 : i32
        %ge3A_1004 = arith.constant 200 : i32
        %ge3A_1005 = arith.cmpi sge, %add3A_1001, %ge3A_1004 : i32
        %sub3A_1006 = arith.constant 200 : i32
        %sub3A_1007 = arith.subi %add3A_1001, %sub3A_1006 : i32
        %select_n3A_1008 = arith.select %ge3A_1005, %sub3A_1007, %add3A_1001 : i32
        %get3A_1009 = arith.index_cast %select_n3A_1008 : i32 to index
        %get3A_1010 = arith.constant 0 : index
        %get3A_1011 = tpu.vector_load %arg8[%get3A_1009, %get3A_1010] {strides = array<i32>} : memref<200x32xf32, #tpu.memory_space<vmem>>, vector<1x16xf32>,
        %get3A_1012 = vector.shape_cast %get3A_1011 : vector<1x16xf32> to vector<16xf32>
        %swap3A_1013 = arith.constant 1 : i32
        %swap3A_1014 = arith.index_cast %swap3A_1013 : i32 to index
        %swap3A_1015 = arith.index_cast %scan3A_1003 : i32 to index
        %swap3A_1016 = arith.constant 0 : index
        %swap3A_1017 = tpu.vector_load %arg7[%swap3A_1014, %swap3A_1015, %swap3A_1016] {strides = array<i32>} : memref<2x1600x32xf32, #tpu.memory_space<vmem>>, vector<1x1x16xf32>,
        %swap3A_1018 = vector.shape_cast %swap3A_1017 : vector<1x1x16xf32> to vector<16xf32>
        %swap3A_1019 = vector.shape_cast %get3A_1012 : vector<16xf32> to vector<1x1x16xf32>
        tpu.vector_store %arg7[%swap3A_1014, %swap3A_1015, %swap3A_1016], %swap3A_1019 {add = true, strides = array<i32>} : memref<2x1600x32xf32, #tpu.memory_space<vmem>>, vector<1x1x16xf32>,
        %get3A_1020 = arith.index_cast %select_n3A_1008 : i32 to index
        %get3A_1021 = arith.constant 16 : index
        %get3A_1022 = tpu.vector_load %arg8[%get3A_1020, %get3A_1021] {strides = array<i32>} : memref<200x32xf32, #tpu.memory_space<vmem>>, vector<1x16xf32>,
        %get3A_1023 = vector.shape_cast %get3A_1022 : vector<1x16xf32> to vector<16xf32>
        %swap3A_1024 = arith.constant 1 : i32
        %swap3A_1025 = arith.index_cast %swap3A_1024 : i32 to index
        %swap3A_1026 = arith.index_cast %scan3A_1003 : i32 to index
        %swap3A_1027 = arith.constant 16 : index
        %swap3A_1028 = tpu.vector_load %arg7[%swap3A_1025, %swap3A_1026, %swap3A_1027] {strides = array<i32>} : memref<2x1600x32xf32, #tpu.memory_space<vmem>>, vector<1x1x16xf32>,
        %swap3A_1029 = vector.shape_cast %swap3A_1028 : vector<1x1x16xf32> to vector<16xf32>
        %swap3A_1030 = vector.shape_cast %get3A_1023 : vector<16xf32> to vector<1x1x16xf32>
        tpu.vector_store %arg7[%swap3A_1025, %swap3A_1026, %swap3A_1027], %swap3A_1030 {add = true, strides = array<i32>} : memref<2x1600x32xf32, #tpu.memory_space<vmem>>, vector<1x1x16xf32>,
        %add3A_1031 = arith.constant 1 : i32
        %add3A_1032 = arith.addi %select_n3A_1008, %add3A_1031 : i32
        %scan3A_1033 = arith.constant 4 : i32
        %scan3A_1034 = arith.addi %scan3A_913, %scan3A_1033 : i32
        %ge3A_1035 = arith.constant 200 : i32
        %ge3A_1036 = arith.cmpi sge, %add3A_1032, %ge3A_1035 : i32
        %sub3A_1037 = arith.constant 200 : i32
        %sub3A_1038 = arith.subi %add3A_1032, %sub3A_1037 : i32
        %select_n3A_1039 = arith.select %ge3A_1036, %sub3A_1038, %add3A_1032 : i32
        %get3A_1040 = arith.index_cast %select_n3A_1039 : i32 to index
        %get3A_1041 = arith.constant 0 : index
        %get3A_1042 = tpu.vector_load %arg8[%get3A_1040, %get3A_1041] {strides = array<i32>} : memref<200x32xf32, #tpu.memory_space<vmem>>, vector<1x16xf32>,
        %get3A_1043 = vector.shape_cast %get3A_1042 : vector<1x16xf32> to vector<16xf32>
        %swap3A_1044 = arith.constant 1 : i32
        %swap3A_1045 = arith.index_cast %swap3A_1044 : i32 to index
        %swap3A_1046 = arith.index_cast %scan3A_1034 : i32 to index
        %swap3A_1047 = arith.constant 0 : index
        %swap3A_1048 = tpu.vector_load %arg7[%swap3A_1045, %swap3A_1046, %swap3A_1047] {strides = array<i32>} : memref<2x1600x32xf32, #tpu.memory_space<vmem>>, vector<1x1x16xf32>,
        %swap3A_1049 = vector.shape_cast %swap3A_1048 : vector<1x1x16xf32> to vector<16xf32>
        %swap3A_1050 = vector.shape_cast %get3A_1043 : vector<16xf32> to vector<1x1x16xf32>
        tpu.vector_store %arg7[%swap3A_1045, %swap3A_1046, %swap3A_1047], %swap3A_1050 {add = true, strides = array<i32>} : memref<2x1600x32xf32, #tpu.memory_space<vmem>>, vector<1x1x16xf32>,
        %get3A_1051 = arith.index_cast %select_n3A_1039 : i32 to index
        %get3A_1052 = arith.constant 16 : index
        %get3A_1053 = tpu.vector_load %arg8[%get3A_1051, %get3A_1052] {strides = array<i32>} : memref<200x32xf32, #tpu.memory_space<vmem>>, vector<1x16xf32>,
        %get3A_1054 = vector.shape_cast %get3A_1053 : vector<1x16xf32> to vector<16xf32>
        %swap3A_1055 = arith.constant 1 : i32
        %swap3A_1056 = arith.index_cast %swap3A_1055 : i32 to index
        %swap3A_1057 = arith.index_cast %scan3A_1034 : i32 to index
        %swap3A_1058 = arith.constant 16 : index
        %swap3A_1059 = tpu.vector_load %arg7[%swap3A_1056, %swap3A_1057, %swap3A_1058] {strides = array<i32>} : memref<2x1600x32xf32, #tpu.memory_space<vmem>>, vector<1x1x16xf32>,
        %swap3A_1060 = vector.shape_cast %swap3A_1059 : vector<1x1x16xf32> to vector<16xf32>
        %swap3A_1061 = vector.shape_cast %get3A_1054 : vector<16xf32> to vector<1x1x16xf32>
        tpu.vector_store %arg7[%swap3A_1056, %swap3A_1057, %swap3A_1058], %swap3A_1061 {add = true, strides = array<i32>} : memref<2x1600x32xf32, #tpu.memory_space<vmem>>, vector<1x1x16xf32>,
        %add3A_1062 = arith.constant 1 : i32
        %add3A_1063 = arith.addi %select_n3A_1039, %add3A_1062 : i32
        %scan3A_1064 = arith.constant 5 : i32
        %scan3A_1065 = arith.addi %scan3A_913, %scan3A_1064 : i32
        %ge3A_1066 = arith.constant 200 : i32
        %ge3A_1067 = arith.cmpi sge, %add3A_1063, %ge3A_1066 : i32
        %sub3A_1068 = arith.constant 200 : i32
        %sub3A_1069 = arith.subi %add3A_1063, %sub3A_1068 : i32
        %select_n3A_1070 = arith.select %ge3A_1067, %sub3A_1069, %add3A_1063 : i32
        %get3A_1071 = arith.index_cast %select_n3A_1070 : i32 to index
        %get3A_1072 = arith.constant 0 : index
        %get3A_1073 = tpu.vector_load %arg8[%get3A_1071, %get3A_1072] {strides = array<i32>} : memref<200x32xf32, #tpu.memory_space<vmem>>, vector<1x16xf32>,
        %get3A_1074 = vector.shape_cast %get3A_1073 : vector<1x16xf32> to vector<16xf32>
        %swap3A_1075 = arith.constant 1 : i32
        %swap3A_1076 = arith.index_cast %swap3A_1075 : i32 to index
        %swap3A_1077 = arith.index_cast %scan3A_1065 : i32 to index
        %swap3A_1078 = arith.constant 0 : index
        %swap3A_1079 = tpu.vector_load %arg7[%swap3A_1076, %swap3A_1077, %swap3A_1078] {strides = array<i32>} : memref<2x1600x32xf32, #tpu.memory_space<vmem>>, vector<1x1x16xf32>,
        %swap3A_1080 = vector.shape_cast %swap3A_1079 : vector<1x1x16xf32> to vector<16xf32>
        %swap3A_1081 = vector.shape_cast %get3A_1074 : vector<16xf32> to vector<1x1x16xf32>
        tpu.vector_store %arg7[%swap3A_1076, %swap3A_1077, %swap3A_1078], %swap3A_1081 {add = true, strides = array<i32>} : memref<2x1600x32xf32, #tpu.memory_space<vmem>>, vector<1x1x16xf32>,
        %get3A_1082 = arith.index_cast %select_n3A_1070 : i32 to index
        %get3A_1083 = arith.constant 16 : index
        %get3A_1084 = tpu.vector_load %arg8[%get3A_1082, %get3A_1083] {strides = array<i32>} : memref<200x32xf32, #tpu.memory_space<vmem>>, vector<1x16xf32>,
        %get3A_1085 = vector.shape_cast %get3A_1084 : vector<1x16xf32> to vector<16xf32>
        %swap3A_1086 = arith.constant 1 : i32
        %swap3A_1087 = arith.index_cast %swap3A_1086 : i32 to index
        %swap3A_1088 = arith.index_cast %scan3A_1065 : i32 to index
        %swap3A_1089 = arith.constant 16 : index
        %swap3A_1090 = tpu.vector_load %arg7[%swap3A_1087, %swap3A_1088, %swap3A_1089] {strides = array<i32>} : memref<2x1600x32xf32, #tpu.memory_space<vmem>>, vector<1x1x16xf32>,
        %swap3A_1091 = vector.shape_cast %swap3A_1090 : vector<1x1x16xf32> to vector<16xf32>
        %swap3A_1092 = vector.shape_cast %get3A_1085 : vector<16xf32> to vector<1x1x16xf32>
        tpu.vector_store %arg7[%swap3A_1087, %swap3A_1088, %swap3A_1089], %swap3A_1092 {add = true, strides = array<i32>} : memref<2x1600x32xf32, #tpu.memory_space<vmem>>, vector<1x1x16xf32>,
        %add3A_1093 = arith.constant 1 : i32
        %add3A_1094 = arith.addi %select_n3A_1070, %add3A_1093 : i32
        %scan3A_1095 = arith.constant 6 : i32
        %scan3A_1096 = arith.addi %scan3A_913, %scan3A_1095 : i32
        %ge3A_1097 = arith.constant 200 : i32
        %ge3A_1098 = arith.cmpi sge, %add3A_1094, %ge3A_1097 : i32
        %sub3A_1099 = arith.constant 200 : i32
        %sub3A_1100 = arith.subi %add3A_1094, %sub3A_1099 : i32
        %select_n3A_1101 = arith.select %ge3A_1098, %sub3A_1100, %add3A_1094 : i32
        %get3A_1102 = arith.index_cast %select_n3A_1101 : i32 to index
        %get3A_1103 = arith.constant 0 : index
        %get3A_1104 = tpu.vector_load %arg8[%get3A_1102, %get3A_1103] {strides = array<i32>} : memref<200x32xf32, #tpu.memory_space<vmem>>, vector<1x16xf32>,
        %get3A_1105 = vector.shape_cast %get3A_1104 : vector<1x16xf32> to vector<16xf32>
        %swap3A_1106 = arith.constant 1 : i32
        %swap3A_1107 = arith.index_cast %swap3A_1106 : i32 to index
        %swap3A_1108 = arith.index_cast %scan3A_1096 : i32 to index
        %swap3A_1109 = arith.constant 0 : index
        %swap3A_1110 = tpu.vector_load %arg7[%swap3A_1107, %swap3A_1108, %swap3A_1109] {strides = array<i32>} : memref<2x1600x32xf32, #tpu.memory_space<vmem>>, vector<1x1x16xf32>,
        %swap3A_1111 = vector.shape_cast %swap3A_1110 : vector<1x1x16xf32> to vector<16xf32>
        %swap3A_1112 = vector.shape_cast %get3A_1105 : vector<16xf32> to vector<1x1x16xf32>
        tpu.vector_store %arg7[%swap3A_1107, %swap3A_1108, %swap3A_1109], %swap3A_1112 {add = true, strides = array<i32>} : memref<2x1600x32xf32, #tpu.memory_space<vmem>>, vector<1x1x16xf32>,
        %get3A_1113 = arith.index_cast %select_n3A_1101 : i32 to index
        %get3A_1114 = arith.constant 16 : index
        %get3A_1115 = tpu.vector_load %arg8[%get3A_1113, %get3A_1114] {strides = array<i32>} : memref<200x32xf32, #tpu.memory_space<vmem>>, vector<1x16xf32>,
        %get3A_1116 = vector.shape_cast %get3A_1115 : vector<1x16xf32> to vector<16xf32>
        %swap3A_1117 = arith.constant 1 : i32
        %swap3A_1118 = arith.index_cast %swap3A_1117 : i32 to index
        %swap3A_1119 = arith.index_cast %scan3A_1096 : i32 to index
        %swap3A_1120 = arith.constant 16 : index
        %swap3A_1121 = tpu.vector_load %arg7[%swap3A_1118, %swap3A_1119, %swap3A_1120] {strides = array<i32>} : memref<2x1600x32xf32, #tpu.memory_space<vmem>>, vector<1x1x16xf32>,
        %swap3A_1122 = vector.shape_cast %swap3A_1121 : vector<1x1x16xf32> to vector<16xf32>
        %swap3A_1123 = vector.shape_cast %get3A_1116 : vector<16xf32> to vector<1x1x16xf32>
        tpu.vector_store %arg7[%swap3A_1118, %swap3A_1119, %swap3A_1120], %swap3A_1123 {add = true, strides = array<i32>} : memref<2x1600x32xf32, #tpu.memory_space<vmem>>, vector<1x1x16xf32>,
        %add3A_1124 = arith.constant 1 : i32
        %add3A_1125 = arith.addi %select_n3A_1101, %add3A_1124 : i32
        %scan3A_1126 = arith.constant 7 : i32
        %scan3A_1127 = arith.addi %scan3A_913, %scan3A_1126 : i32
        %ge3A_1128 = arith.constant 200 : i32
        %ge3A_1129 = arith.cmpi sge, %add3A_1125, %ge3A_1128 : i32
        %sub3A_1130 = arith.constant 200 : i32
        %sub3A_1131 = arith.subi %add3A_1125, %sub3A_1130 : i32
        %select_n3A_1132 = arith.select %ge3A_1129, %sub3A_1131, %add3A_1125 : i32
        %get3A_1133 = arith.index_cast %select_n3A_1132 : i32 to index
        %get3A_1134 = arith.constant 0 : index
        %get3A_1135 = tpu.vector_load %arg8[%get3A_1133, %get3A_1134] {strides = array<i32>} : memref<200x32xf32, #tpu.memory_space<vmem>>, vector<1x16xf32>,
        %get3A_1136 = vector.shape_cast %get3A_1135 : vector<1x16xf32> to vector<16xf32>
        %swap3A_1137 = arith.constant 1 : i32
        %swap3A_1138 = arith.index_cast %swap3A_1137 : i32 to index
        %swap3A_1139 = arith.index_cast %scan3A_1127 : i32 to index
        %swap3A_1140 = arith.constant 0 : index
        %swap3A_1141 = tpu.vector_load %arg7[%swap3A_1138, %swap3A_1139, %swap3A_1140] {strides = array<i32>} : memref<2x1600x32xf32, #tpu.memory_space<vmem>>, vector<1x1x16xf32>,
        %swap3A_1142 = vector.shape_cast %swap3A_1141 : vector<1x1x16xf32> to vector<16xf32>
        %swap3A_1143 = vector.shape_cast %get3A_1136 : vector<16xf32> to vector<1x1x16xf32>
        tpu.vector_store %arg7[%swap3A_1138, %swap3A_1139, %swap3A_1140], %swap3A_1143 {add = true, strides = array<i32>} : memref<2x1600x32xf32, #tpu.memory_space<vmem>>, vector<1x1x16xf32>,
        %get3A_1144 = arith.index_cast %select_n3A_1132 : i32 to index
        %get3A_1145 = arith.constant 16 : index
        %get3A_1146 = tpu.vector_load %arg8[%get3A_1144, %get3A_1145] {strides = array<i32>} : memref<200x32xf32, #tpu.memory_space<vmem>>, vector<1x16xf32>,
        %get3A_1147 = vector.shape_cast %get3A_1146 : vector<1x16xf32> to vector<16xf32>
        %swap3A_1148 = arith.constant 1 : i32
        %swap3A_1149 = arith.index_cast %swap3A_1148 : i32 to index
        %swap3A_1150 = arith.index_cast %scan3A_1127 : i32 to index
        %swap3A_1151 = arith.constant 16 : index
        %swap3A_1152 = tpu.vector_load %arg7[%swap3A_1149, %swap3A_1150, %swap3A_1151] {strides = array<i32>} : memref<2x1600x32xf32, #tpu.memory_space<vmem>>, vector<1x1x16xf32>,
        %swap3A_1153 = vector.shape_cast %swap3A_1152 : vector<1x1x16xf32> to vector<16xf32>
        %swap3A_1154 = vector.shape_cast %get3A_1147 : vector<16xf32> to vector<1x1x16xf32>
        tpu.vector_store %arg7[%swap3A_1149, %swap3A_1150, %swap3A_1151], %swap3A_1154 {add = true, strides = array<i32>} : memref<2x1600x32xf32, #tpu.memory_space<vmem>>, vector<1x1x16xf32>,
        %add3A_1155 = arith.constant 1 : i32
        %add3A_1156 = arith.addi %select_n3A_1132, %add3A_1155 : i32
        scf.yield %add3A_1156 : i32
      }
      %scan3A_894 = arith.constant 1600 : i32
      %dma_start3A_895 = arith.constant 1 : i32
      %dma_start3A_896 = arith.constant 0 : i32
      %dma_start3A_897 = arith.constant 0 : i32
      %dma_start3A_898 = tpu.memref_slice %arg7[%dma_start3A_895, %dma_start3A_896, %dma_start3A_897] : memref<2x1600x32xf32, #tpu.memory_space<vmem>> -> memref<1x1600x32xf32, #tpu.memory_space<vmem>>
      %dma_start3A_899 = tpu.memref_squeeze %dma_start3A_898 : memref<1x1600x32xf32, #tpu.memory_space<vmem>> -> memref<1600x32xf32, #tpu.memory_space<vmem>>
      %dma_start3A_900 = arith.constant 0 : i32
      %dma_start3A_901 = arith.constant 0 : i32
      %dma_start3A_902 = tpu.memref_slice %arg5[%add3A_617, %dma_start3A_900, %dma_start3A_901] : memref<512x1600x32xf32, #tpu.memory_space<hbm>> -> memref<1x1600x32xf32, #tpu.memory_space<hbm>>
      %dma_start3A_903 = tpu.memref_squeeze %dma_start3A_902 : memref<1x1600x32xf32, #tpu.memory_space<hbm>> -> memref<1600x32xf32, #tpu.memory_space<hbm>>
      %dma_start3A_904 = arith.constant 0 : i32
      %dma_start3A_905 = arith.constant 0 : i32
      %dma_start3A_906 = tpu.memref_slice %arg5[%add3A_617, %dma_start3A_904, %dma_start3A_905] : memref<512x1600x32xf32, #tpu.memory_space<hbm>> -> memref<1x1600x32xf32, #tpu.memory_space<hbm>>
      %dma_start3A_907 = tpu.memref_squeeze %dma_start3A_906 : memref<1x1600x32xf32, #tpu.memory_space<hbm>> -> memref<1600x32xf32, #tpu.memory_space<hbm>>
      %dma_start3A_908 = arith.constant 0 : i32
      %dma_start3A_909 = arith.constant 0 : i32
      %dma_start3A_910 = tpu.memref_slice %arg7[%dma_start3A_895, %dma_start3A_908, %dma_start3A_909] : memref<2x1600x32xf32, #tpu.memory_space<vmem>> -> memref<1x1600x32xf32, #tpu.memory_space<vmem>>
      %dma_start3A_911 = tpu.memref_squeeze %dma_start3A_910 : memref<1x1600x32xf32, #tpu.memory_space<vmem>> -> memref<1600x32xf32, #tpu.memory_space<vmem>>
      tpu.enqueue_dma source(%dma_start3A_911 : memref<1600x32xf32, #tpu.memory_space<vmem>>) target(%dma_start3A_907 : memref<1600x32xf32, #tpu.memory_space<hbm>>) target_semaphore(%arg12 : memref<!tpu.dma_semaphore, #tpu.memory_space<semaphore_mem>>)
      %scan3A_912 = arith.constant 0 : i32
      scf.yield %scan3A_912 : i32
    }
    %scan3A_267 = arith.constant 8 : i32
    %mul3A_268 = arith.constant 16 : i32
    %mul3A_269 = arith.muli %add3A, %mul3A_268 : i32
    %add3A_270 = arith.constant 16 : i32
    %add3A_271 = arith.addi %mul3A_269, %add3A_270 : i32
    %sub3A = arith.constant 2 : i32
    %sub3A_272 = arith.subi %add3A_271, %sub3A : i32
    %dma_wait3A = arith.constant 0 : i32
    %dma_wait3A_273 = arith.constant 0 : i32
    %dma_wait3A_274 = arith.constant 0 : i32
    %dma_wait3A_275 = tpu.memref_slice %arg7[%dma_wait3A, %dma_wait3A_273, %dma_wait3A_274] : memref<2x1600x32xf32, #tpu.memory_space<vmem>> -> memref<1x1600x32xf32, #tpu.memory_space<vmem>>
    %dma_wait3A_276 = tpu.memref_squeeze %dma_wait3A_275 : memref<1x1600x32xf32, #tpu.memory_space<vmem>> -> memref<1600x32xf32, #tpu.memory_space<vmem>>
    %dma_wait3A_277 = arith.constant 0 : i32
    %dma_wait3A_278 = arith.constant 0 : i32
    %dma_wait3A_279 = tpu.memref_slice %arg5[%sub3A_272, %dma_wait3A_277, %dma_wait3A_278] : memref<512x1600x32xf32, #tpu.memory_space<hbm>> -> memref<1x1600x32xf32, #tpu.memory_space<hbm>>
    %dma_wait3A_280 = tpu.memref_squeeze %dma_wait3A_279 : memref<1x1600x32xf32, #tpu.memory_space<hbm>> -> memref<1600x32xf32, #tpu.memory_space<hbm>>
    %dma_wait3A_281 = arith.constant 0 : i32
    %dma_wait3A_282 = arith.constant 0 : i32
    %dma_wait3A_283 = tpu.memref_slice %arg5[%sub3A_272, %dma_wait3A_281, %dma_wait3A_282] : memref<512x1600x32xf32, #tpu.memory_space<hbm>> -> memref<1x1600x32xf32, #tpu.memory_space<hbm>>
    %dma_wait3A_284 = tpu.memref_squeeze %dma_wait3A_283 : memref<1x1600x32xf32, #tpu.memory_space<hbm>> -> memref<1600x32xf32, #tpu.memory_space<hbm>>
    %dma_wait3A_285 = arith.constant 0 : i32
    %dma_wait3A_286 = arith.constant 0 : i32
    %dma_wait3A_287 = tpu.memref_slice %arg7[%dma_wait3A, %dma_wait3A_285, %dma_wait3A_286] : memref<2x1600x32xf32, #tpu.memory_space<vmem>> -> memref<1x1600x32xf32, #tpu.memory_space<vmem>>
    %dma_wait3A_288 = tpu.memref_squeeze %dma_wait3A_287 : memref<1x1600x32xf32, #tpu.memory_space<vmem>> -> memref<1600x32xf32, #tpu.memory_space<vmem>>
    tpu.wait_dma2 semaphore(%arg11 : memref<!tpu.dma_semaphore, #tpu.memory_space<semaphore_mem>>) src(%dma_wait3A_288 : memref<1600x32xf32, #tpu.memory_space<vmem>>) dst(%dma_wait3A_284 : memref<1600x32xf32, #tpu.memory_space<hbm>>)
    %mul3A_289 = arith.constant 16 : i32
    %mul3A_290 = arith.muli %add3A, %mul3A_289 : i32
    %add3A_291 = arith.constant 16 : i32
    %add3A_292 = arith.addi %mul3A_290, %add3A_291 : i32
    %sub3A_293 = arith.constant 1 : i32
    %sub3A_294 = arith.subi %add3A_292, %sub3A_293 : i32
    %dma_wait3A_295 = arith.constant 1 : i32
    %dma_wait3A_296 = arith.constant 0 : i32
    %dma_wait3A_297 = arith.constant 0 : i32
    %dma_wait3A_298 = tpu.memref_slice %arg7[%dma_wait3A_295, %dma_wait3A_296, %dma_wait3A_297] : memref<2x1600x32xf32, #tpu.memory_space<vmem>> -> memref<1x1600x32xf32, #tpu.memory_space<vmem>>
    %dma_wait3A_299 = tpu.memref_squeeze %dma_wait3A_298 : memref<1x1600x32xf32, #tpu.memory_space<vmem>> -> memref<1600x32xf32, #tpu.memory_space<vmem>>
    %dma_wait3A_300 = arith.constant 0 : i32
    %dma_wait3A_301 = arith.constant 0 : i32
    %dma_wait3A_302 = tpu.memref_slice %arg5[%sub3A_294, %dma_wait3A_300, %dma_wait3A_301] : memref<512x1600x32xf32, #tpu.memory_space<hbm>> -> memref<1x1600x32xf32, #tpu.memory_space<hbm>>
    %dma_wait3A_303 = tpu.memref_squeeze %dma_wait3A_302 : memref<1x1600x32xf32, #tpu.memory_space<hbm>> -> memref<1600x32xf32, #tpu.memory_space<hbm>>
    %dma_wait3A_304 = arith.constant 0 : i32
    %dma_wait3A_305 = arith.constant 0 : i32
    %dma_wait3A_306 = tpu.memref_slice %arg5[%sub3A_294, %dma_wait3A_304, %dma_wait3A_305] : memref<512x1600x32xf32, #tpu.memory_space<hbm>> -> memref<1x1600x32xf32, #tpu.memory_space<hbm>>
    %dma_wait3A_307 = tpu.memref_squeeze %dma_wait3A_306 : memref<1x1600x32xf32, #tpu.memory_space<hbm>> -> memref<1600x32xf32, #tpu.memory_space<hbm>>
    %dma_wait3A_308 = arith.constant 0 : i32
    %dma_wait3A_309 = arith.constant 0 : i32
    %dma_wait3A_310 = tpu.memref_slice %arg7[%dma_wait3A_295, %dma_wait3A_308, %dma_wait3A_309] : memref<2x1600x32xf32, #tpu.memory_space<vmem>> -> memref<1x1600x32xf32, #tpu.memory_space<vmem>>
    %dma_wait3A_311 = tpu.memref_squeeze %dma_wait3A_310 : memref<1x1600x32xf32, #tpu.memory_space<vmem>> -> memref<1600x32xf32, #tpu.memory_space<vmem>>
    tpu.wait_dma2 semaphore(%arg12 : memref<!tpu.dma_semaphore, #tpu.memory_space<semaphore_mem>>) src(%dma_wait3A_311 : memref<1600x32xf32, #tpu.memory_space<vmem>>) dst(%dma_wait3A_307 : memref<1600x32xf32, #tpu.memory_space<hbm>>)
    return
  }
}

</mosaic_0001>

<sc_bundles>
// kernel: kernel.3.cloned.1.call-start
scs
__scs_entry_jumppad:
0x0: {  	(pc) =	sbr.rel $0x88, $3  }
0x1: {  	(tag) =	ssettag $0x0;
	lr =	simm.s32 $0x1  }
0x2: {  	[smem:$0x3F9E] =	sst lr;
	_ =	strace $0xD0000000  }
0x3: {  	_ = 	snop  }
0x4: {  	_ = 	snop  }
0x5: {  	_ = 	snop  }
0x6: {  	_ = 	snop  }
0x7: {  	_ = 	snop  }
__scs_overlays_trampoline_lowered:
0x8: {  	[smem:$0x3FAD] =	sst s0  }
0x9: {  	[smem:$0x3FAE] =	sst s1  }
0xa: {  	[smem:$0x3FAF] =	sst s2  }
0xb: {  	[smem:$0x3FB0] =	sst s3  }
0xc: {  	[smem:$0x3FB1] =	sst s4  }
0xd: {  	[smem:$0x3FB2] =	sst s5  }
0xe: {  	[smem:$0x3FB3] =	sst s6  }
0xf: {  	[smem:$0x3FB4] =	sst s7  }
0x10: {  	[smem:$0x3FB5] =	sst s8  }
0x11: {  	[smem:$0x3FB6] =	sst s9;
	s0 =	simm.s32 @!p0 $0x0  }
0x12: {  	s1 =	sld [smem:$0x3F9C];
	s0 =	simm.s32 @p0 $0x1  }
0x13: {  	[smem:$0x3FB7] =	sst s0;
	s0 =	simm.s32 @!p1 $0x0  }
0x14: {  	s2 =	sld [smem:$0x3F9B];
	s0 =	simm.s32 @p1 $0x1  }
0x15: {  	[smem:$0x3FB8] =	sst s0;
	s0 =	simm.s32 @!p2 $0x0  }
0x16: {  	s3 =	sld [smem:$0x3FDB];
	s0 =	simm.s32 @p2 $0x1  }
0x17: {  	s4 =	simm.s32 $0x1BF5;
	[smem:$0x3FBA] =	sst s0  }
0x18: {  	s0 =	sld [smem:$0x3F9D];
	_ =	swait.ge [sflag:s4], $0x0  }
0x19: {  	s7 =	sld [smem:$0x3F9E]  }
0x1a: {  	s8 =	sadd.s32 $0xFFFFE003, lr  }
0x1b: {  	s9 =	sadd.s32 $0xFFFFFEF7, lr;
	s5 =	simm.s32 $0xFFFFFFFF;
	p2 =	slt.u32 s8, $0xFFFFF086  }
0x1c: {  	p1 =	slt.u32 s9, $0xF7A;
	s5 =	simm.s32 @!p2 $0x0  }
0x1d: {  	s5 =	simm.s32 @p1 $0x1;
	p0 =	seq.s32 s7, s2  }
0x1e: {  	s7 =	smul.u32 @!p0 $0xF7A, s2;
	p2 =	seq.s32 @!p0 s5, $0x0  }
0x1f: {  	s9 =	smul.u32 $0xF7A, s1;
	s8 =	simm.s32 @!p0 $0x1BF5;
	p2 =	por !p2, p0  }
0x20: {  	[sflag:s8] =	ssyncset.s32 @!p0 $0xFFFFF086;
	s6 =	sadd.s32 @!p0 s3, s7;
	s7 =	simm.s32 @!p0 $0x108  }
0x21: {  	s3 =	sadd.s32 s3, s9;
	s6 =	sadd.s32 @!p0 $0x88, s6;
	s7 =	simm.s32 @p2 $0x1082  }
0x22: {  	[simem:s7], [sflag:s8] =	dma.local @!p0 [hbm:s6], $0xF7A  }
0x23: {  	s9 =	sor.u32 $0xD0000000, s2;
	s6 =	simm.s32 $0x108;
	_ =	swait.ge @!p0 [sflag:s8], $0x0  }
0x24: {  	s3 =	sadd.s32 $0x88, s3;
	s6 =	simm.s32 @!p1 $0x1082;
	[sflag:s4] =	ssyncset.s32 $0xFFFFF086  }
0x25: {  	[simem:s6], [sflag:s4] =	dma.local [hbm:s3], $0xF7A  }
0x26: {  	[smem:$0x3F9E] =	sst s1;
	(tag) =	ssettag s2;
	_ =	strace s9  }
0x27: {  	s1 =	sld [smem:$0x3FAE]  }
0x28: {  	s2 =	sld [smem:$0x3FAF]  }
0x29: {  	s4 =	sld [smem:$0x3FB1]  }
0x2a: {  	p0 =	seq.s32 s5, $0x0;
	s5 =	sld [smem:$0x3FB2]  }
0x2b: {  	s6 =	sld [smem:$0x3FB3]  }
0x2c: {  	s7 =	sld [smem:$0x3FB4]  }
0x2d: {  	s3 =	simm.s32 $0x108;
	s8 =	sld [smem:$0x3FB5]  }
0x2e: {  	s3 =	simm.s32 @!p0 $0x1082;
	s9 =	sld [smem:$0x3FB6]  }
0x2f: {  	lr =	sadd.s32 s0, s3;
	s0 =	sld [smem:$0x3FAD]  }
0x30: {  	s3 =	sld [smem:$0x3FB0]  }
0x31: {  	[smem:$0x3FB9] =	sst s10  }
0x32: {  	s10 =	sld [smem:$0x3FB7];
	_ =	sdelay $0x3  }
0x33: {  	p0 =	seq.s32 s10, $0x1;
	s10 =	sld [smem:$0x3FB9];
	_ =	sdelay $0x3  }
0x34: {  	[smem:$0x3FB9] =	sst s10  }
0x35: {  	s10 =	sld [smem:$0x3FB8];
	_ =	sdelay $0x3  }
0x36: {  	p1 =	seq.s32 s10, $0x1;
	s10 =	sld [smem:$0x3FB9];
	_ =	sdelay $0x3  }
0x37: {  	[smem:$0x3FB9] =	sst s10  }
0x38: {  	s10 =	sld [smem:$0x3FBA]  }
0x39: {  	_ = 	snop;
	(pc) =	sbr.ind lr, $3  }
0x3a: {  	_ = 	snop  }
0x3b: {  	_ = 	snop  }
0x3c: {  	p2 =	seq.s32 s10, $0x1;
	s10 =	sld [smem:$0x3FB9]  }
0x3d: {  	_ =	shalt  }
0x3e: {  	_ =	shalt  }
0x3f: {  	_ =	shalt  }
0x40: {  	_ =	shalt  }
0x41: {  	_ =	shalt  }
0x42: {  	_ =	shalt  }
0x43: {  	_ =	shalt  }
0x44: {  	_ =	shalt  }
0x45: {  	_ =	shalt  }
0x46: {  	_ =	shalt  }
0x47: {  	_ =	shalt  }
0x48: {  	_ =	shalt  }
0x49: {  	_ =	shalt  }
0x4a: {  	_ =	shalt  }
0x4b: {  	_ =	shalt  }
0x4c: {  	_ =	shalt  }
0x4d: {  	_ =	shalt  }
0x4e: {  	_ =	shalt  }
0x4f: {  	_ =	shalt  }
0x50: {  	_ =	shalt  }
0x51: {  	_ =	shalt  }
0x52: {  	_ =	shalt  }
0x53: {  	_ =	shalt  }
0x54: {  	_ =	shalt  }
0x55: {  	_ =	shalt  }
0x56: {  	_ =	shalt  }
0x57: {  	_ =	shalt  }
0x58: {  	_ =	shalt  }
0x59: {  	_ =	shalt  }
0x5a: {  	_ =	shalt  }
0x5b: {  	_ =	shalt  }
0x5c: {  	_ =	shalt  }
0x5d: {  	_ =	shalt  }
0x5e: {  	_ =	shalt  }
0x5f: {  	_ =	shalt  }
0x60: {  	_ =	shalt  }
0x61: {  	_ =	shalt  }
0x62: {  	_ =	shalt  }
0x63: {  	_ =	shalt  }
0x64: {  	_ =	shalt  }
0x65: {  	_ =	shalt  }
0x66: {  	_ =	shalt  }
0x67: {  	_ =	shalt  }
0x68: {  	_ =	shalt  }
0x69: {  	_ =	shalt  }
0x6a: {  	_ =	shalt  }
0x6b: {  	_ =	shalt  }
0x6c: {  	_ =	shalt  }
0x6d: {  	_ =	shalt  }
0x6e: {  	_ =	shalt  }
0x6f: {  	_ =	shalt  }
0x70: {  	_ =	shalt  }
0x71: {  	_ =	shalt  }
0x72: {  	_ =	shalt  }
0x73: {  	_ =	shalt  }
0x74: {  	_ =	shalt  }
0x75: {  	_ =	shalt  }
0x76: {  	_ =	shalt  }
0x77: {  	_ =	shalt  }
0x78: {  	_ =	shalt  }
0x79: {  	_ =	shalt  }
0x7a: {  	_ =	shalt  }
0x7b: {  	_ =	shalt  }
0x7c: {  	_ =	shalt  }
0x7d: {  	_ =	shalt  }
0x7e: {  	_ =	shalt  }
0x7f: {  	_ =	shalt  }
0x80: {  	_ =	shalt  }
0x81: {  	_ =	shalt  }
0x82: {  	_ =	shalt  }
0x83: {  	_ =	shalt  }
0x84: {  	_ =	shalt  }
0x85: {  	_ =	shalt  }
0x86: {  	_ =	shalt  }
0x87: {  	_ =	shalt  }
.Lfunc_end0:
.L_simem_size_0:
called_computation.1_lowered:
.L_overlay_start_0:
0x88: {  	s2 =	sld [smem:$0x3FD9]  }
0x89: {  	s3 =	sld [smem:$0x3FFE];
	_ =	sdelay $0x1  }
0x8a: {  	s1 =	srdreg.scid  }
0x8b: {  	s0 =	sand.u32 $0x1, s1  }
0x8c: {  	s17 =	sshll.u32 s0, $0xA;
	s2 =	sadd.s32 s3, s2  }
0x8d: {  	s2 =	sadd.s32 s2, s17  }
0x8e: {  	[smem:$0x3FC5] =	sst s2  }
0x8f: {  	_ = 	snop  }
0x90: {  	s2 =	sld [smem:$0x3FD0];
	(tm) =	ssettm $0x1  }
0x91: {  	s18 =	sld [smem:$0x3FFB];
	_ =	sdelay $0x3  }
0x92: {  	_ =	strace s18  }
0x93: {  	s3 =	sld [smem:$0x3FFC];
	_ =	sdelay $0x3  }
0x94: {  	_ =	strace s3  }
0x95: {  	s3 =	sld [smem:$0x3FFD];
	_ =	sdelay $0x3  }
0x96: {  	_ =	strace s3  }
0x97: {  	_ =	strace $0x8FFFFFFF  }
0x98: {  	s19 =	sld [smem:$0x3FDB];
	_ =	sdelay $0x1  }
0x99: {  	s4 =	simm.s32 $_scs_section_size  }
0x9a: {  	s5 =	simm.s32 $_size__tile_overlayer_lowered;
	s6 =	simm.s32 $_tile_overlayer_lowered  }
0x9b: {  	s22 =	simm.s32 $0x1BFF;
	s21 =	sshll.u32 s6, $0x1;
	s3 =	sadd.s32 s4, s19  }
0x9c: {  	s7 =	simm.s32 $0x0;
	s20 =	sshll.u32 s5, $0x1;
	s5 =	sadd.s32 s21, s3  }
0x9d: {  	[timem:s7], [sflag:s22] =	dma.local [hbm:s5], s20  }
0x9e: {  	_ =	swait.ge [sflag:s22], s20  }
0x9f: {  	s4 =	ssub.s32 $0x0, s20;
	[sflag:s22] =	ssyncset.done $0x0  }
0xa0: {  	[sflag:s22] =	ssyncadd.s32 s4;
	_ =	sdelay $0x1  }
0xa1: {  	s23 =	simm.s32 $0x1B8B  }
0xa2: {  	_ =	swait.ge [sflag:s23], $0x1  }
0xa3: {  	[sflag:s23] =	ssyncset.done $0x0  }
0xa4: {  	s25 =	simm.s32 $0x1B8E;
	s24 =	sld [smem:$0x3FFE];
	[sflag:s23] =	ssyncadd.s32 $0xFFFFFFFF  }
0xa5: {  	s26 =	simm.s32 $execute0_lowered;
	[smem:$0x3FD2] =	sst s25  }
0xa6: {  	s5 =	sshll.u32 s26, $0x1;
	_ =	strace $0x80000046;
	[dreg:$0x1] =	wrdreg $0xFFFFFFFF  }
0xa7: {  	s28 =	simm.s32 $_size_execute0_lowered;
	s3 =	sadd.s32 s3, s5;
	[dreg:$0x0] =	wrdreg $0x0  }
0xa8: {  	s5 =	sshll.u32 s28, $0x1;
	[dreg:$0x2] =	wrdreg s3  }
0xa9: {  	[dreg:$0x3] =	wrdreg s5  }
0xaa: {  	[dreg:$0x4] =	wrdreg $0xC0  }
0xab: {  	_ =	task [dreg:s7], $0x5FFFF  }
0xac: {  	[dreg:$0x1] =	wrdreg $0xFFFFFFFF  }
0xad: {  	[dreg:$0x0] =	wrdreg $0x60  }
0xae: {  	[dreg:$0x2] =	wrdreg s24  }
0xaf: {  	[dreg:$0x3] =	wrdreg s2  }
0xb0: {  	[dreg:$0x4] =	wrdreg $0x9  }
0xb1: {  	_ =	task.clear_ibuf [dreg:s7], $0x5FFFF;
	_ =	strace $0x90000046  }
0xb2: {  	s29 =	simm.s32 $0x9;
	_ =	strace $0x80000048  }
0xb3: {  	_ =	swait.ge [sflag:s29], $0x1  }
0xb4: {  	[sflag:s29] =	ssyncadd.s32 $0xFFFFFFFF  }
0xb5: {  	_ =	strace $0x90000048  }
0xb6: {  	_ =	sfence  }
0xb7: {  	s30 =	sld [smem:$0x0];
	_ =	sdelay $0x2  }
0xb8: {  	s31 =	sshll.u32 s1, $0xD;
	s1 =	sshrl.u32 s1, $0x2  }
0xb9: {  	s3 =	sand.u32 $0x4000, s31;
	s1 =	sadd.s32 s1, s30  }
0xba: {  	s0 =	sor.u32 s3, s0;
	s1 =	sshll.u32 s1, $0x11  }
0xbb: {  	s0 =	sor.u32 s1, s0  }
0xbc: {  	s0 =	sadd.s32 $0x8F2B, s0  }
0xbd: {  	[sflag:s0] =	ssyncadd.remote.s32 $0x1  }
0xbe: {  	_ =	sfence.sel $0xFFFF  }
0xbf: {  	[dreg:$0x0] =	wrdreg $0xFFFFFFFF;
	(pc) =	sbr.abs _section_cstart, $3  }
0xc0: {  	[dreg:$0x1] =	wrdreg $0xFFFFFFFF  }
0xc1: {  	_ =	task.clear_ibuf [dreg:s7], $0x2FFFF;
	_ =	strace $0x9FFFFFFF  }
0xc2: {  	(tm) =	ssettm $0x7FFFFFFF  }
0xc3: {  	_ =	shalt  }
tec
execute0_lowered:
.L_overlay_start_1:
0x0: {  	(tag) =	ssettag $0x1  }
0x1: {  	s0 =	rddreg [dreg:$0x0]  }
0x2: {  	s2 =	rddreg [dreg:$0x1];
	s1 =	srdreg.scid  }
0x3: {  	s4 =	stileid.u32;
	s3 =	simm.s32 $0x0;
	s11 =	simm.s32 $0x5  }
0x4: {  	s12 =	simm.s32 $0x50;
	s13 =	simm.s32 $0xC80;
	s29 =	simm.s32 $0x640  }
0x5: {  	s30 =	simm.s32 $0xD480;
	s20 =	simm.s32 $0xBE0;
	s21 =	simm.s32 $0x18880  }
0x6: {  	s22 =	simm.s32 $0xC30;
	s23 =	simm.s32 $0x19280;
	s24 =	simm.s32 $0x1  }
0x7: {  	s1 =	sand.u32 $0x1, s1;
	s4 =	sshll.u32 s4, $0x5;
	[smem:$0x7FF] =	sst s3  }
0x8: {  	s6 =	sadd.s32 $0xF43000, s0;
	s5 =	sshll.u32 s1, $0x4;
	s1 =	ssub.s32 $0x2, s1  }
0x9: {  	s4 =	sor.u32 s5, s4;
	s5 =	sadd.s32 $0xC00, s0;
	s8 =	sshrl.u32 s1, $0x1  }
0xa: {  	s0 =	sadd.s32 $0x19C00, s0;
	s7 =	smul.u32 $0xC8, s4;
	s28 =	ssub.s32 s1, s8  }
0xb: {  	_ =	strace $0x80000047;
	[dreg:$0x3] =	wrdreg s0;
	s0 =	smax.u32 s28, $0x1  }
0xc: {  	s25 =	simm.s32 $0x2;
	s31 =	sadd.s32 s5, s7;
	[dreg:$0x5] =	wrdreg s0  }
0xd: {  	s26 =	simm.s32 $0x3;
	s7 =	simm.s32 $0x0;
	[dreg:$0x4] =	wrdreg s31  }
.LBB2_1:
0xe: {  	[dreg:$0x6] =	wrdreg s7  }
0xf: {  	s0 =	rddreg [dreg:$0x3];
	s1 =	simm.s32 $0x19C80  }
0x10: {  	[tilespmem:s1], [sflag:$0x5] =	stream.linear.gather [hbm4b:s0+s3], $0x1900, $0x38;
	[tilespmem:$0x1B580] =	vst v63  }
0x11: {  	_ =	swait.ge [sflag:s11], $0x1900  }
0x12: {  	[sflag:s11] =	ssyncset.done $0x0  }
0x13: {  	s19 =	rddreg [dreg:$0x4];
	[sflag:s11] =	ssyncadd.s32 $0xFFFFE700  }
0x14: {  	[tilespmem:s3], [sflag:$0x5] =	stream.linear.gather [hbm4b:s19+s3], $0x640, $0x38;
	[tilespmem:$0x1B580] =	vst v63  }
0x15: {  	_ =	swait.ge [sflag:s11], $0x640  }
0x16: {  	[sflag:s11] =	ssyncset.done $0x0  }
0x17: {  	[sflag:s11] =	ssyncadd.s32 $0xFFFFF9C0  }
0x18: {  	[tilespmem:s13], [sflag:$0x1] =	stream.indirect.gather [hbm4b:s6+s12], $0x20, s3, s12, $0xb8;
	[tilespmem:$0x1B580] =	vst v63  }
0x19: {  	s31 =	simm.s32 $0x1680  }
0x1a: {  	[tilespmem:s31], [sflag:$0x1] =	stream.indirect.gather [hbm4b:s6+s12], $0x20, s12, s12, $0xb8;
	[tilespmem:$0x1B580] =	vst v63  }
0x1b: {  	s7 =	simm.s32 $0x2080;
	s1 =	simm.s32 $0xA0  }
0x1c: {  	[tilespmem:s7], [sflag:$0x1] =	stream.indirect.gather [hbm4b:s6+s12], $0x20, s1, s12, $0xb8;
	[tilespmem:$0x1B580] =	vst v63  }
0x1d: {  	s8 =	simm.s32 $0xF0;
	s9 =	simm.s32 $0x2A80  }
0x1e: {  	[tilespmem:s9], [sflag:$0x1] =	stream.indirect.gather [hbm4b:s6+s12], $0x20, s8, s12, $0xb8;
	[tilespmem:$0x1B580] =	vst v63  }
0x1f: {  	s10 =	simm.s32 $0x140;
	s14 =	simm.s32 $0x3480  }
0x20: {  	[tilespmem:s14], [sflag:$0x1] =	stream.indirect.gather [hbm4b:s6+s12], $0x20, s10, s12, $0xb8;
	[tilespmem:$0x1B580] =	vst v63  }
0x21: {  	s15 =	simm.s32 $0x190;
	s16 =	simm.s32 $0x3E80  }
0x22: {  	[tilespmem:s16], [sflag:$0x1] =	stream.indirect.gather [hbm4b:s6+s12], $0x20, s15, s12, $0xb8;
	[tilespmem:$0x1B580] =	vst v63  }
0x23: {  	s17 =	simm.s32 $0x1E0;
	s18 =	simm.s32 $0x4880  }
0x24: {  	[tilespmem:s18], [sflag:$0x1] =	stream.indirect.gather [hbm4b:s6+s12], $0x20, s17, s12, $0xb8;
	[tilespmem:$0x1B580] =	vst v63  }
0x25: {  	s19 =	simm.s32 $0x230;
	s31 =	simm.s32 $0x5280  }
0x26: {  	[tilespmem:s31], [sflag:$0x1] =	stream.indirect.gather [hbm4b:s6+s12], $0x20, s19, s12, $0xb8;
	[tilespmem:$0x1B580] =	vst v63  }
0x27: {  	s1 =	simm.s32 $0x280;
	s7 =	simm.s32 $0x5C80  }
0x28: {  	[tilespmem:s7], [sflag:$0x1] =	stream.indirect.gather [hbm4b:s6+s12], $0x20, s1, s12, $0xb8;
	[tilespmem:$0x1B580] =	vst v63  }
0x29: {  	s8 =	simm.s32 $0x2D0;
	s9 =	simm.s32 $0x6680  }
0x2a: {  	[tilespmem:s9], [sflag:$0x1] =	stream.indirect.gather [hbm4b:s6+s12], $0x20, s8, s12, $0xb8;
	[tilespmem:$0x1B580] =	vst v63  }
0x2b: {  	s10 =	simm.s32 $0x320;
	s14 =	simm.s32 $0x7080  }
0x2c: {  	[tilespmem:s14], [sflag:$0x1] =	stream.indirect.gather [hbm4b:s6+s12], $0x20, s10, s12, $0xb8;
	[tilespmem:$0x1B580] =	vst v63  }
0x2d: {  	s15 =	simm.s32 $0x370;
	s16 =	simm.s32 $0x7A80  }
0x2e: {  	[tilespmem:s16], [sflag:$0x1] =	stream.indirect.gather [hbm4b:s6+s12], $0x20, s15, s12, $0xb8;
	[tilespmem:$0x1B580] =	vst v63  }
0x2f: {  	s17 =	simm.s32 $0x3C0;
	s18 =	simm.s32 $0x8480  }
0x30: {  	[tilespmem:s18], [sflag:$0x1] =	stream.indirect.gather [hbm4b:s6+s12], $0x20, s17, s12, $0xb8;
	[tilespmem:$0x1B580] =	vst v63  }
0x31: {  	s19 =	simm.s32 $0x410;
	s31 =	simm.s32 $0x8E80  }
0x32: {  	[tilespmem:s31], [sflag:$0x1] =	stream.indirect.gather [hbm4b:s6+s12], $0x20, s19, s12, $0xb8;
	[tilespmem:$0x1B580] =	vst v63  }
0x33: {  	s1 =	simm.s32 $0x460;
	s7 =	simm.s32 $0x9880  }
0x34: {  	[tilespmem:s7], [sflag:$0x1] =	stream.indirect.gather [hbm4b:s6+s12], $0x20, s1, s12, $0xb8;
	[tilespmem:$0x1B580] =	vst v63  }
0x35: {  	s8 =	simm.s32 $0x4B0;
	s9 =	simm.s32 $0xA280  }
0x36: {  	[tilespmem:s9], [sflag:$0x1] =	stream.indirect.gather [hbm4b:s6+s12], $0x20, s8, s12, $0xb8;
	[tilespmem:$0x1B580] =	vst v63  }
0x37: {  	s10 =	simm.s32 $0x500;
	s14 =	simm.s32 $0xAC80  }
0x38: {  	[tilespmem:s14], [sflag:$0x1] =	stream.indirect.gather [hbm4b:s6+s12], $0x20, s10, s12, $0xb8;
	[tilespmem:$0x1B580] =	vst v63  }
0x39: {  	s15 =	simm.s32 $0x550;
	s16 =	simm.s32 $0xB680  }
0x3a: {  	[tilespmem:s16], [sflag:$0x1] =	stream.indirect.gather [hbm4b:s6+s12], $0x20, s15, s12, $0xb8;
	[tilespmem:$0x1B580] =	vst v63  }
0x3b: {  	s17 =	simm.s32 $0x5A0;
	s18 =	simm.s32 $0xC080  }
0x3c: {  	[tilespmem:s18], [sflag:$0x1] =	stream.indirect.gather [hbm4b:s6+s12], $0x20, s17, s12, $0xb8;
	[tilespmem:$0x1B580] =	vst v63  }
0x3d: {  	s28 =	simm.s32 $0x0;
	s19 =	simm.s32 $0x5F0;
	s31 =	simm.s32 $0xCA80  }
0x3e: {  	[tilespmem:s31], [sflag:$0x1] =	stream.indirect.gather [hbm4b:s6+s12], $0x20, s19, s12, $0xb8;
	[tilespmem:$0x1B580] =	vst v63  }
.LBB2_2:
0x3f: {  	s0 =	sshll.u32 s28, $0x1  }
0x40: {  	s31 =	sor.u32 s4, s0  }
0x41: {  	p0 =	seq.s32 s28, $0x0;
	s0 =	smul.u32 $0x640, s31  }
0x42: {  	s1 =	simm.s32 @!p0 $0x4  }
0x43: {  	_ =	swait.ge @!p0 [sflag:s1], $0xC800;
	s0 =	sshrl.u32 s0, $0x3  }
0x44: {  	[sflag:s1] =	ssyncset.done @!p0 $0x0;
	s0 =	sadd.s32 s5, s0  }
0x45: {  	[sflag:s1] =	ssyncadd.s32 @!p0 $0xFFFF3800;
	s14 =	sadd.s32 $0xC8, s0;
	s0 =	simm.s32 $0x0  }
0x46: {  	[tilespmem:s29], [sflag:$0x5] =	stream.linear.gather [hbm4b:s14+s0], $0x640, $0x38;
	[tilespmem:$0x1B580] =	vst v63  }
0x47: {  	_ =	swait.ge [sflag:s11], $0x640  }
0x48: {  	[sflag:s11] =	ssyncset.done $0x0  }
0x49: {  	[sflag:s11] =	ssyncadd.s32 $0xFFFFF9C0  }
0x4a: {  	[tilespmem:s30], [sflag:$0x2] =	stream.indirect.gather [hbm4b:s6+s12], $0x20, s29, s12, $0xb8;
	[tilespmem:$0x1B580] =	vst v63  }
0x4b: {  	s15 =	simm.s32 $0x690;
	s7 =	simm.s32 $0xDE80  }
0x4c: {  	[tilespmem:s7], [sflag:$0x2] =	stream.indirect.gather [hbm4b:s6+s12], $0x20, s15, s12, $0xb8;
	[tilespmem:$0x1B580] =	vst v63  }
0x4d: {  	s16 =	simm.s32 $0x6E0;
	s17 =	simm.s32 $0xE880  }
0x4e: {  	[tilespmem:s17], [sflag:$0x2] =	stream.indirect.gather [hbm4b:s6+s12], $0x20, s16, s12, $0xb8;
	[tilespmem:$0x1B580] =	vst v63  }
0x4f: {  	s18 =	simm.s32 $0x730;
	s19 =	simm.s32 $0xF280  }
0x50: {  	[tilespmem:s19], [sflag:$0x2] =	stream.indirect.gather [hbm4b:s6+s12], $0x20, s18, s12, $0xb8;
	[tilespmem:$0x1B580] =	vst v63  }
0x51: {  	s8 =	simm.s32 $0xFC80;
	s7 =	simm.s32 $0x780  }
0x52: {  	[tilespmem:s8], [sflag:$0x2] =	stream.indirect.gather [hbm4b:s6+s12], $0x20, s7, s12, $0xb8;
	[tilespmem:$0x1B580] =	vst v63  }
0x53: {  	s9 =	simm.s32 $0x7D0;
	s10 =	simm.s32 $0x10680  }
0x54: {  	[tilespmem:s10], [sflag:$0x2] =	stream.indirect.gather [hbm4b:s6+s12], $0x20, s9, s12, $0xb8;
	[tilespmem:$0x1B580] =	vst v63  }
0x55: {  	s14 =	simm.s32 $0x820;
	s15 =	simm.s32 $0x11080  }
0x56: {  	[tilespmem:s15], [sflag:$0x2] =	stream.indirect.gather [hbm4b:s6+s12], $0x20, s14, s12, $0xb8;
	[tilespmem:$0x1B580] =	vst v63  }
0x57: {  	s16 =	simm.s32 $0x870;
	s17 =	simm.s32 $0x11A80  }
0x58: {  	[tilespmem:s17], [sflag:$0x2] =	stream.indirect.gather [hbm4b:s6+s12], $0x20, s16, s12, $0xb8;
	[tilespmem:$0x1B580] =	vst v63  }
0x59: {  	s18 =	simm.s32 $0x8C0;
	s19 =	simm.s32 $0x12480  }
0x5a: {  	[tilespmem:s19], [sflag:$0x2] =	stream.indirect.gather [hbm4b:s6+s12], $0x20, s18, s12, $0xb8;
	[tilespmem:$0x1B580] =	vst v63  }
0x5b: {  	s7 =	simm.s32 $0x910;
	s8 =	simm.s32 $0x12E80  }
0x5c: {  	[tilespmem:s8], [sflag:$0x2] =	stream.indirect.gather [hbm4b:s6+s12], $0x20, s7, s12, $0xb8;
	[tilespmem:$0x1B580] =	vst v63  }
0x5d: {  	s9 =	simm.s32 $0x960;
	s10 =	simm.s32 $0x13880  }
0x5e: {  	[tilespmem:s10], [sflag:$0x2] =	stream.indirect.gather [hbm4b:s6+s12], $0x20, s9, s12, $0xb8;
	[tilespmem:$0x1B580] =	vst v63  }
0x5f: {  	s14 =	simm.s32 $0x9B0;
	s15 =	simm.s32 $0x14280  }
0x60: {  	[tilespmem:s15], [sflag:$0x2] =	stream.indirect.gather [hbm4b:s6+s12], $0x20, s14, s12, $0xb8;
	[tilespmem:$0x1B580] =	vst v63  }
0x61: {  	s16 =	simm.s32 $0xA00;
	s17 =	simm.s32 $0x14C80  }
0x62: {  	[tilespmem:s17], [sflag:$0x2] =	stream.indirect.gather [hbm4b:s6+s12], $0x20, s16, s12, $0xb8;
	[tilespmem:$0x1B580] =	vst v63  }
0x63: {  	s18 =	simm.s32 $0xA50;
	s19 =	simm.s32 $0x15680  }
0x64: {  	[tilespmem:s19], [sflag:$0x2] =	stream.indirect.gather [hbm4b:s6+s12], $0x20, s18, s12, $0xb8;
	[tilespmem:$0x1B580] =	vst v63  }
0x65: {  	s8 =	simm.s32 $0xAA0;
	s9 =	simm.s32 $0x16080  }
0x66: {  	[tilespmem:s9], [sflag:$0x2] =	stream.indirect.gather [hbm4b:s6+s12], $0x20, s8, s12, $0xb8;
	[tilespmem:$0x1B580] =	vst v63  }
0x67: {  	s10 =	simm.s32 $0xAF0;
	s14 =	simm.s32 $0x16A80  }
0x68: {  	[tilespmem:s14], [sflag:$0x2] =	stream.indirect.gather [hbm4b:s6+s12], $0x20, s10, s12, $0xb8;
	[tilespmem:$0x1B580] =	vst v63  }
0x69: {  	s15 =	simm.s32 $0xB40;
	s16 =	simm.s32 $0x17480  }
0x6a: {  	[tilespmem:s16], [sflag:$0x2] =	stream.indirect.gather [hbm4b:s6+s12], $0x20, s15, s12, $0xb8;
	[tilespmem:$0x1B580] =	vst v63  }
0x6b: {  	s17 =	simm.s32 $0xB90;
	s18 =	simm.s32 $0x17E80  }
0x6c: {  	[tilespmem:s18], [sflag:$0x2] =	stream.indirect.gather [hbm4b:s6+s12], $0x20, s17, s12, $0xb8;
	[tilespmem:$0x1B580] =	vst v63  }
0x6d: {  	_ = 	snop  }
0x6e: {  	[tilespmem:s21], [sflag:$0x2] =	stream.indirect.gather [hbm4b:s6+s12], $0x20, s20, s12, $0xb8;
	[tilespmem:$0x1B580] =	vst v63  }
0x6f: {  	_ = 	snop  }
0x70: {  	[tilespmem:s23], [sflag:$0x2] =	stream.indirect.gather [hbm4b:s6+s12], $0x20, s22, s12, $0xb8;
	[tilespmem:$0x1B580] =	vst v63  }
0x71: {  	_ =	swait.ge [sflag:s24], $0xA00  }
0x72: {  	[sflag:s24] =	ssyncset.done $0x0  }
0x73: {  	[sflag:s24] =	ssyncadd.s32 $0xFFFFF600  }
0x74: {  	_ =	swait.ge [sflag:s24], $0xA00  }
0x75: {  	[sflag:s24] =	ssyncset.done $0x0  }
0x76: {  	[sflag:s24] =	ssyncadd.s32 $0xFFFFF600  }
0x77: {  	_ =	swait.ge [sflag:s24], $0xA00  }
0x78: {  	[sflag:s24] =	ssyncset.done $0x0  }
0x79: {  	[sflag:s24] =	ssyncadd.s32 $0xFFFFF600  }
0x7a: {  	_ =	swait.ge [sflag:s24], $0xA00  }
0x7b: {  	[sflag:s24] =	ssyncset.done $0x0  }
0x7c: {  	[sflag:s24] =	ssyncadd.s32 $0xFFFFF600  }
0x7d: {  	_ =	swait.ge [sflag:s24], $0xA00  }
0x7e: {  	[sflag:s24] =	ssyncset.done $0x0  }
0x7f: {  	[sflag:s24] =	ssyncadd.s32 $0xFFFFF600  }
0x80: {  	_ =	swait.ge [sflag:s24], $0xA00  }
0x81: {  	[sflag:s24] =	ssyncset.done $0x0  }
0x82: {  	[sflag:s24] =	ssyncadd.s32 $0xFFFFF600  }
0x83: {  	_ =	swait.ge [sflag:s24], $0xA00  }
0x84: {  	[sflag:s24] =	ssyncset.done $0x0  }
0x85: {  	[sflag:s24] =	ssyncadd.s32 $0xFFFFF600  }
0x86: {  	_ =	swait.ge [sflag:s24], $0xA00  }
0x87: {  	[sflag:s24] =	ssyncset.done $0x0  }
0x88: {  	[sflag:s24] =	ssyncadd.s32 $0xFFFFF600  }
0x89: {  	_ =	swait.ge [sflag:s24], $0xA00  }
0x8a: {  	[sflag:s24] =	ssyncset.done $0x0  }
0x8b: {  	[sflag:s24] =	ssyncadd.s32 $0xFFFFF600  }
0x8c: {  	_ =	swait.ge [sflag:s24], $0xA00  }
0x8d: {  	[sflag:s24] =	ssyncset.done $0x0  }
0x8e: {  	[sflag:s24] =	ssyncadd.s32 $0xFFFFF600  }
0x8f: {  	_ =	swait.ge [sflag:s24], $0xA00  }
0x90: {  	[sflag:s24] =	ssyncset.done $0x0  }
0x91: {  	[sflag:s24] =	ssyncadd.s32 $0xFFFFF600  }
0x92: {  	_ =	swait.ge [sflag:s24], $0xA00  }
0x93: {  	[sflag:s24] =	ssyncset.done $0x0  }
0x94: {  	[sflag:s24] =	ssyncadd.s32 $0xFFFFF600  }
0x95: {  	_ =	swait.ge [sflag:s24], $0xA00  }
0x96: {  	[sflag:s24] =	ssyncset.done $0x0  }
0x97: {  	[sflag:s24] =	ssyncadd.s32 $0xFFFFF600  }
0x98: {  	_ =	swait.ge [sflag:s24], $0xA00  }
0x99: {  	[sflag:s24] =	ssyncset.done $0x0  }
0x9a: {  	[sflag:s24] =	ssyncadd.s32 $0xFFFFF600  }
0x9b: {  	_ =	swait.ge [sflag:s24], $0xA00  }
0x9c: {  	[sflag:s24] =	ssyncset.done $0x0  }
0x9d: {  	[sflag:s24] =	ssyncadd.s32 $0xFFFFF600  }
0x9e: {  	_ =	swait.ge [sflag:s24], $0xA00  }
0x9f: {  	[sflag:s24] =	ssyncset.done $0x0  }
0xa0: {  	[sflag:s24] =	ssyncadd.s32 $0xFFFFF600  }
0xa1: {  	_ =	swait.ge [sflag:s24], $0xA00  }
0xa2: {  	[sflag:s24] =	ssyncset.done $0x0  }
0xa3: {  	[sflag:s24] =	ssyncadd.s32 $0xFFFFF600  }
0xa4: {  	_ =	swait.ge [sflag:s24], $0xA00  }
0xa5: {  	[sflag:s24] =	ssyncset.done $0x0  }
0xa6: {  	[sflag:s24] =	ssyncadd.s32 $0xFFFFF600  }
0xa7: {  	_ =	swait.ge [sflag:s24], $0xA00  }
0xa8: {  	[sflag:s24] =	ssyncset.done $0x0  }
0xa9: {  	p0 =	por $0x0, $0x0;
	s1 =	simm.s32 $0xFFFFFF38;
	[sflag:s24] =	ssyncadd.s32 $0xFFFFF600  }
0xaa: {  	s0 =	smov.u32 @p0 s1;
	_ =	swait.ge [sflag:s24], $0xA00  }
0xab: {  	s1 =	sshll.u32 s0, $0x7;
	[sflag:s24] =	ssyncset.done $0x0  }
0xac: {  	s19 =	sshra.s32 s1, $0x2;
	[sflag:s24] =	ssyncadd.s32 $0xFFFFF600  }
0xad: {  	v0 =	vld [tilespmem:s19+$0x19C80];
	_ =	sdelay $0x3  }
0xae: {  	s1 =	simm.s32 $0xC80  }
0xaf: {  	[tilespmem:s1+$0x0] =	vst.add.f32.msk $0xffff, v0  }
0xb0: {  	v0 =	vld [tilespmem:s19+$0x19C90]  }
0xb1: {  	s7 =	sadd.s32 $0x1, s0  }
0xb2: {  	s0 =	sadd.s32 $0xFFFFFF39, s0;
	p0 =	sgt.s32 s7, $0xC7  }
0xb3: {  	s7 =	smov.u32 @p0 s0  }
0xb4: {  	s0 =	sshll.u32 s7, $0x7  }
0xb5: {  	s0 =	sshra.s32 s0, $0x2;
	[tilespmem:s1+$0x10] =	vst.add.f32.msk $0xffff, v0  }
0xb6: {  	v0 =	vld [tilespmem:s0+$0x19C80];
	_ =	sdelay $0x4  }
0xb7: {  	[tilespmem:s1+$0x20] =	vst.add.f32.msk $0xffff, v0  }
0xb8: {  	v0 =	vld [tilespmem:s0+$0x19C90]  }
0xb9: {  	s0 =	sadd.s32 $0x1, s7  }
0xba: {  	s7 =	sadd.s32 $0xFFFFFF39, s7;
	p0 =	sgt.s32 s0, $0xC7  }
0xbb: {  	s0 =	smov.u32 @p0 s7  }
0xbc: {  	s7 =	sshll.u32 s0, $0x7  }
0xbd: {  	s7 =	sshra.s32 s7, $0x2;
	[tilespmem:s1+$0x30] =	vst.add.f32.msk $0xffff, v0  }
0xbe: {  	v0 =	vld [tilespmem:s7+$0x19C80];
	_ =	sdelay $0x4  }
0xbf: {  	[tilespmem:s1+$0x40] =	vst.add.f32.msk $0xffff, v0  }
0xc0: {  	v0 =	vld [tilespmem:s7+$0x19C90]  }
0xc1: {  	s7 =	sadd.s32 $0x1, s0  }
0xc2: {  	s0 =	sadd.s32 $0xFFFFFF39, s0;
	p0 =	sgt.s32 s7, $0xC7  }
0xc3: {  	s7 =	smov.u32 @p0 s0  }
0xc4: {  	s0 =	sshll.u32 s7, $0x7  }
0xc5: {  	s0 =	sshra.s32 s0, $0x2;
	[tilespmem:s1+$0x50] =	vst.add.f32.msk $0xffff, v0  }
0xc6: {  	v0 =	vld [tilespmem:s0+$0x19C80];
	_ =	sdelay $0x4  }
0xc7: {  	[tilespmem:s1+$0x60] =	vst.add.f32.msk $0xffff, v0  }
0xc8: {  	v0 =	vld [tilespmem:s0+$0x19C90]  }
0xc9: {  	s0 =	sadd.s32 $0x1, s7  }
0xca: {  	s7 =	sadd.s32 $0xFFFFFF39, s7;
	p0 =	sgt.s32 s0, $0xC7  }
0xcb: {  	s0 =	smov.u32 @p0 s7  }
0xcc: {  	s7 =	sshll.u32 s0, $0x7  }
0xcd: {  	s7 =	sshra.s32 s7, $0x2;
	[tilespmem:s1+$0x70] =	vst.add.f32.msk $0xffff, v0  }
0xce: {  	v0 =	vld [tilespmem:s7+$0x19C80];
	_ =	sdelay $0x4  }
0xcf: {  	[tilespmem:s1+$0x80] =	vst.add.f32.msk $0xffff, v0  }
0xd0: {  	v0 =	vld [tilespmem:s7+$0x19C90]  }
0xd1: {  	s7 =	sadd.s32 $0x1, s0  }
0xd2: {  	s0 =	sadd.s32 $0xFFFFFF39, s0;
	p0 =	sgt.s32 s7, $0xC7  }
0xd3: {  	s7 =	smov.u32 @p0 s0  }
0xd4: {  	s0 =	sshll.u32 s7, $0x7  }
0xd5: {  	s0 =	sshra.s32 s0, $0x2;
	[tilespmem:s1+$0x90] =	vst.add.f32.msk $0xffff, v0  }
0xd6: {  	v0 =	vld [tilespmem:s0+$0x19C80];
	_ =	sdelay $0x4  }
0xd7: {  	[tilespmem:s1+$0xA0] =	vst.add.f32.msk $0xffff, v0  }
0xd8: {  	v0 =	vld [tilespmem:s0+$0x19C90]  }
0xd9: {  	s0 =	sadd.s32 $0x1, s7  }
0xda: {  	s7 =	sadd.s32 $0xFFFFFF39, s7;
	p0 =	sgt.s32 s0, $0xC7  }
0xdb: {  	s0 =	smov.u32 @p0 s7  }
0xdc: {  	s7 =	sshll.u32 s0, $0x7  }
0xdd: {  	s7 =	sshra.s32 s7, $0x2;
	[tilespmem:s1+$0xB0] =	vst.add.f32.msk $0xffff, v0  }
0xde: {  	v0 =	vld [tilespmem:s7+$0x19C80];
	_ =	sdelay $0x4  }
0xdf: {  	[tilespmem:s1+$0xC0] =	vst.add.f32.msk $0xffff, v0  }
0xe0: {  	v0 =	vld [tilespmem:s7+$0x19C90]  }
0xe1: {  	s7 =	sadd.s32 $0x1, s0  }
0xe2: {  	s0 =	sadd.s32 $0xFFFFFF39, s0;
	p0 =	sgt.s32 s7, $0xC7  }
0xe3: {  	s7 =	smov.u32 @p0 s0  }
0xe4: {  	s0 =	sshll.u32 s7, $0x7  }
0xe5: {  	s8 =	sshra.s32 s0, $0x2;
	[tilespmem:s1+$0xD0] =	vst.add.f32.msk $0xffff, v0  }
0xe6: {  	v0 =	vld [tilespmem:s8+$0x19C80];
	_ =	sdelay $0x4  }
0xe7: {  	[tilespmem:s1+$0xE0] =	vst.add.f32.msk $0xffff, v0  }
0xe8: {  	v0 =	vld [tilespmem:s8+$0x19C90]  }
0xe9: {  	s7 =	sadd.s32 $0x1, s7  }
0xea: {  	p0 =	sgt.s32 s7, $0xC7;
	s0 =	sadd.s32 $0xFFFFFF38, s7  }
0xeb: {  	s10 =	simm.s32 $0x8;
	s7 =	smov.u32 @p0 s0;
	s0 =	simm.s32 $0xD80  }
0xec: {  	s9 =	sshll.u32 s7, $0x7;
	s8 =	sadd.s32 $0x1, s7;
	s7 =	sadd.s32 $0xFFFFFF39, s7  }
.LBB2_3:
0xed: {  	s10 =	sadd.s32 $0x8, s10;
	s9 =	sshra.s32 s9, $0x2;
	p1 =	sgt.s32 s8, $0xC7;
	[tilespmem:s1+$0xF0] =	vst.add.f32.msk $0xffff, v0  }
0xee: {  	s1 =	smov.u32 s0;
	p0 =	slt.u32 s10, $0x638;
	v0 =	vld [tilespmem:s9+$0x19C80];
	s8 =	smov.u32 @p1 s7  }
0xef: {  	s7 =	sshll.u32 s8, $0x7;
	s14 =	sadd.s32 $0x1, s8  }
0xf0: {  	s8 =	sadd.s32 $0xFFFFFF39, s8;
	s7 =	sshra.s32 s7, $0x2;
	p1 =	sgt.s32 s14, $0xC7  }
0xf1: {  	s14 =	smov.u32 @p1 s8  }
0xf2: {  	s16 =	sshll.u32 s14, $0x7;
	s8 =	sadd.s32 $0x1, s14  }
0xf3: {  	s14 =	sadd.s32 $0xFFFFFF39, s14;
	[tilespmem:s0+$0x0] =	vst.add.f32.msk $0xffff, v0;
	p1 =	sgt.s32 s8, $0xC7  }
0xf4: {  	v0 =	vld [tilespmem:s9+$0x19C90];
	s8 =	smov.u32 @p1 s14  }
0xf5: {  	s17 =	sshll.u32 s8, $0x7;
	s15 =	sadd.s32 $0x1, s8  }
0xf6: {  	s8 =	sadd.s32 $0xFFFFFF39, s8;
	p1 =	sgt.s32 s15, $0xC7  }
0xf7: {  	s15 =	smov.u32 @p1 s8  }
0xf8: {  	s8 =	sadd.s32 $0x1, s15  }
0xf9: {  	s9 =	sadd.s32 $0xFFFFFF39, s15;
	[tilespmem:s0+$0x10] =	vst.add.f32.msk $0xffff, v0;
	p1 =	sgt.s32 s8, $0xC7  }
0xfa: {  	v0 =	vld [tilespmem:s7+$0x19C80];
	s8 =	smov.u32 @p1 s9  }
0xfb: {  	s14 =	sshll.u32 s8, $0x7;
	s18 =	sadd.s32 $0x1, s8  }
0xfc: {  	s8 =	sadd.s32 $0xFFFFFF39, s8;
	p1 =	sgt.s32 s18, $0xC7  }
0xfd: {  	s18 =	smov.u32 @p1 s8  }
0xfe: {  	s9 =	sshll.u32 s18, $0x7;
	s19 =	sadd.s32 $0x1, s18  }
0xff: {  	s8 =	sadd.s32 $0xFFFFFF39, s18;
	[tilespmem:s0+$0x20] =	vst.add.f32.msk $0xffff, v0;
	p1 =	sgt.s32 s19, $0xC7  }
0x100: {  	v0 =	vld [tilespmem:s7+$0x19C90];
	s19 =	smov.u32 @p1 s8  }
0x101: {  	s8 =	sshll.u32 s19, $0x7;
	s7 =	sadd.s32 $0x1, s19;
	_ =	sdelay $0x3  }
0x102: {  	s16 =	sshra.s32 s16, $0x2;
	[tilespmem:s0+$0x30] =	vst.add.f32.msk $0xffff, v0  }
0x103: {  	v0 =	vld [tilespmem:s16+$0x19C80];
	_ =	sdelay $0x4  }
0x104: {  	[tilespmem:s0+$0x40] =	vst.add.f32.msk $0xffff, v0  }
0x105: {  	v0 =	vld [tilespmem:s16+$0x19C90];
	_ =	sdelay $0x4  }
0x106: {  	s16 =	sshra.s32 s17, $0x2;
	[tilespmem:s0+$0x50] =	vst.add.f32.msk $0xffff, v0  }
0x107: {  	v0 =	vld [tilespmem:s16+$0x19C80];
	_ =	sdelay $0x4  }
0x108: {  	[tilespmem:s0+$0x60] =	vst.add.f32.msk $0xffff, v0  }
0x109: {  	v0 =	vld [tilespmem:s16+$0x19C90];
	_ =	sdelay $0x3  }
0x10a: {  	s15 =	sshll.u32 s15, $0x7  }
0x10b: {  	s15 =	sshra.s32 s15, $0x2;
	[tilespmem:s0+$0x70] =	vst.add.f32.msk $0xffff, v0  }
0x10c: {  	v0 =	vld [tilespmem:s15+$0x19C80];
	_ =	sdelay $0x4  }
0x10d: {  	[tilespmem:s0+$0x80] =	vst.add.f32.msk $0xffff, v0  }
0x10e: {  	v0 =	vld [tilespmem:s15+$0x19C90];
	_ =	sdelay $0x4  }
0x10f: {  	s14 =	sshra.s32 s14, $0x2;
	[tilespmem:s0+$0x90] =	vst.add.f32.msk $0xffff, v0  }
0x110: {  	v0 =	vld [tilespmem:s14+$0x19C80];
	_ =	sdelay $0x4  }
0x111: {  	[tilespmem:s0+$0xA0] =	vst.add.f32.msk $0xffff, v0  }
0x112: {  	v0 =	vld [tilespmem:s14+$0x19C90];
	_ =	sdelay $0x4  }
0x113: {  	s9 =	sshra.s32 s9, $0x2;
	[tilespmem:s0+$0xB0] =	vst.add.f32.msk $0xffff, v0  }
0x114: {  	v0 =	vld [tilespmem:s9+$0x19C80];
	_ =	sdelay $0x4  }
0x115: {  	[tilespmem:s0+$0xC0] =	vst.add.f32.msk $0xffff, v0  }
0x116: {  	v0 =	vld [tilespmem:s9+$0x19C90];
	_ =	sdelay $0x4  }
0x117: {  	s8 =	sshra.s32 s8, $0x2;
	[tilespmem:s0+$0xD0] =	vst.add.f32.msk $0xffff, v0  }
0x118: {  	v0 =	vld [tilespmem:s8+$0x19C80];
	_ =	sdelay $0x4  }
0x119: {  	[tilespmem:s0+$0xE0] =	vst.add.f32.msk $0xffff, v0  }
.Ltmp0:
0x11a: {  	v0 =	vld [tilespmem:s8+$0x19C90];
	(pc) =	sbr.rel @p0 .LBB2_3-.Ltmp0, $4  }
0x11b: {  	_ = 	snop  }
0x11c: {  	p1 =	sgt.s32 s7, $0xC7;
	s8 =	sadd.s32 $0xFFFFFF38, s7  }
0x11d: {  	s0 =	sadd.s32 $0x100, s0;
	s7 =	smov.u32 @p1 s8  }
0x11e: {  	s9 =	sshll.u32 s7, $0x7;
	s8 =	sadd.s32 $0x1, s7;
	s7 =	sadd.s32 $0xFFFFFF39, s7  }
0x11f: {  	s9 =	sshra.s32 s9, $0x2;
	[tilespmem:s1+$0xF0] =	vst.add.f32.msk $0xffff, v0  }
0x120: {  	v0 =	vld [tilespmem:s9+$0x19C80];
	_ =	sdelay $0x4  }
0x121: {  	[tilespmem:s0+$0x0] =	vst.add.f32.msk $0xffff, v0  }
0x122: {  	v0 =	vld [tilespmem:s9+$0x19C90];
	_ =	sdelay $0x1  }
0x123: {  	p0 =	sgt.s32 s8, $0xC7  }
0x124: {  	s8 =	smov.u32 @p0 s7  }
0x125: {  	s17 =	sshll.u32 s8, $0x7  }
0x126: {  	s1 =	sshra.s32 s17, $0x2;
	[tilespmem:s0+$0x10] =	vst.add.f32.msk $0xffff, v0  }
0x127: {  	v0 =	vld [tilespmem:s1+$0x19C80];
	_ =	sdelay $0x4  }
0x128: {  	[tilespmem:s0+$0x20] =	vst.add.f32.msk $0xffff, v0  }
0x129: {  	v0 =	vld [tilespmem:s1+$0x19C90]  }
0x12a: {  	s1 =	sadd.s32 $0x1, s8  }
0x12b: {  	s7 =	sadd.s32 $0xFFFFFF39, s8;
	p0 =	sgt.s32 s1, $0xC7  }
0x12c: {  	s1 =	smov.u32 @p0 s7  }
0x12d: {  	s7 =	sshll.u32 s1, $0x7  }
0x12e: {  	s7 =	sshra.s32 s7, $0x2;
	[tilespmem:s0+$0x30] =	vst.add.f32.msk $0xffff, v0  }
0x12f: {  	v0 =	vld [tilespmem:s7+$0x19C80];
	_ =	sdelay $0x4  }
0x130: {  	[tilespmem:s0+$0x40] =	vst.add.f32.msk $0xffff, v0  }
0x131: {  	v0 =	vld [tilespmem:s7+$0x19C90]  }
0x132: {  	s7 =	sadd.s32 $0x1, s1  }
0x133: {  	s1 =	sadd.s32 $0xFFFFFF39, s1;
	p0 =	sgt.s32 s7, $0xC7  }
0x134: {  	s7 =	smov.u32 @p0 s1  }
0x135: {  	s1 =	sshll.u32 s7, $0x7  }
0x136: {  	s1 =	sshra.s32 s1, $0x2;
	[tilespmem:s0+$0x50] =	vst.add.f32.msk $0xffff, v0  }
0x137: {  	v0 =	vld [tilespmem:s1+$0x19C80];
	_ =	sdelay $0x4  }
0x138: {  	[tilespmem:s0+$0x60] =	vst.add.f32.msk $0xffff, v0  }
0x139: {  	v0 =	vld [tilespmem:s1+$0x19C90]  }
0x13a: {  	s1 =	sadd.s32 $0x1, s7  }
0x13b: {  	s7 =	sadd.s32 $0xFFFFFF39, s7;
	p0 =	sgt.s32 s1, $0xC7  }
0x13c: {  	s1 =	smov.u32 @p0 s7  }
0x13d: {  	s7 =	sshll.u32 s1, $0x7  }
0x13e: {  	s7 =	sshra.s32 s7, $0x2;
	[tilespmem:s0+$0x70] =	vst.add.f32.msk $0xffff, v0  }
0x13f: {  	v0 =	vld [tilespmem:s7+$0x19C80];
	_ =	sdelay $0x4  }
0x140: {  	[tilespmem:s0+$0x80] =	vst.add.f32.msk $0xffff, v0  }
0x141: {  	v0 =	vld [tilespmem:s7+$0x19C90]  }
0x142: {  	s7 =	sadd.s32 $0x1, s1  }
0x143: {  	s1 =	sadd.s32 $0xFFFFFF39, s1;
	p0 =	sgt.s32 s7, $0xC7  }
0x144: {  	s7 =	smov.u32 @p0 s1  }
0x145: {  	s1 =	sshll.u32 s7, $0x7  }
0x146: {  	s1 =	sshra.s32 s1, $0x2;
	[tilespmem:s0+$0x90] =	vst.add.f32.msk $0xffff, v0  }
0x147: {  	v0 =	vld [tilespmem:s1+$0x19C80];
	_ =	sdelay $0x4  }
0x148: {  	[tilespmem:s0+$0xA0] =	vst.add.f32.msk $0xffff, v0  }
0x149: {  	v0 =	vld [tilespmem:s1+$0x19C90]  }
0x14a: {  	s1 =	sadd.s32 $0x1, s7  }
0x14b: {  	s7 =	sadd.s32 $0xFFFFFF39, s7;
	p0 =	sgt.s32 s1, $0xC7  }
0x14c: {  	s1 =	smov.u32 @p0 s7  }
0x14d: {  	s7 =	sshll.u32 s1, $0x7  }
0x14e: {  	s7 =	sshra.s32 s7, $0x2;
	[tilespmem:s0+$0xB0] =	vst.add.f32.msk $0xffff, v0  }
0x14f: {  	v0 =	vld [tilespmem:s7+$0x19C80];
	_ =	sdelay $0x4  }
0x150: {  	[tilespmem:s0+$0xC0] =	vst.add.f32.msk $0xffff, v0  }
0x151: {  	v0 =	vld [tilespmem:s7+$0x19C90]  }
0x152: {  	s7 =	sadd.s32 $0x1, s1  }
0x153: {  	s1 =	sadd.s32 $0xFFFFFF39, s1;
	p0 =	sgt.s32 s7, $0xC7  }
0x154: {  	s7 =	smov.u32 @p0 s1  }
0x155: {  	s1 =	sshll.u32 s7, $0x7  }
0x156: {  	s1 =	sshra.s32 s1, $0x2;
	[tilespmem:s0+$0xD0] =	vst.add.f32.msk $0xffff, v0  }
0x157: {  	v0 =	vld [tilespmem:s1+$0x19C80];
	_ =	sdelay $0x4  }
0x158: {  	[tilespmem:s0+$0xE0] =	vst.add.f32.msk $0xffff, v0  }
0x159: {  	v0 =	vld [tilespmem:s1+$0x19C90]  }
0x15a: {  	p0 =	seq.s32 s28, $0x7  }
.Ltmp1:
0x15b: {  	_ = 	snop;
	(pc) =	sbr.rel @p0 .LBB2_6-.Ltmp1, $3  }
0x15c: {  	s18 =	smul.u32 $0x1900, s31;
	_ =	sdelay $0x1  }
0x15d: {  	s31 =	sor.u32 $0x1, s31;
	s19 =	sadd.s32 s2, s18;
	[tilespmem:s0+$0xF0] =	vst.add.f32.msk $0xffff, v0  }
0x15e: {  	[hbm4b:s19+s3] =	stream.linear.scatter [tilespmem:s13], [sflag:$0x3], $0xC800, $0x38;
	[tilespmem:$0x1B580] =	vst v63  }
0x15f: {  	s0 =	smul.u32 $0x640, s31;
	_ =	sdelay $0x1  }
0x160: {  	_ =	swait.ge [sflag:s26], $0xC800;
	s0 =	sshrl.u32 s0, $0x3  }
0x161: {  	[sflag:s26] =	ssyncset.done $0x0;
	s0 =	sadd.s32 s5, s0  }
0x162: {  	[sflag:s26] =	ssyncadd.s32 $0xFFFF3800;
	s0 =	sadd.s32 $0xC8, s0  }
0x163: {  	[tilespmem:s3], [sflag:$0x5] =	stream.linear.gather [hbm4b:s0+s3], $0x640, $0x38;
	[tilespmem:$0x1B580] =	vst v63  }
0x164: {  	_ =	swait.ge [sflag:s11], $0x640  }
0x165: {  	[sflag:s11] =	ssyncset.done $0x0  }
0x166: {  	[sflag:s11] =	ssyncadd.s32 $0xFFFFF9C0  }
0x167: {  	[tilespmem:s13], [sflag:$0x1] =	stream.indirect.gather [hbm4b:s6+s12], $0x20, s3, s12, $0xb8;
	[tilespmem:$0x1B580] =	vst v63  }
0x168: {  	s14 =	simm.s32 $0x1680  }
0x169: {  	[tilespmem:s14], [sflag:$0x1] =	stream.indirect.gather [hbm4b:s6+s12], $0x20, s12, s12, $0xb8;
	[tilespmem:$0x1B580] =	vst v63  }
0x16a: {  	s15 =	simm.s32 $0xA0;
	s1 =	simm.s32 $0x2080  }
0x16b: {  	[tilespmem:s1], [sflag:$0x1] =	stream.indirect.gather [hbm4b:s6+s12], $0x20, s15, s12, $0xb8;
	[tilespmem:$0x1B580] =	vst v63  }
0x16c: {  	s16 =	simm.s32 $0xF0;
	s17 =	simm.s32 $0x2A80  }
0x16d: {  	[tilespmem:s17], [sflag:$0x1] =	stream.indirect.gather [hbm4b:s6+s12], $0x20, s16, s12, $0xb8;
	[tilespmem:$0x1B580] =	vst v63  }
0x16e: {  	s18 =	simm.s32 $0x140;
	s19 =	simm.s32 $0x3480  }
0x16f: {  	[tilespmem:s19], [sflag:$0x1] =	stream.indirect.gather [hbm4b:s6+s12], $0x20, s18, s12, $0xb8;
	[tilespmem:$0x1B580] =	vst v63  }
0x170: {  	s7 =	simm.s32 $0x190;
	s8 =	simm.s32 $0x3E80  }
0x171: {  	[tilespmem:s8], [sflag:$0x1] =	stream.indirect.gather [hbm4b:s6+s12], $0x20, s7, s12, $0xb8;
	[tilespmem:$0x1B580] =	vst v63  }
0x172: {  	s9 =	simm.s32 $0x1E0;
	s10 =	simm.s32 $0x4880  }
0x173: {  	[tilespmem:s10], [sflag:$0x1] =	stream.indirect.gather [hbm4b:s6+s12], $0x20, s9, s12, $0xb8;
	[tilespmem:$0x1B580] =	vst v63  }
0x174: {  	s14 =	simm.s32 $0x230;
	s15 =	simm.s32 $0x5280  }
0x175: {  	[tilespmem:s15], [sflag:$0x1] =	stream.indirect.gather [hbm4b:s6+s12], $0x20, s14, s12, $0xb8;
	[tilespmem:$0x1B580] =	vst v63  }
0x176: {  	s16 =	simm.s32 $0x280;
	s17 =	simm.s32 $0x5C80  }
0x177: {  	[tilespmem:s17], [sflag:$0x1] =	stream.indirect.gather [hbm4b:s6+s12], $0x20, s16, s12, $0xb8;
	[tilespmem:$0x1B580] =	vst v63  }
0x178: {  	s18 =	simm.s32 $0x2D0;
	s19 =	simm.s32 $0x6680  }
0x179: {  	[tilespmem:s19], [sflag:$0x1] =	stream.indirect.gather [hbm4b:s6+s12], $0x20, s18, s12, $0xb8;
	[tilespmem:$0x1B580] =	vst v63  }
0x17a: {  	s7 =	simm.s32 $0x320;
	s8 =	simm.s32 $0x7080  }
0x17b: {  	[tilespmem:s8], [sflag:$0x1] =	stream.indirect.gather [hbm4b:s6+s12], $0x20, s7, s12, $0xb8;
	[tilespmem:$0x1B580] =	vst v63  }
0x17c: {  	s9 =	simm.s32 $0x370;
	s10 =	simm.s32 $0x7A80  }
0x17d: {  	[tilespmem:s10], [sflag:$0x1] =	stream.indirect.gather [hbm4b:s6+s12], $0x20, s9, s12, $0xb8;
	[tilespmem:$0x1B580] =	vst v63  }
0x17e: {  	s14 =	simm.s32 $0x3C0;
	s15 =	simm.s32 $0x8480  }
0x17f: {  	[tilespmem:s15], [sflag:$0x1] =	stream.indirect.gather [hbm4b:s6+s12], $0x20, s14, s12, $0xb8;
	[tilespmem:$0x1B580] =	vst v63  }
0x180: {  	s16 =	simm.s32 $0x410;
	s17 =	simm.s32 $0x8E80  }
0x181: {  	[tilespmem:s17], [sflag:$0x1] =	stream.indirect.gather [hbm4b:s6+s12], $0x20, s16, s12, $0xb8;
	[tilespmem:$0x1B580] =	vst v63  }
0x182: {  	s18 =	simm.s32 $0x460;
	s19 =	simm.s32 $0x9880  }
0x183: {  	[tilespmem:s19], [sflag:$0x1] =	stream.indirect.gather [hbm4b:s6+s12], $0x20, s18, s12, $0xb8;
	[tilespmem:$0x1B580] =	vst v63  }
0x184: {  	s7 =	simm.s32 $0x4B0;
	s8 =	simm.s32 $0xA280  }
0x185: {  	[tilespmem:s8], [sflag:$0x1] =	stream.indirect.gather [hbm4b:s6+s12], $0x20, s7, s12, $0xb8;
	[tilespmem:$0x1B580] =	vst v63  }
0x186: {  	s9 =	simm.s32 $0x500;
	s10 =	simm.s32 $0xAC80  }
0x187: {  	[tilespmem:s10], [sflag:$0x1] =	stream.indirect.gather [hbm4b:s6+s12], $0x20, s9, s12, $0xb8;
	[tilespmem:$0x1B580] =	vst v63  }
0x188: {  	s14 =	simm.s32 $0x550;
	s15 =	simm.s32 $0xB680  }
0x189: {  	[tilespmem:s15], [sflag:$0x1] =	stream.indirect.gather [hbm4b:s6+s12], $0x20, s14, s12, $0xb8;
	[tilespmem:$0x1B580] =	vst v63  }
0x18a: {  	s16 =	simm.s32 $0x5A0;
	s17 =	simm.s32 $0xC080  }
0x18b: {  	[tilespmem:s17], [sflag:$0x1] =	stream.indirect.gather [hbm4b:s6+s12], $0x20, s16, s12, $0xb8;
	[tilespmem:$0x1B580] =	vst v63  }
0x18c: {  	s18 =	simm.s32 $0x5F0;
	s19 =	simm.s32 $0xCA80  }
0x18d: {  	[tilespmem:s19], [sflag:$0x1] =	stream.indirect.gather [hbm4b:s6+s12], $0x20, s18, s12, $0xb8;
	[tilespmem:$0x1B580] =	vst v63  }
.LBB2_6:
0x18e: {  	_ =	swait.ge [sflag:s25], $0xA00  }
0x18f: {  	[sflag:s25] =	ssyncset.done $0x0  }
0x190: {  	[sflag:s25] =	ssyncadd.s32 $0xFFFFF600  }
0x191: {  	_ =	swait.ge [sflag:s25], $0xA00  }
0x192: {  	[sflag:s25] =	ssyncset.done $0x0  }
0x193: {  	[sflag:s25] =	ssyncadd.s32 $0xFFFFF600  }
0x194: {  	_ =	swait.ge [sflag:s25], $0xA00  }
0x195: {  	[sflag:s25] =	ssyncset.done $0x0  }
0x196: {  	[sflag:s25] =	ssyncadd.s32 $0xFFFFF600  }
0x197: {  	_ =	swait.ge [sflag:s25], $0xA00  }
0x198: {  	[sflag:s25] =	ssyncset.done $0x0  }
0x199: {  	[sflag:s25] =	ssyncadd.s32 $0xFFFFF600  }
0x19a: {  	_ =	swait.ge [sflag:s25], $0xA00  }
0x19b: {  	[sflag:s25] =	ssyncset.done $0x0  }
0x19c: {  	[sflag:s25] =	ssyncadd.s32 $0xFFFFF600  }
0x19d: {  	_ =	swait.ge [sflag:s25], $0xA00  }
0x19e: {  	[sflag:s25] =	ssyncset.done $0x0  }
0x19f: {  	[sflag:s25] =	ssyncadd.s32 $0xFFFFF600  }
0x1a0: {  	_ =	swait.ge [sflag:s25], $0xA00  }
0x1a1: {  	[sflag:s25] =	ssyncset.done $0x0  }
0x1a2: {  	[sflag:s25] =	ssyncadd.s32 $0xFFFFF600  }
0x1a3: {  	_ =	swait.ge [sflag:s25], $0xA00  }
0x1a4: {  	[sflag:s25] =	ssyncset.done $0x0  }
0x1a5: {  	[sflag:s25] =	ssyncadd.s32 $0xFFFFF600  }
0x1a6: {  	_ =	swait.ge [sflag:s25], $0xA00  }
0x1a7: {  	[sflag:s25] =	ssyncset.done $0x0  }
0x1a8: {  	[sflag:s25] =	ssyncadd.s32 $0xFFFFF600  }
0x1a9: {  	_ =	swait.ge [sflag:s25], $0xA00  }
0x1aa: {  	[sflag:s25] =	ssyncset.done $0x0  }
0x1ab: {  	[sflag:s25] =	ssyncadd.s32 $0xFFFFF600  }
0x1ac: {  	_ =	swait.ge [sflag:s25], $0xA00  }
0x1ad: {  	[sflag:s25] =	ssyncset.done $0x0  }
0x1ae: {  	[sflag:s25] =	ssyncadd.s32 $0xFFFFF600  }
0x1af: {  	_ =	swait.ge [sflag:s25], $0xA00  }
0x1b0: {  	[sflag:s25] =	ssyncset.done $0x0  }
0x1b1: {  	[sflag:s25] =	ssyncadd.s32 $0xFFFFF600  }
0x1b2: {  	_ =	swait.ge [sflag:s25], $0xA00  }
0x1b3: {  	[sflag:s25] =	ssyncset.done $0x0  }
0x1b4: {  	[sflag:s25] =	ssyncadd.s32 $0xFFFFF600  }
0x1b5: {  	_ =	swait.ge [sflag:s25], $0xA00  }
0x1b6: {  	[sflag:s25] =	ssyncset.done $0x0  }
0x1b7: {  	[sflag:s25] =	ssyncadd.s32 $0xFFFFF600  }
0x1b8: {  	_ =	swait.ge [sflag:s25], $0xA00  }
0x1b9: {  	[sflag:s25] =	ssyncset.done $0x0  }
0x1ba: {  	[sflag:s25] =	ssyncadd.s32 $0xFFFFF600  }
0x1bb: {  	_ =	swait.ge [sflag:s25], $0xA00  }
0x1bc: {  	[sflag:s25] =	ssyncset.done $0x0  }
0x1bd: {  	[sflag:s25] =	ssyncadd.s32 $0xFFFFF600  }
0x1be: {  	_ =	swait.ge [sflag:s25], $0xA00  }
0x1bf: {  	[sflag:s25] =	ssyncset.done $0x0  }
0x1c0: {  	[sflag:s25] =	ssyncadd.s32 $0xFFFFF600  }
0x1c1: {  	_ =	swait.ge [sflag:s25], $0xA00  }
0x1c2: {  	[sflag:s25] =	ssyncset.done $0x0  }
0x1c3: {  	[sflag:s25] =	ssyncadd.s32 $0xFFFFF600  }
0x1c4: {  	_ =	swait.ge [sflag:s25], $0xA00  }
0x1c5: {  	s0 =	simm.s32 $0x0;
	[sflag:s25] =	ssyncset.done $0x0  }
0x1c6: {  	p0 =	por $0x0, $0x0;
	s1 =	simm.s32 $0xFFFFFF38;
	[sflag:s25] =	ssyncadd.s32 $0xFFFFF600  }
0x1c7: {  	s0 =	smov.u32 @p0 s1;
	_ =	swait.ge [sflag:s25], $0xA00  }
0x1c8: {  	s1 =	sshll.u32 s0, $0x7;
	[sflag:s25] =	ssyncset.done $0x0  }
0x1c9: {  	s7 =	sshra.s32 s1, $0x2;
	[sflag:s25] =	ssyncadd.s32 $0xFFFFF600  }
0x1ca: {  	v0 =	vld [tilespmem:s7+$0x19C80];
	_ =	sdelay $0x3  }
0x1cb: {  	s1 =	simm.s32 $0xD480  }
0x1cc: {  	[tilespmem:s1+$0x0] =	vst.add.f32.msk $0xffff, v0  }
0x1cd: {  	v0 =	vld [tilespmem:s7+$0x19C90]  }
0x1ce: {  	s7 =	sadd.s32 $0x1, s0  }
0x1cf: {  	s0 =	sadd.s32 $0xFFFFFF39, s0;
	p0 =	sgt.s32 s7, $0xC7  }
0x1d0: {  	s7 =	smov.u32 @p0 s0  }
0x1d1: {  	s0 =	sshll.u32 s7, $0x7  }
0x1d2: {  	s0 =	sshra.s32 s0, $0x2;
	[tilespmem:s1+$0x10] =	vst.add.f32.msk $0xffff, v0  }
0x1d3: {  	v0 =	vld [tilespmem:s0+$0x19C80];
	_ =	sdelay $0x4  }
0x1d4: {  	[tilespmem:s1+$0x20] =	vst.add.f32.msk $0xffff, v0  }
0x1d5: {  	v0 =	vld [tilespmem:s0+$0x19C90]  }
0x1d6: {  	s0 =	sadd.s32 $0x1, s7  }
0x1d7: {  	s7 =	sadd.s32 $0xFFFFFF39, s7;
	p0 =	sgt.s32 s0, $0xC7  }
0x1d8: {  	s0 =	smov.u32 @p0 s7  }
0x1d9: {  	s7 =	sshll.u32 s0, $0x7  }
0x1da: {  	s7 =	sshra.s32 s7, $0x2;
	[tilespmem:s1+$0x30] =	vst.add.f32.msk $0xffff, v0  }
0x1db: {  	v0 =	vld [tilespmem:s7+$0x19C80];
	_ =	sdelay $0x4  }
0x1dc: {  	[tilespmem:s1+$0x40] =	vst.add.f32.msk $0xffff, v0  }
0x1dd: {  	v0 =	vld [tilespmem:s7+$0x19C90]  }
0x1de: {  	s7 =	sadd.s32 $0x1, s0  }
0x1df: {  	s0 =	sadd.s32 $0xFFFFFF39, s0;
	p0 =	sgt.s32 s7, $0xC7  }
0x1e0: {  	s7 =	smov.u32 @p0 s0  }
0x1e1: {  	s0 =	sshll.u32 s7, $0x7  }
0x1e2: {  	s0 =	sshra.s32 s0, $0x2;
	[tilespmem:s1+$0x50] =	vst.add.f32.msk $0xffff, v0  }
0x1e3: {  	v0 =	vld [tilespmem:s0+$0x19C80];
	_ =	sdelay $0x4  }
0x1e4: {  	[tilespmem:s1+$0x60] =	vst.add.f32.msk $0xffff, v0  }
0x1e5: {  	v0 =	vld [tilespmem:s0+$0x19C90]  }
0x1e6: {  	s0 =	sadd.s32 $0x1, s7  }
0x1e7: {  	s7 =	sadd.s32 $0xFFFFFF39, s7;
	p0 =	sgt.s32 s0, $0xC7  }
0x1e8: {  	s0 =	smov.u32 @p0 s7  }
0x1e9: {  	s7 =	sshll.u32 s0, $0x7  }
0x1ea: {  	s7 =	sshra.s32 s7, $0x2;
	[tilespmem:s1+$0x70] =	vst.add.f32.msk $0xffff, v0  }
0x1eb: {  	v0 =	vld [tilespmem:s7+$0x19C80];
	_ =	sdelay $0x4  }
0x1ec: {  	[tilespmem:s1+$0x80] =	vst.add.f32.msk $0xffff, v0  }
0x1ed: {  	v0 =	vld [tilespmem:s7+$0x19C90]  }
0x1ee: {  	s7 =	sadd.s32 $0x1, s0  }
0x1ef: {  	s0 =	sadd.s32 $0xFFFFFF39, s0;
	p0 =	sgt.s32 s7, $0xC7  }
0x1f0: {  	s7 =	smov.u32 @p0 s0  }
0x1f1: {  	s0 =	sshll.u32 s7, $0x7  }
0x1f2: {  	s0 =	sshra.s32 s0, $0x2;
	[tilespmem:s1+$0x90] =	vst.add.f32.msk $0xffff, v0  }
0x1f3: {  	v0 =	vld [tilespmem:s0+$0x19C80];
	_ =	sdelay $0x4  }
0x1f4: {  	[tilespmem:s1+$0xA0] =	vst.add.f32.msk $0xffff, v0  }
0x1f5: {  	v0 =	vld [tilespmem:s0+$0x19C90]  }
0x1f6: {  	s0 =	sadd.s32 $0x1, s7  }
0x1f7: {  	s7 =	sadd.s32 $0xFFFFFF39, s7;
	p0 =	sgt.s32 s0, $0xC7  }
0x1f8: {  	s0 =	smov.u32 @p0 s7  }
0x1f9: {  	s7 =	sshll.u32 s0, $0x7  }
0x1fa: {  	s7 =	sshra.s32 s7, $0x2;
	[tilespmem:s1+$0xB0] =	vst.add.f32.msk $0xffff, v0  }
0x1fb: {  	v0 =	vld [tilespmem:s7+$0x19C80];
	_ =	sdelay $0x4  }
0x1fc: {  	[tilespmem:s1+$0xC0] =	vst.add.f32.msk $0xffff, v0  }
0x1fd: {  	v0 =	vld [tilespmem:s7+$0x19C90]  }
0x1fe: {  	s7 =	sadd.s32 $0x1, s0  }
0x1ff: {  	s0 =	sadd.s32 $0xFFFFFF39, s0;
	p0 =	sgt.s32 s7, $0xC7  }
0x200: {  	s7 =	smov.u32 @p0 s0  }
0x201: {  	s0 =	sshll.u32 s7, $0x7  }
0x202: {  	s8 =	sshra.s32 s0, $0x2;
	[tilespmem:s1+$0xD0] =	vst.add.f32.msk $0xffff, v0  }
0x203: {  	v0 =	vld [tilespmem:s8+$0x19C80];
	_ =	sdelay $0x4  }
0x204: {  	[tilespmem:s1+$0xE0] =	vst.add.f32.msk $0xffff, v0  }
0x205: {  	v0 =	vld [tilespmem:s8+$0x19C90]  }
0x206: {  	s7 =	sadd.s32 $0x1, s7  }
0x207: {  	p0 =	sgt.s32 s7, $0xC7;
	s0 =	sadd.s32 $0xFFFFFF38, s7  }
0x208: {  	s10 =	simm.s32 $0x8;
	s7 =	smov.u32 @p0 s0;
	s0 =	simm.s32 $0xD580  }
0x209: {  	s9 =	sshll.u32 s7, $0x7;
	s8 =	sadd.s32 $0x1, s7;
	s7 =	sadd.s32 $0xFFFFFF39, s7  }
.LBB2_7:
0x20a: {  	s10 =	sadd.s32 $0x8, s10;
	s9 =	sshra.s32 s9, $0x2;
	p1 =	sgt.s32 s8, $0xC7;
	[tilespmem:s1+$0xF0] =	vst.add.f32.msk $0xffff, v0  }
0x20b: {  	s1 =	smov.u32 s0;
	p0 =	slt.u32 s10, $0x638;
	v0 =	vld [tilespmem:s9+$0x19C80];
	s8 =	smov.u32 @p1 s7  }
0x20c: {  	s7 =	sshll.u32 s8, $0x7;
	s14 =	sadd.s32 $0x1, s8  }
0x20d: {  	s8 =	sadd.s32 $0xFFFFFF39, s8;
	s7 =	sshra.s32 s7, $0x2;
	p1 =	sgt.s32 s14, $0xC7  }
0x20e: {  	s14 =	smov.u32 @p1 s8  }
0x20f: {  	s16 =	sshll.u32 s14, $0x7;
	s8 =	sadd.s32 $0x1, s14  }
0x210: {  	s14 =	sadd.s32 $0xFFFFFF39, s14;
	[tilespmem:s0+$0x0] =	vst.add.f32.msk $0xffff, v0;
	p1 =	sgt.s32 s8, $0xC7  }
0x211: {  	v0 =	vld [tilespmem:s9+$0x19C90];
	s8 =	smov.u32 @p1 s14  }
0x212: {  	s17 =	sshll.u32 s8, $0x7;
	s15 =	sadd.s32 $0x1, s8  }
0x213: {  	s8 =	sadd.s32 $0xFFFFFF39, s8;
	p1 =	sgt.s32 s15, $0xC7  }
0x214: {  	s15 =	smov.u32 @p1 s8  }
0x215: {  	s8 =	sadd.s32 $0x1, s15  }
0x216: {  	s9 =	sadd.s32 $0xFFFFFF39, s15;
	[tilespmem:s0+$0x10] =	vst.add.f32.msk $0xffff, v0;
	p1 =	sgt.s32 s8, $0xC7  }
0x217: {  	v0 =	vld [tilespmem:s7+$0x19C80];
	s8 =	smov.u32 @p1 s9  }
0x218: {  	s14 =	sshll.u32 s8, $0x7;
	s18 =	sadd.s32 $0x1, s8  }
0x219: {  	s8 =	sadd.s32 $0xFFFFFF39, s8;
	p1 =	sgt.s32 s18, $0xC7  }
0x21a: {  	s18 =	smov.u32 @p1 s8  }
0x21b: {  	s9 =	sshll.u32 s18, $0x7;
	s19 =	sadd.s32 $0x1, s18  }
0x21c: {  	s8 =	sadd.s32 $0xFFFFFF39, s18;
	[tilespmem:s0+$0x20] =	vst.add.f32.msk $0xffff, v0;
	p1 =	sgt.s32 s19, $0xC7  }
0x21d: {  	v0 =	vld [tilespmem:s7+$0x19C90];
	s19 =	smov.u32 @p1 s8  }
0x21e: {  	s8 =	sshll.u32 s19, $0x7;
	s7 =	sadd.s32 $0x1, s19;
	_ =	sdelay $0x3  }
0x21f: {  	s16 =	sshra.s32 s16, $0x2;
	[tilespmem:s0+$0x30] =	vst.add.f32.msk $0xffff, v0  }
0x220: {  	v0 =	vld [tilespmem:s16+$0x19C80];
	_ =	sdelay $0x4  }
0x221: {  	[tilespmem:s0+$0x40] =	vst.add.f32.msk $0xffff, v0  }
0x222: {  	v0 =	vld [tilespmem:s16+$0x19C90];
	_ =	sdelay $0x4  }
0x223: {  	s16 =	sshra.s32 s17, $0x2;
	[tilespmem:s0+$0x50] =	vst.add.f32.msk $0xffff, v0  }
0x224: {  	v0 =	vld [tilespmem:s16+$0x19C80];
	_ =	sdelay $0x4  }
0x225: {  	[tilespmem:s0+$0x60] =	vst.add.f32.msk $0xffff, v0  }
0x226: {  	v0 =	vld [tilespmem:s16+$0x19C90];
	_ =	sdelay $0x3  }
0x227: {  	s15 =	sshll.u32 s15, $0x7  }
0x228: {  	s15 =	sshra.s32 s15, $0x2;
	[tilespmem:s0+$0x70] =	vst.add.f32.msk $0xffff, v0  }
0x229: {  	v0 =	vld [tilespmem:s15+$0x19C80];
	_ =	sdelay $0x4  }
0x22a: {  	[tilespmem:s0+$0x80] =	vst.add.f32.msk $0xffff, v0  }
0x22b: {  	v0 =	vld [tilespmem:s15+$0x19C90];
	_ =	sdelay $0x4  }
0x22c: {  	s14 =	sshra.s32 s14, $0x2;
	[tilespmem:s0+$0x90] =	vst.add.f32.msk $0xffff, v0  }
0x22d: {  	v0 =	vld [tilespmem:s14+$0x19C80];
	_ =	sdelay $0x4  }
0x22e: {  	[tilespmem:s0+$0xA0] =	vst.add.f32.msk $0xffff, v0  }
0x22f: {  	v0 =	vld [tilespmem:s14+$0x19C90];
	_ =	sdelay $0x4  }
0x230: {  	s9 =	sshra.s32 s9, $0x2;
	[tilespmem:s0+$0xB0] =	vst.add.f32.msk $0xffff, v0  }
0x231: {  	v0 =	vld [tilespmem:s9+$0x19C80];
	_ =	sdelay $0x4  }
0x232: {  	[tilespmem:s0+$0xC0] =	vst.add.f32.msk $0xffff, v0  }
0x233: {  	v0 =	vld [tilespmem:s9+$0x19C90];
	_ =	sdelay $0x4  }
0x234: {  	s8 =	sshra.s32 s8, $0x2;
	[tilespmem:s0+$0xD0] =	vst.add.f32.msk $0xffff, v0  }
0x235: {  	v0 =	vld [tilespmem:s8+$0x19C80];
	_ =	sdelay $0x4  }
0x236: {  	[tilespmem:s0+$0xE0] =	vst.add.f32.msk $0xffff, v0  }
.Ltmp2:
0x237: {  	v0 =	vld [tilespmem:s8+$0x19C90];
	(pc) =	sbr.rel @p0 .LBB2_7-.Ltmp2, $4  }
0x238: {  	_ = 	snop  }
0x239: {  	p1 =	sgt.s32 s7, $0xC7;
	s8 =	sadd.s32 $0xFFFFFF38, s7  }
0x23a: {  	s0 =	sadd.s32 $0x100, s0;
	s7 =	smov.u32 @p1 s8  }
0x23b: {  	s9 =	sshll.u32 s7, $0x7;
	s8 =	sadd.s32 $0x1, s7;
	s7 =	sadd.s32 $0xFFFFFF39, s7  }
0x23c: {  	s9 =	sshra.s32 s9, $0x2;
	[tilespmem:s1+$0xF0] =	vst.add.f32.msk $0xffff, v0  }
0x23d: {  	v0 =	vld [tilespmem:s9+$0x19C80];
	_ =	sdelay $0x4  }
0x23e: {  	[tilespmem:s0+$0x0] =	vst.add.f32.msk $0xffff, v0  }
0x23f: {  	v0 =	vld [tilespmem:s9+$0x19C90];
	_ =	sdelay $0x1  }
0x240: {  	p0 =	sgt.s32 s8, $0xC7  }
0x241: {  	s8 =	smov.u32 @p0 s7  }
0x242: {  	s18 =	sshll.u32 s8, $0x7  }
0x243: {  	s1 =	sshra.s32 s18, $0x2;
	[tilespmem:s0+$0x10] =	vst.add.f32.msk $0xffff, v0  }
0x244: {  	v0 =	vld [tilespmem:s1+$0x19C80];
	_ =	sdelay $0x4  }
0x245: {  	[tilespmem:s0+$0x20] =	vst.add.f32.msk $0xffff, v0  }
0x246: {  	v0 =	vld [tilespmem:s1+$0x19C90]  }
0x247: {  	s1 =	sadd.s32 $0x1, s8  }
0x248: {  	s7 =	sadd.s32 $0xFFFFFF39, s8;
	p0 =	sgt.s32 s1, $0xC7  }
0x249: {  	s1 =	smov.u32 @p0 s7  }
0x24a: {  	s7 =	sshll.u32 s1, $0x7  }
0x24b: {  	s7 =	sshra.s32 s7, $0x2;
	[tilespmem:s0+$0x30] =	vst.add.f32.msk $0xffff, v0  }
0x24c: {  	v0 =	vld [tilespmem:s7+$0x19C80];
	_ =	sdelay $0x4  }
0x24d: {  	[tilespmem:s0+$0x40] =	vst.add.f32.msk $0xffff, v0  }
0x24e: {  	v0 =	vld [tilespmem:s7+$0x19C90]  }
0x24f: {  	s7 =	sadd.s32 $0x1, s1  }
0x250: {  	s1 =	sadd.s32 $0xFFFFFF39, s1;
	p0 =	sgt.s32 s7, $0xC7  }
0x251: {  	s7 =	smov.u32 @p0 s1  }
0x252: {  	s1 =	sshll.u32 s7, $0x7  }
0x253: {  	s1 =	sshra.s32 s1, $0x2;
	[tilespmem:s0+$0x50] =	vst.add.f32.msk $0xffff, v0  }
0x254: {  	v0 =	vld [tilespmem:s1+$0x19C80];
	_ =	sdelay $0x4  }
0x255: {  	[tilespmem:s0+$0x60] =	vst.add.f32.msk $0xffff, v0  }
0x256: {  	v0 =	vld [tilespmem:s1+$0x19C90]  }
0x257: {  	s1 =	sadd.s32 $0x1, s7  }
0x258: {  	s7 =	sadd.s32 $0xFFFFFF39, s7;
	p0 =	sgt.s32 s1, $0xC7  }
0x259: {  	s1 =	smov.u32 @p0 s7  }
0x25a: {  	s7 =	sshll.u32 s1, $0x7  }
0x25b: {  	s7 =	sshra.s32 s7, $0x2;
	[tilespmem:s0+$0x70] =	vst.add.f32.msk $0xffff, v0  }
0x25c: {  	v0 =	vld [tilespmem:s7+$0x19C80];
	_ =	sdelay $0x4  }
0x25d: {  	[tilespmem:s0+$0x80] =	vst.add.f32.msk $0xffff, v0  }
0x25e: {  	v0 =	vld [tilespmem:s7+$0x19C90]  }
0x25f: {  	s7 =	sadd.s32 $0x1, s1  }
0x260: {  	s1 =	sadd.s32 $0xFFFFFF39, s1;
	p0 =	sgt.s32 s7, $0xC7  }
0x261: {  	s7 =	smov.u32 @p0 s1  }
0x262: {  	s1 =	sshll.u32 s7, $0x7  }
0x263: {  	s1 =	sshra.s32 s1, $0x2;
	[tilespmem:s0+$0x90] =	vst.add.f32.msk $0xffff, v0  }
0x264: {  	v0 =	vld [tilespmem:s1+$0x19C80];
	_ =	sdelay $0x4  }
0x265: {  	[tilespmem:s0+$0xA0] =	vst.add.f32.msk $0xffff, v0  }
0x266: {  	v0 =	vld [tilespmem:s1+$0x19C90]  }
0x267: {  	s1 =	sadd.s32 $0x1, s7  }
0x268: {  	s7 =	sadd.s32 $0xFFFFFF39, s7;
	p0 =	sgt.s32 s1, $0xC7  }
0x269: {  	s1 =	smov.u32 @p0 s7  }
0x26a: {  	s7 =	sshll.u32 s1, $0x7  }
0x26b: {  	s7 =	sshra.s32 s7, $0x2;
	[tilespmem:s0+$0xB0] =	vst.add.f32.msk $0xffff, v0  }
0x26c: {  	v0 =	vld [tilespmem:s7+$0x19C80];
	_ =	sdelay $0x4  }
0x26d: {  	[tilespmem:s0+$0xC0] =	vst.add.f32.msk $0xffff, v0  }
0x26e: {  	v0 =	vld [tilespmem:s7+$0x19C90]  }
0x26f: {  	s7 =	sadd.s32 $0x1, s1  }
0x270: {  	s1 =	sadd.s32 $0xFFFFFF39, s1;
	p0 =	sgt.s32 s7, $0xC7  }
0x271: {  	s7 =	smov.u32 @p0 s1  }
0x272: {  	s1 =	sshll.u32 s7, $0x7  }
0x273: {  	s1 =	sshra.s32 s1, $0x2;
	[tilespmem:s0+$0xD0] =	vst.add.f32.msk $0xffff, v0  }
0x274: {  	v0 =	vld [tilespmem:s1+$0x19C80];
	_ =	sdelay $0x4  }
0x275: {  	[tilespmem:s0+$0xE0] =	vst.add.f32.msk $0xffff, v0  }
0x276: {  	s28 =	sadd.s32 $0x1, s28;
	v0 =	vld [tilespmem:s1+$0x19C90]  }
0x277: {  	p0 =	sne.s32 s28, $0x8  }
.Ltmp3:
0x278: {  	_ = 	snop;
	(pc) =	sbr.rel @p0 .LBB2_2-.Ltmp3, $3  }
0x279: {  	s19 =	smul.u32 $0x1900, s31;
	_ =	sdelay $0x1  }
0x27a: {  	s31 =	sadd.s32 s2, s19;
	[tilespmem:s0+$0xF0] =	vst.add.f32.msk $0xffff, v0  }
0x27b: {  	[hbm4b:s31+s3] =	stream.linear.scatter [tilespmem:s30], [sflag:$0x4], $0xC800, $0x38;
	[tilespmem:$0x1B580] =	vst v63  }
0x27c: {  	_ =	swait.ge [sflag:s26], $0xC800  }
0x27d: {  	[sflag:s26] =	ssyncset.done $0x0  }
0x27e: {  	s1 =	simm.s32 $0x4;
	[sflag:s26] =	ssyncadd.s32 $0xFFFF3800  }
0x27f: {  	_ =	swait.ge [sflag:s1], $0xC800  }
0x280: {  	s7 =	rddreg [dreg:$0x6]  }
0x281: {  	s0 =	rddreg [dreg:$0x5];
	s7 =	sadd.s32 $0x1, s7  }
0x282: {  	p0 =	sne.s32 s7, s0  }
.Ltmp4:
0x283: {  	_ = 	snop;
	(pc) =	sbr.rel @p0 .LBB2_1-.Ltmp4, $3  }
0x284: {  	_ =	sdelay $0x1  }
0x285: {  	[sflag:s1] =	ssyncset.done $0x0  }
0x286: {  	[sflag:s1] =	ssyncadd.s32 $0xFFFF3800  }
0x287: {  	_ =	sfence.sel $0x180000  }
0x288: {  	[bflag:$0x0] =	sbarrier.arrive $0xFFFF  }
0x289: {  	_ =	strace $0x90000047  }
0x28a: {  	s0 =	stileid.u32;
	[bflag:$0x2] =	sbarrier.arrive $0xFFFF  }
0x28b: {  	p0 =	sne.s32 s0, $0x0;
	s0 =	rddreg [dreg:$0x2]  }
0x28c: {  	s0 =	sadd.s32 @!p0 $0x100000, s0  }
0x28d: {  	[sflag:s0] =	ssyncadd.tile.s32 @!p0 $0x1;
	_ =	shalt  }
.Lfunc_end2:
_tile_overlayer_lowered:
.L_overlay_start_2:
0x28e: {  	(tag) =	ssettag $0x2  }
0x28f: {  	s0 =	rddreg [dreg:$0x0];
	s2 =	stileid.u32  }
0x290: {  	s1 =	rddreg [dreg:$0x1];
	p0 =	sne.s32 s2, $0x0  }
0x291: {  	s3 =	rddreg [dreg:$0x2];
	[bflag:$0x3] =	sbarrier.arrive $0xFFFF;
	s2 =	simm.s32 @!p0 $0x1C05  }
0x292: {  	[timem:s3], [sflag:s2] =	dma.local @!p0 [hbm:s0], s1  }
0x293: {  	s0 =	simm.s32 @!p0 $0x5  }
0x294: {  	_ =	swait.ge @!p0 [sflag:s0], s1  }
0x295: {  	s1 =	ssub.s32 @!p0 $0x0, s1;
	[sflag:s0] =	ssyncset.done @!p0 $0x0  }
0x296: {  	[sflag:s0] =	ssyncadd.s32 @!p0 s1  }
0x297: {  	[bflag:$0x3] =	sbarrier.arrive $0xFFFF  }
0x298: {  	_ =	shalt  }

// kernel: sparse-core-data-format-call.cloned.1.call-start
scs
called_computation_lowered:
.L_overlay_start_0:
0x0: {  	s2 =	sld [smem:$0x3FD9]  }
0x1: {  	s3 =	sld [smem:$0x3FFE];
	_ =	sdelay $0x1  }
0x2: {  	s1 =	srdreg.scid  }
0x3: {  	s0 =	sand.u32 $0x1, s1  }
0x4: {  	s18 =	sshll.u32 s0, $0xA;
	s2 =	sadd.s32 s3, s2  }
0x5: {  	s2 =	sadd.s32 s2, s18  }
0x6: {  	[smem:$0x3FC5] =	sst s2  }
0x7: {  	_ = 	snop  }
0x8: {  	s2 =	sld [smem:$0x3FD0];
	(tm) =	ssettm $0x1  }
0x9: {  	s19 =	sld [smem:$0x3FFB];
	_ =	sdelay $0x3  }
0xa: {  	_ =	strace s19  }
0xb: {  	s3 =	sld [smem:$0x3FFC];
	_ =	sdelay $0x3  }
0xc: {  	_ =	strace s3  }
0xd: {  	s3 =	sld [smem:$0x3FFD];
	_ =	sdelay $0x3  }
0xe: {  	_ =	strace s3  }
0xf: {  	_ =	strace $0x8FFFFFFF  }
0x10: {  	s20 =	sld [smem:$0x3FDB];
	_ =	sdelay $0x1  }
0x11: {  	s4 =	simm.s32 $_scs_section_size  }
0x12: {  	s5 =	simm.s32 $_size__tile_overlayer_lowered;
	s6 =	simm.s32 $_tile_overlayer_lowered  }
0x13: {  	s23 =	simm.s32 $0x1BFF;
	s22 =	sshll.u32 s6, $0x1;
	s3 =	sadd.s32 s4, s20  }
0x14: {  	s7 =	simm.s32 $0x0;
	s21 =	sshll.u32 s5, $0x1;
	s5 =	sadd.s32 s22, s3  }
0x15: {  	[timem:s7], [sflag:s23] =	dma.local [hbm:s5], s21  }
0x16: {  	_ =	swait.ge [sflag:s23], s21  }
0x17: {  	s4 =	ssub.s32 $0x0, s21;
	[sflag:s23] =	ssyncset.done $0x0  }
0x18: {  	[sflag:s23] =	ssyncadd.s32 s4;
	_ =	sdelay $0x1  }
0x19: {  	s24 =	simm.s32 $0x1B8B  }
0x1a: {  	_ =	swait.ge [sflag:s24], $0x1  }
0x1b: {  	[sflag:s24] =	ssyncset.done $0x0  }
0x1c: {  	s26 =	simm.s32 $0x1B8E;
	s25 =	sld [smem:$0x3FFE];
	[sflag:s24] =	ssyncadd.s32 $0xFFFFFFFF  }
0x1d: {  	s27 =	simm.s32 $execute0_lowered;
	[smem:$0x3FD2] =	sst s26  }
0x1e: {  	s5 =	sshll.u32 s27, $0x1;
	_ =	strace $0x80000049;
	[dreg:$0x1] =	wrdreg $0xFFFFFFFF  }
0x1f: {  	s28 =	simm.s32 $_size_execute0_lowered;
	s3 =	sadd.s32 s3, s5;
	[dreg:$0x0] =	wrdreg $0x0  }
0x20: {  	s5 =	sshll.u32 s28, $0x1;
	[dreg:$0x2] =	wrdreg s3  }
0x21: {  	[dreg:$0x3] =	wrdreg s5  }
0x22: {  	[dreg:$0x4] =	wrdreg $0xC0  }
0x23: {  	_ =	task [dreg:s7], $0x5FFFF  }
0x24: {  	[dreg:$0x1] =	wrdreg $0xFFFFFFFF  }
0x25: {  	[dreg:$0x0] =	wrdreg $0x60  }
0x26: {  	[dreg:$0x2] =	wrdreg s25  }
0x27: {  	[dreg:$0x3] =	wrdreg s2  }
0x28: {  	[dreg:$0x4] =	wrdreg $0x9  }
0x29: {  	_ =	task.clear_ibuf [dreg:s7], $0x5FFFF;
	_ =	strace $0x90000049  }
0x2a: {  	s29 =	simm.s32 $0x9;
	_ =	strace $0x8000004B  }
0x2b: {  	_ =	swait.ge [sflag:s29], $0x1  }
0x2c: {  	[sflag:s29] =	ssyncadd.s32 $0xFFFFFFFF  }
0x2d: {  	_ =	strace $0x9000004B  }
0x2e: {  	_ =	sfence  }
0x2f: {  	s30 =	sld [smem:$0x0];
	_ =	sdelay $0x2  }
0x30: {  	s31 =	sshll.u32 s1, $0xD;
	s1 =	sshrl.u32 s1, $0x2  }
0x31: {  	s3 =	sand.u32 $0x4000, s31;
	s1 =	sadd.s32 s1, s30  }
0x32: {  	s0 =	sor.u32 s3, s0;
	s1 =	sshll.u32 s1, $0x11  }
0x33: {  	s0 =	sor.u32 s1, s0  }
0x34: {  	s0 =	sadd.s32 $0x8F2B, s0  }
0x35: {  	[sflag:s0] =	ssyncadd.remote.s32 $0x1  }
0x36: {  	_ =	sfence.sel $0xFFFF  }
0x37: {  	[dreg:$0x0] =	wrdreg $0xFFFFFFFF;
	(pc) =	sbr.abs _section_cstart, $3  }
0x38: {  	[dreg:$0x1] =	wrdreg $0xFFFFFFFF  }
0x39: {  	_ =	task.clear_ibuf [dreg:s7], $0x2FFFF;
	_ =	strace $0x9FFFFFFF  }
0x3a: {  	(tm) =	ssettm $0x7FFFFFFF  }
0x3b: {  	_ =	shalt  }
tec
execute0_lowered:
.L_overlay_start_1:
0x0: {  	(tag) =	ssettag $0x1  }
0x1: {  	s0 =	srdreg.scid  }
0x2: {  	s1 =	sshll.u32 s0, $0x4  }
0x3: {  	s0 =	stileid.u32;
	s1 =	sand.u32 $0x10, s1  }
0x4: {  	s1 =	sor.u32 s0, s1  }
0x5: {  	s6 =	rddreg [dreg:$0x0];
	s4 =	simm.s32 $0x1;
	s2 =	sshll.u32 s1, $0x7  }
0x6: {  	s7 =	simm.s32 $0x2;
	s12 =	simm.s32 $0x0;
	s1 =	ssub.s32 $0x1000, s2  }
0x7: {  	s8 =	simm.s32 $0x8000;
	s13 =	simm.s32 $0x0;
	s3 =	sand.u32 $0xF80, s1  }
0x8: {  	s9 =	simm.s32 $0x0;
	s5 =	sshrl.u32 s1, $0xC;
	p0 =	sne.s32 s3, $0x0  }
.Ltmp0:
0x9: {  	s1 =	rddreg [dreg:$0x2];
	s4 =	simm.s32 @!p0 $0x0;
	(pc) =	sbr.rel .LBB1_1-.Ltmp0, $4  }
0xa: {  	s11 =	simm.s32 $0x0;
	s3 =	rddreg [dreg:$0x1];
	s5 =	sadd.s32 s4, s5  }
0xb: {  	_ =	strace $0x8000004A;
	s4 =	simm.s32 $0x1;
	s5 =	smul.u32 $0xC8, s5  }
0xc: {  	s6 =	sadd.s32 $0xC00, s6;
	s10 =	smov.u32 s2;
	[sflag:s4] =	ssyncpa.u1 $0x0  }
0xd: {  	p0 =	por $0x0, $0x0;
	[sflag:s7] =	ssyncpa.u1 $0x0;
	s7 =	sor.u32 $0x1, s5  }
.LBB1_4:
0xe: {  	s16 =	sshll.u32 s13, $0x3;
	s17 =	sand.u32 $0x78, s13  }
0xf: {  	s30 =	sand.u32 $0x3E00, s13;
	s12 =	sshll.u32 s12, $0xE;
	s16 =	sand.u32 $0xC00, s16  }
0x10: {  	s31 =	sand.u32 $0x7, s13;
	s16 =	sor.u32 s17, s16;
	s17 =	sadd.s32 s3, s30  }
0x11: {  	s13 =	sshll.u32 s31, $0x12;
	s16 =	sshrl.u32 s16, $0x3;
	s12 =	sadd.s32 s12, s17  }
0x12: {  	[tilespmem:s15+$0x0 ss:$0x81] =	vst.msk $0xffff, v0;
	s13 =	sor.u32 $0x400, s13;
	s12 =	sadd.s32 s16, s12  }
0x13: {  	[hbm4b:s12+s13] =	stream.strided.scatter [tilespmem:s14], [sflag:$0x2], $0x1000, s8, s13, $0x20;
	[tilespmem:$0x4040] =	vst v63  }
.LBB1_5:
0x14: {  	s14 =	sadd.s32 $0x1, s9  }
0x15: {  	s12 =	sadd.s32 $0x1000, s10;
	s16 =	smov.u32 s10;
	p2 =	sgt.s32 s14, $0xC7  }
0x16: {  	s16 =	smov.u32 @p2 s12  }
0x17: {  	s14 =	simm.s32 @p2 $0x0;
	p2 =	sgt.s32 s16, $0xFFF  }
0x18: {  	s16 =	smov.u32 @p2 s2;
	p2 =	sne.s32 s11, s7  }
.Ltmp1:
0x19: {  	p1 =	slt.u32 s11, $0x2;
	(pc) =	sbr.rel @!p2 .LBB1_6-.Ltmp1, $4  }
0x1a: {  	s15 =	simm.s32 @!p1 $0x2  }
0x1b: {  	s13 =	smov.u32 s10;
	p0 =	por !p0, !p0;
	_ =	swait.ge @!p1 [sflag:s15], $0x1000  }
0x1c: {  	s12 =	smov.u32 s9;
	[sflag:s15] =	ssyncset.done @!p1 $0x0;
	s9 =	smov.u32 s14  }
0x1d: {  	s11 =	sadd.s32 $0x1, s11;
	[sflag:s15] =	ssyncadd.s32 @!p1 $0xFFFFF000;
	s10 =	smov.u32 s16  }
.LBB1_1:
0x1e: {  	p1 =	sge.u32 s11, s5  }
0x1f: {  	s14 =	sand.u32 @!p1 $0x1FFFFFF, s9  }
0x20: {  	s15 =	smulhi.u32 @!p1 $0x147AE15, s14;
	_ =	sdelay $0x1  }
0x21: {  	s15 =	smul.u32 @!p1 $0xC8, s15  }
0x22: {  	s16 =	sxor.u32 @!p1 $0xFFFFFFFF, s11;
	s17 =	smul.u32 @!p1 $0xC80, s10  }
0x23: {  	s31 =	sadd.s32 $0xFFFFFFFF, s11;
	s16 =	sshll.u32 @!p1 s16, $0xC;
	s14 =	ssub.s32 @!p1 s14, s15  }
0x24: {  	s15 =	sand.u32 @!p1 $0x1000, s16;
	s16 =	sadd.s32 @!p1 s6, s17;
	s14 =	sshll.u32 @!p1 s14, $0x4  }
0x25: {  	s17 =	simm.s32 @!p1 $0x6400;
	s14 =	sadd.s32 @!p1 s14, s16;
	s16 =	simm.s32 @!p1 $0x20  }
0x26: {  	[tilespmem:s15], [sflag:$0x1] =	stream.strided.gather @!p1 [hbm4b:s14+s16], $0x1000, s17, s16, $0x38;
	[tilespmem:$0x4040] =	vst v63  }
0x27: {  	p1 =	sge.u32 s31, s5  }
.Ltmp2:
0x28: {  	_ = 	snop;
	(pc) =	sbr.rel @p1 .LBB1_5-.Ltmp2, $1  }
0x29: {  	_ =	sdelay $0x3  }
0x2a: {  	s14 =	simm.s32 $0x1  }
0x2b: {  	_ =	swait.ge [sflag:s4], $0x1000;
	s14 =	simm.s32 @!p0 $0x0  }
0x2c: {  	[sflag:s4] =	ssyncset.done $0x0;
	s15 =	sshll.u32 s14, $0xC  }
0x2d: {  	[sflag:s4] =	ssyncadd.s32 $0xFFFFF000;
	s18 =	sor.u32 $0x10, s15  }
0x2e: {  	s14 =	smul.u32 $0x4080, s14;
	v1 =	vld [tilespmem:s18+$0x0]  }
0x2f: {  	s30 =	sand.u32 $0x1, s11;
	v0 =	vld [tilespmem:s18+$0xFFFFFFF0]  }
0x30: {  	s15 =	smul.u32 $0x4080, s30;
	s14 =	sshrl.u32 s14, $0x2  }
0x31: {  	s16 =	sor.u32 $0x2000, s14  }
0x32: {  	s31 =	sshrl.u32 s15, $0x2;
	s15 =	sadd.s32 $0x0, s16  }
0x33: {  	s17 =	simm.s32 $0x4;
	s18 =	sadd.s32 $0x20, s18;
	s14 =	sor.u32 $0x2000, s31;
	[tilespmem:s15+$0x810 ss:$0x81] =	vst.msk $0xffff, v1  }
.LBB1_3:
0x34: {  	v1 =	vld [tilespmem:s18+$0x0];
	p1 =	sne.s32 s17, $0x1FC;
	[tilespmem:s15+$0x0 ss:$0x81] =	vst.msk $0xffff, v0;
	s15 =	smov.u32 s17;
	s17 =	sadd.s32 $0x4, s17  }
.Ltmp3:
0x35: {  	v0 =	vld [tilespmem:s18+$0xFFFFFFF0];
	(pc) =	sbr.rel @p1 .LBB1_3-.Ltmp3, $4  }
0x36: {  	_ = 	snop  }
0x37: {  	s15 =	sshra.s32 s15, $0x2  }
0x38: {  	s15 =	sadd.s32 s15, s16  }
0x39: {  	s18 =	sadd.s32 $0x20, s18;
	[tilespmem:s15+$0x810 ss:$0x81] =	vst.msk $0xffff, v1  }
.Ltmp4:
0x3a: {  	_ = 	snop;
	(pc) =	sbr.rel .LBB1_4-.Ltmp4, $1  }
0x3b: {  	_ =	sdelay $0x3  }
.LBB1_6:
0x3c: {  	_ =	sfence.sel $0x180000  }
0x3d: {  	s2 =	simm.s32 $0x1;
	[bflag:$0x0] =	sbarrier.arrive $0xFFFF  }
0x3e: {  	s31 =	simm.s32 $0x2;
	[sflag:s2] =	ssyncpa.u1 $0x1  }
0x3f: {  	[sflag:s31] =	ssyncpa.u1 $0x1  }
0x40: {  	p0 =	sne.s32 s0, $0x0;
	_ =	strace $0x9000004A  }
0x41: {  	s0 =	sadd.s32 @!p0 $0x100000, s1;
	[bflag:$0x2] =	sbarrier.arrive $0xFFFF  }
0x42: {  	[sflag:s0] =	ssyncadd.tile.s32 @!p0 $0x1;
	_ =	shalt  }
.Lfunc_end1:
_tile_overlayer_lowered:
.L_overlay_start_2:
0x43: {  	(tag) =	ssettag $0x2  }
0x44: {  	s0 =	rddreg [dreg:$0x0];
	s2 =	stileid.u32  }
0x45: {  	s1 =	rddreg [dreg:$0x1];
	p0 =	sne.s32 s2, $0x0  }
0x46: {  	s3 =	rddreg [dreg:$0x2];
	[bflag:$0x3] =	sbarrier.arrive $0xFFFF;
	s2 =	simm.s32 @!p0 $0x1C01  }
0x47: {  	[timem:s3], [sflag:s2] =	dma.local @!p0 [hbm:s0], s1  }
0x48: {  	s0 =	simm.s32 @!p0 $0x1  }
0x49: {  	_ =	swait.ge @!p0 [sflag:s0], s1  }
0x4a: {  	s1 =	ssub.s32 @!p0 $0x0, s1;
	[sflag:s0] =	ssyncset.done @!p0 $0x0  }
0x4b: {  	[sflag:s0] =	ssyncadd.s32 @!p0 s1  }
0x4c: {  	[bflag:$0x3] =	sbarrier.arrive $0xFFFF  }
0x4d: {  	_ =	shalt  }

</sc_bundles>
